<compile_context>
chip_gen: v7x
topology: tpu7x:2x2x1
jax: 0.10.2.dev20260603
libtpu: 0.0.44.dev20260713+nightly
codegen_flags: <defaults>
</compile_context>

<pallas_src>
import functools

import jax
import jax.numpy as jnp
from jax import lax
from jax.experimental import pallas as pl
from jax.experimental.pallas import tpu as pltpu
from jax.experimental.pallas import tpu_sc as plsc

GAMMA = 1.0
LAM = 1.0
RHO = 1.0
N_ADMM = 10
N_JACOBI = 5
N_BISECT = 26

L = 16
U = 4


def _build(B, N, E, interpret=False):
    TPG = 4
    EW = E // TPG
    GPC = B // 2
    NQ = N // TPG

    mesh = plsc.VectorSubcoreMesh(core_axis_name="c", subcore_axis_name="s",
                                  num_cores=2, num_subcores=16)

    @functools.partial(
        pl.kernel,
        out_type=jax.ShapeDtypeStruct((B * N,), jnp.float32),
        mesh=mesh,
        scratch_types=[
            pltpu.VMEM((EW,), jnp.int32),
            pltpu.VMEM((EW,), jnp.int32),
            pltpu.VMEM((EW,), jnp.int32),
            pltpu.VMEM((EW,), jnp.float32),
            pltpu.VMEM((NQ,), jnp.float32),
            pltpu.VMEM((N,), jnp.float32),
            pltpu.VMEM((NQ,), jnp.float32),
            pltpu.VMEM((NQ,), jnp.float32),
            pltpu.VMEM((N,), jnp.float32),
            pltpu.VMEM((N,), jnp.float32),
            pltpu.VMEM((NQ,), jnp.float32),
            pltpu.VMEM((NQ,), jnp.float32),
            pltpu.VMEM((NQ,), jnp.float32),
            pltpu.VMEM((NQ,), jnp.float32),
            pltpu.VMEM((NQ,), jnp.float32),
            pltpu.VMEM_SHARED((2, GPC, TPG, N), jnp.float32),
            pltpu.VMEM_SHARED((GPC, N), jnp.float32),
            pltpu.SemaphoreType.DMA,
        ],
        compiler_params=pltpu.CompilerParams(needs_layout_passes=False),
        interpret=interpret,
    )
    def gfusedmax_kernel(x_hbm, src_hbm, dst_hbm, out_hbm,
                         src_v, dst_v, pk_v, w_v, xq_v, z_v, b_v, invd_v,
                         acc_v, accr_v, t0_v, t1_v, t2_v, t3_v, zq_v,
                         shared, shz, sem):
        c = lax.axis_index("c")
        s = lax.axis_index("s")
        gl = s // TPG
        q = s % TPG
        g = c * GPC + gl

        NCH = N // (L * U)
        zeros = jnp.zeros((L,), jnp.float32)
        ones = jnp.ones((L,), jnp.float32)

        pltpu.sync_copy(x_hbm.at[pl.ds(g * N, N)], z_v)
        pltpu.sync_copy(x_hbm.at[pl.ds(g * N + q * NQ, NQ)], xq_v)
        pltpu.sync_copy(src_hbm.at[pl.ds(g * E + q * EW, EW)], src_v)
        pltpu.sync_copy(dst_hbm.at[pl.ds(g * E + q * EW, EW)], dst_v)

        def zero_buf(buf):
            @plsc.parallel_loop(0, N // L, unroll=U)
            def zbody(i):
                buf[pl.ds(i * L, L)] = zeros

        def combine_quarters(parity, buf):
            pltpu.sync_copy(buf, shared.at[parity, gl, q])
            zero_buf(buf)
            plsc.subcore_barrier()
            ds_q = pl.ds(q * NQ, NQ)
            d0 = pltpu.async_copy(shared.at[parity, gl, q, ds_q], t0_v, sem)
            d1 = pltpu.async_copy(
                shared.at[parity, gl, lax.rem(q + 1, TPG), ds_q], t1_v, sem)
            d2 = pltpu.async_copy(
                shared.at[parity, gl, lax.rem(q + 2, TPG), ds_q], t2_v, sem)
            d3 = pltpu.async_copy(
                shared.at[parity, gl, lax.rem(q + 3, TPG), ds_q], t3_v, sem)
            d0.wait()
            d1.wait()
            d2.wait()
            d3.wait()

        def publish_z():
            pltpu.sync_copy(zq_v, shz.at[gl, pl.ds(q * NQ, NQ)])
            plsc.subcore_barrier()
            pltpu.sync_copy(shz.at[gl], z_v)

        @plsc.parallel_loop(0, EW // L, unroll=U)
        def winit_body(i):
            ds = pl.ds(i * L, L)
            w_v[ds] = zeros
            pk_v[ds] = jnp.bitwise_or(
                src_v[ds], jnp.left_shift(dst_v[ds], 12))

        zero_buf(acc_v)
        zero_buf(accr_v)

        @plsc.parallel_loop(0, EW // L, unroll=U)
        def deg_body(i):
            e = pl.ds(i * L, L)
            plsc.addupdate_scatter(acc_v, [src_v[e]], ones)
            plsc.addupdate_scatter(acc_v, [dst_v[e]], ones)
        combine_quarters(0, acc_v)

        @plsc.parallel_loop(0, NQ // L, unroll=U)
        def invd_body(i):
            ds = pl.ds(i * L, L)
            av = (t0_v[ds] + t1_v[ds]) + (t2_v[ds] + t3_v[ds])
            invd_v[ds] = 1.0 / (1.0 + RHO * av)

        @plsc.parallel_loop(0, EW // L, unroll=U)
        def az0_body(i):
            e = pl.ds(i * L, L)
            pk = pk_v[e]
            sv = jnp.bitwise_and(pk, 0xFFF)
            dv = jnp.right_shift(pk, 12)
            zs = plsc.load_gather(z_v, [sv])
            zd = plsc.load_gather(z_v, [dv])
            plsc.addupdate_scatter(acc_v, [sv], zd)
            plsc.addupdate_scatter(acc_v, [dv], zs)

        def admm_body(it, tt):
            combine_quarters(1, accr_v)

            @plsc.parallel_loop(0, NQ // L, unroll=U)
            def b_body(i):
                ds = pl.ds(i * L, L)
                av = (t0_v[ds] + t1_v[ds]) + (t2_v[ds] + t3_v[ds])
                b_v[ds] = xq_v[ds] + RHO * av

            combine_quarters(0, acc_v)

            @plsc.parallel_loop(0, NQ // L, unroll=U)
            def z0_body(i):
                ds = pl.ds(i * L, L)
                av = (t0_v[ds] + t1_v[ds]) + (t2_v[ds] + t3_v[ds])
                zq_v[ds] = (b_v[ds] + RHO * av) * invd_v[ds]
            publish_z()

            def jac_body(jj, t):
                @plsc.parallel_loop(0, EW // L, unroll=U)
                def az_body(i):
                    e = pl.ds(i * L, L)
                    pk = pk_v[e]
                    sv = jnp.bitwise_and(pk, 0xFFF)
                    dv = jnp.right_shift(pk, 12)
                    zs = plsc.load_gather(z_v, [sv])
                    zd = plsc.load_gather(z_v, [dv])
                    plsc.addupdate_scatter(acc_v, [sv], zd)
                    plsc.addupdate_scatter(acc_v, [dv], zs)
                combine_quarters(lax.rem(jj, 2), acc_v)

                @plsc.parallel_loop(0, NQ // L, unroll=U)
                def z_body(i):
                    ds = pl.ds(i * L, L)
                    av = (t0_v[ds] + t1_v[ds]) + (t2_v[ds] + t3_v[ds])
                    zq_v[ds] = (b_v[ds] + RHO * av) * invd_v[ds]
                publish_z()
                return t
            lax.fori_loop(1, N_JACOBI, jac_body, 0)

            @plsc.parallel_loop(0, EW // L, unroll=U)
            def uw_body(i):
                e = pl.ds(i * L, L)
                pk = pk_v[e]
                sv = jnp.bitwise_and(pk, 0xFFF)
                dv = jnp.right_shift(pk, 12)
                zs = plsc.load_gather(z_v, [sv])
                zd = plsc.load_gather(z_v, [dv])
                tv = (zs - zd) + w_v[e]
                un = tv - jnp.minimum(jnp.maximum(tv, -(LAM / RHO)),
                                      (LAM / RHO))
                wn = tv - un
                w_v[e] = wn
                rv = un - wn
                plsc.addupdate_scatter(accr_v, [sv], rv)
                plsc.addupdate_scatter(accr_v, [dv], -rv)
                plsc.addupdate_scatter(acc_v, [sv], zd)
                plsc.addupdate_scatter(acc_v, [dv], zs)
            return tt
        lax.fori_loop(0, N_ADMM, admm_body, 0)

        inv_gamma = 1.0 / GAMMA

        def max_body(i, mvs):
            return tuple(
                jnp.maximum(mvs[j], z_v[pl.ds((i * U + j) * L, L)] * inv_gamma)
                for j in range(U))
        ninf = jnp.full((L,), -jnp.inf, jnp.float32)
        mvs = lax.fori_loop(0, NCH, max_body, (ninf,) * U)
        zmax = jnp.max(jnp.maximum(jnp.maximum(mvs[0], mvs[1]),
                                   jnp.maximum(mvs[2], mvs[3])))

        def bisect_body(_, carry):
            lo, hi = carry
            tau = 0.5 * (lo + hi)

            def s_body(i, svs):
                return tuple(
                    svs[j] + jnp.maximum(
                        z_v[pl.ds((i * U + j) * L, L)] * inv_gamma - tau, 0.0)
                    for j in range(U))
            svs = lax.fori_loop(0, NCH, s_body, (zeros,) * U)
            stot = jnp.sum((svs[0] + svs[1]) + (svs[2] + svs[3]))
            big = stot >= 1.0
            lo = jnp.where(big, tau, lo)
            hi = jnp.where(big, hi, tau)
            return (lo, hi)
        lo, hi = lax.fori_loop(0, N_BISECT, bisect_body,
                               (zmax - 1.0, zmax))
        tau0 = 0.5 * (lo + hi)

        def ref_body(i, carry):
            saccs, caccs = carry
            zcs = [z_v[pl.ds((i * U + j) * L, L)] * inv_gamma
                   for j in range(U)]
            msks = [zc > tau0 for zc in zcs]
            saccs = tuple(saccs[j] + jnp.where(msks[j], zcs[j], 0.0)
                          for j in range(U))
            caccs = tuple(caccs[j] + jnp.where(msks[j], 1.0, 0.0)
                          for j in range(U))
            return (saccs, caccs)
        svs2, cvs2 = lax.fori_loop(0, NCH, ref_body,
                                   ((zeros,) * U, (zeros,) * U))
        ssum = jnp.sum((svs2[0] + svs2[1]) + (svs2[2] + svs2[3]))
        kcnt = jnp.maximum(jnp.sum((cvs2[0] + cvs2[1]) + (cvs2[2] + cvs2[3])),
                           1.0)
        tau = (jnp.full((L,), ssum - 1.0, jnp.float32)
               / jnp.full((L,), kcnt, jnp.float32))

        @plsc.parallel_loop(0, NQ // L, unroll=U)
        def out_body(i):
            zc = z_v[pl.ds(q * NQ + i * L, L)] * inv_gamma
            zq_v[pl.ds(i * L, L)] = jnp.maximum(zc - tau, 0.0)
        pltpu.sync_copy(zq_v, out_hbm.at[pl.ds(g * N + q * NQ, NQ)])

    return gfusedmax_kernel


def kernel(x, graph_size_list, edge_list):
    B = graph_size_list.shape[0]
    N = x.shape[0] // B
    E = edge_list.shape[1]
    src = edge_list[:, :, 0].reshape(-1)
    dst = edge_list[:, :, 1].reshape(-1)
    return _build(B, N, E)(x, src, dst)

# --- scband reference (transcript-rebuilt; emitter-appended) ---
"""Pipeline reference for scband-gfusedmax-73521250173285 (READ-ONLY COPY).

The authoritative reference and input builder live on the scoring server;
editing this copy changes nothing except your own understanding.
"""

import jax, jax.numpy as jnp
import numpy as np

GAMMA = 1.0
LAM = 1.0
RHO = 1.0
N_ADMM = 10
N_JACOBI = 5


def _soft(v, t):
    return jnp.sign(v) * jnp.maximum(jnp.abs(v) - t, 0.0)


def _gfusedlasso(x, src, dst, lam):
    # Graph fused lasso prox: argmin_z 0.5||z-x||^2 + lam * sum_{(i,j) in E} |z_i - z_j|
    # solved with a fixed-iteration ADMM; the (I + rho*L) z-solve uses Jacobi iterations.
    n = x.shape[0]
    deg = jnp.zeros(n, x.dtype).at[src].add(1.0).at[dst].add(1.0)
    z = x
    u = jnp.zeros(src.shape[0], x.dtype)
    w = jnp.zeros(src.shape[0], x.dtype)
    for _ in range(N_ADMM):
        r = u - w
        b = x + RHO * (jnp.zeros(n, x.dtype).at[src].add(r).at[dst].add(-r))
        for _ in range(N_JACOBI):
            Az = jnp.zeros(n, x.dtype).at[src].add(z[dst]).at[dst].add(z[src])
            z = (b + RHO * Az) / (1.0 + RHO * deg)
        Dz = z[src] - z[dst]
        u = _soft(Dz + w, lam / RHO)
        w = w + Dz - u
    return z


def _sparsemax(z):
    # z: [B, N] -> row-wise sparsemax projection onto the simplex
    zs = -jnp.sort(-z, axis=-1)
    k = jnp.arange(1, z.shape[-1] + 1, dtype=z.dtype)
    cs = jnp.cumsum(zs, axis=-1)
    support = zs * k > (cs - 1.0)
    kz = jnp.sum(support, axis=-1).astype(jnp.int32)
    kz = jnp.maximum(kz, 1)
    tau = (jnp.take_along_axis(cs, (kz - 1)[:, None], axis=-1) - 1.0) / kz.astype(z.dtype)[:, None]
    return jnp.maximum(z - tau, 0.0)


def setup_inputs(seed: int = 0) -> dict:
    key = jax.random.key(seed)
    B, N_PER, DEG = 8, 4096, 16
    E = N_PER * DEG
    k1, k2 = jax.random.split(key)
    x = jax.random.normal(k1, (B * N_PER,), dtype=jnp.float32)
    edge_list = jax.random.randint(k2, (B, E, 2), 0, N_PER, dtype=jnp.int32)
    graph_size_list = jnp.full((B,), N_PER, dtype=jnp.int32)
    return {"x": x, "graph_size_list": graph_size_list, "edge_list": edge_list}


def reference(x, graph_size_list, edge_list):
    B = graph_size_list.shape[0]
    n_per = x.shape[0] // B
    # graphs are disjoint: offset per-graph local edge indices into a single global graph
    offsets = (jnp.arange(B, dtype=edge_list.dtype) * n_per)
    eg = (edge_list + offsets[:, None, None]).reshape(-1, 2)
    src, dst = eg[:, 0], eg[:, 1]
    fused = _gfusedlasso(x, src, dst, LAM)
    out = _sparsemax(fused.reshape(B, n_per) / GAMMA)
    return out.reshape(-1)

if __name__ == "__main__":
    import jax
    _d = setup_inputs()
    print(jax.jit(kernel)(*tuple(_d.values())))

</pallas_src>

<mosaic_0001>
#map = affine_map<(d0, d1) -> (0)>
module attributes {stable_mosaic.version = 14 : i64} {
  func.func @gfusedmax_kernel(%arg0: i32, %arg1: i32, %arg2: memref<32768xf32, #tpu.memory_space<hbm>>, %arg3: memref<524288xi32, #tpu.memory_space<hbm>>, %arg4: memref<524288xi32, #tpu.memory_space<hbm>>, %arg5: memref<32768xf32, #tpu.memory_space<hbm>>, %arg6: memref<16384xi32, #tpu.memory_space<vmem>>, %arg7: memref<16384xi32, #tpu.memory_space<vmem>>, %arg8: memref<16384xi32, #tpu.memory_space<vmem>>, %arg9: memref<16384xf32, #tpu.memory_space<vmem>>, %arg10: memref<1024xf32, #tpu.memory_space<vmem>>, %arg11: memref<4096xf32, #tpu.memory_space<vmem>>, %arg12: memref<1024xf32, #tpu.memory_space<vmem>>, %arg13: memref<1024xf32, #tpu.memory_space<vmem>>, %arg14: memref<4096xf32, #tpu.memory_space<vmem>>, %arg15: memref<4096xf32, #tpu.memory_space<vmem>>, %arg16: memref<1024xf32, #tpu.memory_space<vmem>>, %arg17: memref<1024xf32, #tpu.memory_space<vmem>>, %arg18: memref<1024xf32, #tpu.memory_space<vmem>>, %arg19: memref<1024xf32, #tpu.memory_space<vmem>>, %arg20: memref<1024xf32, #tpu.memory_space<vmem>>, %arg21: memref<2x4x4x4096xf32, #tpu.memory_space<vmem_shared>>, %arg22: memref<4x4096xf32, #tpu.memory_space<vmem_shared>>, %arg23: memref<!tpu.dma_semaphore, #tpu.memory_space<semaphore_mem>>) attributes {dimension_semantics = [#tpu.dimension_semantics<core_parallel>, #tpu.dimension_semantics<subcore_parallel>], iteration_bounds = array<i64: 2, 16>, scalar_prefetch = 0 : i64, scratch_operands = 18 : i64, tpu.core_type = #tpu.core_type<sc_vector_subcore>, window_params = [{transform_indices = #map}, {transform_indices = #map}, {transform_indices = #map}, {transform_indices = #map}]} {
    %jit3A = arith.constant 4 : i32
    %div3A = arith.divsi %arg1, %jit3A : i32
    %sign3A = arith.constant 0 : i32
    %sign3A_0 = arith.cmpi sgt, %arg1, %sign3A : i32
    %sign3A_1 = arith.extui %sign3A_0 : i1 to i32
    %sign3A_2 = arith.constant 0 : i32
    %sign3A_3 = arith.cmpi slt, %arg1, %sign3A_2 : i32
    %sign3A_4 = arith.extui %sign3A_3 : i1 to i32
    %sign3A_5 = arith.subi %sign3A_1, %sign3A_4 : i32
    %sign3A_6 = arith.constant 0 : i32
    %sign3A_7 = arith.cmpi sgt, %jit3A, %sign3A_6 : i32
    %sign3A_8 = arith.extui %sign3A_7 : i1 to i32
    %sign3A_9 = arith.constant 0 : i32
    %sign3A_10 = arith.cmpi slt, %jit3A, %sign3A_9 : i32
    %sign3A_11 = arith.extui %sign3A_10 : i1 to i32
    %sign3A_12 = arith.subi %sign3A_8, %sign3A_11 : i32
    %ne3A = arith.cmpi ne, %sign3A_5, %sign3A_12 : i32
    %rem3A = arith.remsi %arg1, %jit3A : i32
    %ne3A_13 = arith.constant 0 : i32
    %ne3A_14 = arith.cmpi ne, %rem3A, %ne3A_13 : i32
    %and3A = arith.andi %ne3A, %ne3A_14 : i1
    %sub3A = arith.constant 1 : i32
    %sub3A_15 = arith.subi %div3A, %sub3A : i32
    %select_n3A = arith.select %and3A, %sub3A_15, %div3A : i32
    %jit3A_16 = arith.constant 4 : i32
    %eq3A = arith.constant 0 : i32
    %eq3A_17 = arith.cmpi eq, %jit3A_16, %eq3A : i32
    %jit3A_18 = arith.constant 1 : i32
    %select_n3A_19 = arith.select %eq3A_17, %jit3A_18, %jit3A_16 : i32
    %rem3A_20 = arith.remsi %arg1, %select_n3A_19 : i32
    %ne3A_21 = arith.constant 0 : i32
    %ne3A_22 = arith.cmpi ne, %rem3A_20, %ne3A_21 : i32
    %lt3A = arith.constant 0 : i32
    %lt3A_23 = arith.cmpi slt, %rem3A_20, %lt3A : i32
    %lt3A_24 = arith.constant 0 : i32
    %lt3A_25 = arith.cmpi slt, %select_n3A_19, %lt3A_24 : i32
    %ne3A_26 = arith.xori %lt3A_23, %lt3A_25 : i1
    %and3A_27 = arith.andi %ne3A_26, %ne3A_22 : i1
    %add3A = arith.addi %rem3A_20, %select_n3A_19 : i32
    %select_n3A_28 = arith.select %and3A_27, %add3A, %rem3A_20 : i32
    %mul3A = arith.constant 4 : i32
    %mul3A_29 = arith.muli %arg0, %mul3A : i32
    %add3A_30 = arith.addi %mul3A_29, %select_n3A : i32
    %broadcast_in_dim3A = arith.constant 0.000000e+00 : f32
    %broadcast_in_dim3A_31 = vector.broadcast %broadcast_in_dim3A : f32 to vector<16xf32>
    %broadcast_in_dim3A_32 = arith.constant 1.000000e+00 : f32
    %broadcast_in_dim3A_33 = vector.broadcast %broadcast_in_dim3A_32 : f32 to vector<16xf32>
    %mul3A_34 = arith.constant 4096 : i32
    %mul3A_35 = arith.muli %add3A_30, %mul3A_34 : i32
    "tpu.region"() ({
      %run_scoped3A_186 = tpu.sem_alloc : memref<!tpu.dma_semaphore, #tpu.memory_space<semaphore_mem>>
      %dma_start3A_187 = tpu.memref_slice %arg2[%mul3A_35] : memref<32768xf32, #tpu.memory_space<hbm>> -> memref<4096xf32, #tpu.memory_space<hbm>>
      %dma_start3A_188 = tpu.memref_slice %arg2[%mul3A_35] : memref<32768xf32, #tpu.memory_space<hbm>> -> memref<4096xf32, #tpu.memory_space<hbm>>
      tpu.enqueue_dma source(%dma_start3A_188 : memref<4096xf32, #tpu.memory_space<hbm>>) target(%arg11 : memref<4096xf32, #tpu.memory_space<vmem>>) target_semaphore(%run_scoped3A_186 : memref<!tpu.dma_semaphore, #tpu.memory_space<semaphore_mem>>)
      %dma_wait3A_189 = tpu.memref_slice %arg2[%mul3A_35] : memref<32768xf32, #tpu.memory_space<hbm>> -> memref<4096xf32, #tpu.memory_space<hbm>>
      %dma_wait3A_190 = tpu.memref_slice %arg2[%mul3A_35] : memref<32768xf32, #tpu.memory_space<hbm>> -> memref<4096xf32, #tpu.memory_space<hbm>>
      tpu.wait_dma2 semaphore(%run_scoped3A_186 : memref<!tpu.dma_semaphore, #tpu.memory_space<semaphore_mem>>) src(%dma_wait3A_190 : memref<4096xf32, #tpu.memory_space<hbm>>) dst(%arg11 : memref<4096xf32, #tpu.memory_space<vmem>>)
      tpu.yield
    }) : () -> ()
    %mul3A_36 = arith.constant 4096 : i32
    %mul3A_37 = arith.muli %add3A_30, %mul3A_36 : i32
    %mul3A_38 = arith.constant 1024 : i32
    %mul3A_39 = arith.muli %select_n3A_28, %mul3A_38 : i32
    %add3A_40 = arith.addi %mul3A_37, %mul3A_39 : i32
    "tpu.region"() ({
      %run_scoped3A_186 = tpu.sem_alloc : memref<!tpu.dma_semaphore, #tpu.memory_space<semaphore_mem>>
      %dma_start3A_187 = tpu.memref_slice %arg2[%add3A_40] : memref<32768xf32, #tpu.memory_space<hbm>> -> memref<1024xf32, #tpu.memory_space<hbm>>
      %dma_start3A_188 = tpu.memref_slice %arg2[%add3A_40] : memref<32768xf32, #tpu.memory_space<hbm>> -> memref<1024xf32, #tpu.memory_space<hbm>>
      tpu.enqueue_dma source(%dma_start3A_188 : memref<1024xf32, #tpu.memory_space<hbm>>) target(%arg10 : memref<1024xf32, #tpu.memory_space<vmem>>) target_semaphore(%run_scoped3A_186 : memref<!tpu.dma_semaphore, #tpu.memory_space<semaphore_mem>>)
      %dma_wait3A_189 = tpu.memref_slice %arg2[%add3A_40] : memref<32768xf32, #tpu.memory_space<hbm>> -> memref<1024xf32, #tpu.memory_space<hbm>>
      %dma_wait3A_190 = tpu.memref_slice %arg2[%add3A_40] : memref<32768xf32, #tpu.memory_space<hbm>> -> memref<1024xf32, #tpu.memory_space<hbm>>
      tpu.wait_dma2 semaphore(%run_scoped3A_186 : memref<!tpu.dma_semaphore, #tpu.memory_space<semaphore_mem>>) src(%dma_wait3A_190 : memref<1024xf32, #tpu.memory_space<hbm>>) dst(%arg10 : memref<1024xf32, #tpu.memory_space<vmem>>)
      tpu.yield
    }) : () -> ()
    %mul3A_41 = arith.constant 65536 : i32
    %mul3A_42 = arith.muli %add3A_30, %mul3A_41 : i32
    %mul3A_43 = arith.constant 16384 : i32
    %mul3A_44 = arith.muli %select_n3A_28, %mul3A_43 : i32
    %add3A_45 = arith.addi %mul3A_42, %mul3A_44 : i32
    "tpu.region"() ({
      %run_scoped3A_186 = tpu.sem_alloc : memref<!tpu.dma_semaphore, #tpu.memory_space<semaphore_mem>>
      %dma_start3A_187 = tpu.memref_slice %arg3[%add3A_45] : memref<524288xi32, #tpu.memory_space<hbm>> -> memref<16384xi32, #tpu.memory_space<hbm>>
      %dma_start3A_188 = tpu.memref_slice %arg3[%add3A_45] : memref<524288xi32, #tpu.memory_space<hbm>> -> memref<16384xi32, #tpu.memory_space<hbm>>
      tpu.enqueue_dma source(%dma_start3A_188 : memref<16384xi32, #tpu.memory_space<hbm>>) target(%arg6 : memref<16384xi32, #tpu.memory_space<vmem>>) target_semaphore(%run_scoped3A_186 : memref<!tpu.dma_semaphore, #tpu.memory_space<semaphore_mem>>)
      %dma_wait3A_189 = tpu.memref_slice %arg3[%add3A_45] : memref<524288xi32, #tpu.memory_space<hbm>> -> memref<16384xi32, #tpu.memory_space<hbm>>
      %dma_wait3A_190 = tpu.memref_slice %arg3[%add3A_45] : memref<524288xi32, #tpu.memory_space<hbm>> -> memref<16384xi32, #tpu.memory_space<hbm>>
      tpu.wait_dma2 semaphore(%run_scoped3A_186 : memref<!tpu.dma_semaphore, #tpu.memory_space<semaphore_mem>>) src(%dma_wait3A_190 : memref<16384xi32, #tpu.memory_space<hbm>>) dst(%arg6 : memref<16384xi32, #tpu.memory_space<vmem>>)
      tpu.yield
    }) : () -> ()
    %mul3A_46 = arith.constant 65536 : i32
    %mul3A_47 = arith.muli %add3A_30, %mul3A_46 : i32
    %mul3A_48 = arith.constant 16384 : i32
    %mul3A_49 = arith.muli %select_n3A_28, %mul3A_48 : i32
    %add3A_50 = arith.addi %mul3A_47, %mul3A_49 : i32
    "tpu.region"() ({
      %run_scoped3A_186 = tpu.sem_alloc : memref<!tpu.dma_semaphore, #tpu.memory_space<semaphore_mem>>
      %dma_start3A_187 = tpu.memref_slice %arg4[%add3A_50] : memref<524288xi32, #tpu.memory_space<hbm>> -> memref<16384xi32, #tpu.memory_space<hbm>>
      %dma_start3A_188 = tpu.memref_slice %arg4[%add3A_50] : memref<524288xi32, #tpu.memory_space<hbm>> -> memref<16384xi32, #tpu.memory_space<hbm>>
      tpu.enqueue_dma source(%dma_start3A_188 : memref<16384xi32, #tpu.memory_space<hbm>>) target(%arg7 : memref<16384xi32, #tpu.memory_space<vmem>>) target_semaphore(%run_scoped3A_186 : memref<!tpu.dma_semaphore, #tpu.memory_space<semaphore_mem>>)
      %dma_wait3A_189 = tpu.memref_slice %arg4[%add3A_50] : memref<524288xi32, #tpu.memory_space<hbm>> -> memref<16384xi32, #tpu.memory_space<hbm>>
      %dma_wait3A_190 = tpu.memref_slice %arg4[%add3A_50] : memref<524288xi32, #tpu.memory_space<hbm>> -> memref<16384xi32, #tpu.memory_space<hbm>>
      tpu.wait_dma2 semaphore(%run_scoped3A_186 : memref<!tpu.dma_semaphore, #tpu.memory_space<semaphore_mem>>) src(%dma_wait3A_190 : memref<16384xi32, #tpu.memory_space<hbm>>) dst(%arg7 : memref<16384xi32, #tpu.memory_space<vmem>>)
      tpu.yield
    }) : () -> ()
    %parallel_loop3A = arith.constant 0 : i32
    %parallel_loop3A_51 = arith.constant 1024 : i32
    %parallel_loop3A_52 = arith.constant 1 : i32
    scf.for %parallel_loop3A_186 = %parallel_loop3A to %parallel_loop3A_51 step %parallel_loop3A_52  : i32 {
      %parallel_loop3A_187 = arith.constant 16 : i32
      %parallel_loop3A_188 = arith.muli %parallel_loop3A_186, %parallel_loop3A_187 : i32
      %parallel_loop3A_189 = arith.index_cast %parallel_loop3A_188 : i32 to index
      %parallel_loop3A_190 = tpu.vector_load %arg9[%parallel_loop3A_189] {strides = array<i32>} : memref<16384xf32, #tpu.memory_space<vmem>>, vector<16xf32>,
      tpu.vector_store %arg9[%parallel_loop3A_189], %broadcast_in_dim3A_31 {strides = array<i32>} : memref<16384xf32, #tpu.memory_space<vmem>>, vector<16xf32>,
      %parallel_loop3A_191 = arith.index_cast %parallel_loop3A_188 : i32 to index
      %parallel_loop3A_192 = tpu.vector_load %arg6[%parallel_loop3A_191] {strides = array<i32>} : memref<16384xi32, #tpu.memory_space<vmem>>, vector<16xi32>,
      %parallel_loop3A_193 = arith.index_cast %parallel_loop3A_188 : i32 to index
      %parallel_loop3A_194 = tpu.vector_load %arg7[%parallel_loop3A_193] {strides = array<i32>} : memref<16384xi32, #tpu.memory_space<vmem>>, vector<16xi32>,
      %parallel_loop3A_195 = arith.constant 12 : i32
      %parallel_loop3A_196 = vector.broadcast %parallel_loop3A_195 : i32 to vector<16xi32>
      %parallel_loop3A_197 = arith.shli %parallel_loop3A_194, %parallel_loop3A_196 : vector<16xi32>
      %parallel_loop3A_198 = arith.ori %parallel_loop3A_192, %parallel_loop3A_197 : vector<16xi32>
      %parallel_loop3A_199 = arith.index_cast %parallel_loop3A_188 : i32 to index
      %parallel_loop3A_200 = tpu.vector_load %arg8[%parallel_loop3A_199] {strides = array<i32>} : memref<16384xi32, #tpu.memory_space<vmem>>, vector<16xi32>,
      tpu.vector_store %arg8[%parallel_loop3A_199], %parallel_loop3A_198 {strides = array<i32>} : memref<16384xi32, #tpu.memory_space<vmem>>, vector<16xi32>,
    } {sc.loop_unroll_factor = 4 : i64, sc.parallel_access}
    %parallel_loop3A_53 = arith.constant 0 : i32
    %parallel_loop3A_54 = arith.constant 256 : i32
    %parallel_loop3A_55 = arith.constant 1 : i32
    scf.for %parallel_loop3A_186 = %parallel_loop3A_53 to %parallel_loop3A_54 step %parallel_loop3A_55  : i32 {
      %parallel_loop3A_187 = arith.constant 16 : i32
      %parallel_loop3A_188 = arith.muli %parallel_loop3A_186, %parallel_loop3A_187 : i32
      %parallel_loop3A_189 = arith.index_cast %parallel_loop3A_188 : i32 to index
      %parallel_loop3A_190 = tpu.vector_load %arg14[%parallel_loop3A_189] {strides = array<i32>} : memref<4096xf32, #tpu.memory_space<vmem>>, vector<16xf32>,
      tpu.vector_store %arg14[%parallel_loop3A_189], %broadcast_in_dim3A_31 {strides = array<i32>} : memref<4096xf32, #tpu.memory_space<vmem>>, vector<16xf32>,
    } {sc.loop_unroll_factor = 4 : i64, sc.parallel_access}
    %parallel_loop3A_56 = arith.constant 0 : i32
    %parallel_loop3A_57 = arith.constant 256 : i32
    %parallel_loop3A_58 = arith.constant 1 : i32
    scf.for %parallel_loop3A_186 = %parallel_loop3A_56 to %parallel_loop3A_57 step %parallel_loop3A_58  : i32 {
      %parallel_loop3A_187 = arith.constant 16 : i32
      %parallel_loop3A_188 = arith.muli %parallel_loop3A_186, %parallel_loop3A_187 : i32
      %parallel_loop3A_189 = arith.index_cast %parallel_loop3A_188 : i32 to index
      %parallel_loop3A_190 = tpu.vector_load %arg15[%parallel_loop3A_189] {strides = array<i32>} : memref<4096xf32, #tpu.memory_space<vmem>>, vector<16xf32>,
      tpu.vector_store %arg15[%parallel_loop3A_189], %broadcast_in_dim3A_31 {strides = array<i32>} : memref<4096xf32, #tpu.memory_space<vmem>>, vector<16xf32>,
    } {sc.loop_unroll_factor = 4 : i64, sc.parallel_access}
    %parallel_loop3A_59 = arith.constant 0 : i32
    %parallel_loop3A_60 = arith.constant 1024 : i32
    %parallel_loop3A_61 = arith.constant 1 : i32
    scf.for %parallel_loop3A_186 = %parallel_loop3A_59 to %parallel_loop3A_60 step %parallel_loop3A_61  : i32 {
      %parallel_loop3A_187 = arith.constant 16 : i32
      %parallel_loop3A_188 = arith.muli %parallel_loop3A_186, %parallel_loop3A_187 : i32
      %parallel_loop3A_189 = arith.index_cast %parallel_loop3A_188 : i32 to index
      %parallel_loop3A_190 = tpu.vector_load %arg6[%parallel_loop3A_189] {strides = array<i32>} : memref<16384xi32, #tpu.memory_space<vmem>>, vector<16xi32>,
      tpu.vector_store_idx %arg14[%parallel_loop3A_190], %broadcast_in_dim3A_33 {add = true} : memref<4096xf32, #tpu.memory_space<vmem>>[vector<16xi32>], vector<16xf32>,
      %parallel_loop3A_191 = arith.index_cast %parallel_loop3A_188 : i32 to index
      %parallel_loop3A_192 = tpu.vector_load %arg7[%parallel_loop3A_191] {strides = array<i32>} : memref<16384xi32, #tpu.memory_space<vmem>>, vector<16xi32>,
      tpu.vector_store_idx %arg14[%parallel_loop3A_192], %broadcast_in_dim3A_33 {add = true} : memref<4096xf32, #tpu.memory_space<vmem>>[vector<16xi32>], vector<16xf32>,
    } {sc.loop_unroll_factor = 4 : i64, sc.parallel_access}
    %run_scoped3A = arith.constant 0 : i32
    "tpu.region"() ({
      %run_scoped3A_186 = tpu.sem_alloc : memref<!tpu.dma_semaphore, #tpu.memory_space<semaphore_mem>>
      %dma_start3A_187 = arith.constant 0 : i32
      %dma_start3A_188 = tpu.memref_slice %arg21[%run_scoped3A, %select_n3A, %select_n3A_28, %dma_start3A_187] : memref<2x4x4x4096xf32, #tpu.memory_space<vmem_shared>> -> memref<1x1x1x4096xf32, #tpu.memory_space<vmem_shared>>
      %dma_start3A_189 = tpu.memref_squeeze %dma_start3A_188 : memref<1x1x1x4096xf32, #tpu.memory_space<vmem_shared>> -> memref<4096xf32, #tpu.memory_space<vmem_shared>>
      %dma_start3A_190 = arith.constant 0 : i32
      %dma_start3A_191 = tpu.memref_slice %arg21[%run_scoped3A, %select_n3A, %select_n3A_28, %dma_start3A_190] : memref<2x4x4x4096xf32, #tpu.memory_space<vmem_shared>> -> memref<1x1x1x4096xf32, #tpu.memory_space<vmem_shared>>
      %dma_start3A_192 = tpu.memref_squeeze %dma_start3A_191 : memref<1x1x1x4096xf32, #tpu.memory_space<vmem_shared>> -> memref<4096xf32, #tpu.memory_space<vmem_shared>>
      tpu.enqueue_dma source(%arg14 : memref<4096xf32, #tpu.memory_space<vmem>>) target(%dma_start3A_192 : memref<4096xf32, #tpu.memory_space<vmem_shared>>) target_semaphore(%run_scoped3A_186 : memref<!tpu.dma_semaphore, #tpu.memory_space<semaphore_mem>>)
      %dma_wait3A_193 = arith.constant 0 : i32
      %dma_wait3A_194 = tpu.memref_slice %arg21[%run_scoped3A, %select_n3A, %select_n3A_28, %dma_wait3A_193] : memref<2x4x4x4096xf32, #tpu.memory_space<vmem_shared>> -> memref<1x1x1x4096xf32, #tpu.memory_space<vmem_shared>>
      %dma_wait3A_195 = tpu.memref_squeeze %dma_wait3A_194 : memref<1x1x1x4096xf32, #tpu.memory_space<vmem_shared>> -> memref<4096xf32, #tpu.memory_space<vmem_shared>>
      %dma_wait3A_196 = arith.constant 0 : i32
      %dma_wait3A_197 = tpu.memref_slice %arg21[%run_scoped3A, %select_n3A, %select_n3A_28, %dma_wait3A_196] : memref<2x4x4x4096xf32, #tpu.memory_space<vmem_shared>> -> memref<1x1x1x4096xf32, #tpu.memory_space<vmem_shared>>
      %dma_wait3A_198 = tpu.memref_squeeze %dma_wait3A_197 : memref<1x1x1x4096xf32, #tpu.memory_space<vmem_shared>> -> memref<4096xf32, #tpu.memory_space<vmem_shared>>
      tpu.wait_dma2 semaphore(%run_scoped3A_186 : memref<!tpu.dma_semaphore, #tpu.memory_space<semaphore_mem>>) src(%arg14 : memref<4096xf32, #tpu.memory_space<vmem>>) dst(%dma_wait3A_198 : memref<4096xf32, #tpu.memory_space<vmem_shared>>)
      tpu.yield
    }) : () -> ()
    %parallel_loop3A_62 = arith.constant 0 : i32
    %parallel_loop3A_63 = arith.constant 256 : i32
    %parallel_loop3A_64 = arith.constant 1 : i32
    scf.for %parallel_loop3A_186 = %parallel_loop3A_62 to %parallel_loop3A_63 step %parallel_loop3A_64  : i32 {
      %parallel_loop3A_187 = arith.constant 16 : i32
      %parallel_loop3A_188 = arith.muli %parallel_loop3A_186, %parallel_loop3A_187 : i32
      %parallel_loop3A_189 = arith.index_cast %parallel_loop3A_188 : i32 to index
      %parallel_loop3A_190 = tpu.vector_load %arg14[%parallel_loop3A_189] {strides = array<i32>} : memref<4096xf32, #tpu.memory_space<vmem>>, vector<16xf32>,
      tpu.vector_store %arg14[%parallel_loop3A_189], %broadcast_in_dim3A_31 {strides = array<i32>} : memref<4096xf32, #tpu.memory_space<vmem>>, vector<16xf32>,
    } {sc.loop_unroll_factor = 4 : i64, sc.parallel_access}
    %barrier3A = arith.constant 0 : index
    tpu.barrier barrier_id(%barrier3A)
    %mul3A_65 = arith.constant 1024 : i32
    %mul3A_66 = arith.muli %select_n3A_28, %mul3A_65 : i32
    %dma_start3A = arith.constant 0 : i32
    %dma_start3A_67 = tpu.memref_slice %arg21[%dma_start3A, %select_n3A, %select_n3A_28, %mul3A_66] : memref<2x4x4x4096xf32, #tpu.memory_space<vmem_shared>> -> memref<1x1x1x1024xf32, #tpu.memory_space<vmem_shared>>
    %dma_start3A_68 = tpu.memref_squeeze %dma_start3A_67 : memref<1x1x1x1024xf32, #tpu.memory_space<vmem_shared>> -> memref<1024xf32, #tpu.memory_space<vmem_shared>>
    %dma_start3A_69 = tpu.memref_slice %arg21[%dma_start3A, %select_n3A, %select_n3A_28, %mul3A_66] : memref<2x4x4x4096xf32, #tpu.memory_space<vmem_shared>> -> memref<1x1x1x1024xf32, #tpu.memory_space<vmem_shared>>
    %dma_start3A_70 = tpu.memref_squeeze %dma_start3A_69 : memref<1x1x1x1024xf32, #tpu.memory_space<vmem_shared>> -> memref<1024xf32, #tpu.memory_space<vmem_shared>>
    tpu.enqueue_dma source(%dma_start3A_70 : memref<1024xf32, #tpu.memory_space<vmem_shared>>) target(%arg16 : memref<1024xf32, #tpu.memory_space<vmem>>) target_semaphore(%arg23 : memref<!tpu.dma_semaphore, #tpu.memory_space<semaphore_mem>>)
    %add3A_71 = arith.constant 1 : i32
    %add3A_72 = arith.addi %select_n3A_28, %add3A_71 : i32
    %rem3A_73 = arith.constant 4 : i32
    %rem3A_74 = arith.remsi %add3A_72, %rem3A_73 : i32
    %dma_start3A_75 = arith.constant 0 : i32
    %dma_start3A_76 = tpu.memref_slice %arg21[%dma_start3A_75, %select_n3A, %rem3A_74, %mul3A_66] : memref<2x4x4x4096xf32, #tpu.memory_space<vmem_shared>> -> memref<1x1x1x1024xf32, #tpu.memory_space<vmem_shared>>
    %dma_start3A_77 = tpu.memref_squeeze %dma_start3A_76 : memref<1x1x1x1024xf32, #tpu.memory_space<vmem_shared>> -> memref<1024xf32, #tpu.memory_space<vmem_shared>>
    %dma_start3A_78 = tpu.memref_slice %arg21[%dma_start3A_75, %select_n3A, %rem3A_74, %mul3A_66] : memref<2x4x4x4096xf32, #tpu.memory_space<vmem_shared>> -> memref<1x1x1x1024xf32, #tpu.memory_space<vmem_shared>>
    %dma_start3A_79 = tpu.memref_squeeze %dma_start3A_78 : memref<1x1x1x1024xf32, #tpu.memory_space<vmem_shared>> -> memref<1024xf32, #tpu.memory_space<vmem_shared>>
    tpu.enqueue_dma source(%dma_start3A_79 : memref<1024xf32, #tpu.memory_space<vmem_shared>>) target(%arg17 : memref<1024xf32, #tpu.memory_space<vmem>>) target_semaphore(%arg23 : memref<!tpu.dma_semaphore, #tpu.memory_space<semaphore_mem>>)
    %add3A_80 = arith.constant 2 : i32
    %add3A_81 = arith.addi %select_n3A_28, %add3A_80 : i32
    %rem3A_82 = arith.constant 4 : i32
    %rem3A_83 = arith.remsi %add3A_81, %rem3A_82 : i32
    %dma_start3A_84 = arith.constant 0 : i32
    %dma_start3A_85 = tpu.memref_slice %arg21[%dma_start3A_84, %select_n3A, %rem3A_83, %mul3A_66] : memref<2x4x4x4096xf32, #tpu.memory_space<vmem_shared>> -> memref<1x1x1x1024xf32, #tpu.memory_space<vmem_shared>>
    %dma_start3A_86 = tpu.memref_squeeze %dma_start3A_85 : memref<1x1x1x1024xf32, #tpu.memory_space<vmem_shared>> -> memref<1024xf32, #tpu.memory_space<vmem_shared>>
    %dma_start3A_87 = tpu.memref_slice %arg21[%dma_start3A_84, %select_n3A, %rem3A_83, %mul3A_66] : memref<2x4x4x4096xf32, #tpu.memory_space<vmem_shared>> -> memref<1x1x1x1024xf32, #tpu.memory_space<vmem_shared>>
    %dma_start3A_88 = tpu.memref_squeeze %dma_start3A_87 : memref<1x1x1x1024xf32, #tpu.memory_space<vmem_shared>> -> memref<1024xf32, #tpu.memory_space<vmem_shared>>
    tpu.enqueue_dma source(%dma_start3A_88 : memref<1024xf32, #tpu.memory_space<vmem_shared>>) target(%arg18 : memref<1024xf32, #tpu.memory_space<vmem>>) target_semaphore(%arg23 : memref<!tpu.dma_semaphore, #tpu.memory_space<semaphore_mem>>)
    %add3A_89 = arith.constant 3 : i32
    %add3A_90 = arith.addi %select_n3A_28, %add3A_89 : i32
    %rem3A_91 = arith.constant 4 : i32
    %rem3A_92 = arith.remsi %add3A_90, %rem3A_91 : i32
    %dma_start3A_93 = arith.constant 0 : i32
    %dma_start3A_94 = tpu.memref_slice %arg21[%dma_start3A_93, %select_n3A, %rem3A_92, %mul3A_66] : memref<2x4x4x4096xf32, #tpu.memory_space<vmem_shared>> -> memref<1x1x1x1024xf32, #tpu.memory_space<vmem_shared>>
    %dma_start3A_95 = tpu.memref_squeeze %dma_start3A_94 : memref<1x1x1x1024xf32, #tpu.memory_space<vmem_shared>> -> memref<1024xf32, #tpu.memory_space<vmem_shared>>
    %dma_start3A_96 = tpu.memref_slice %arg21[%dma_start3A_93, %select_n3A, %rem3A_92, %mul3A_66] : memref<2x4x4x4096xf32, #tpu.memory_space<vmem_shared>> -> memref<1x1x1x1024xf32, #tpu.memory_space<vmem_shared>>
    %dma_start3A_97 = tpu.memref_squeeze %dma_start3A_96 : memref<1x1x1x1024xf32, #tpu.memory_space<vmem_shared>> -> memref<1024xf32, #tpu.memory_space<vmem_shared>>
    tpu.enqueue_dma source(%dma_start3A_97 : memref<1024xf32, #tpu.memory_space<vmem_shared>>) target(%arg19 : memref<1024xf32, #tpu.memory_space<vmem>>) target_semaphore(%arg23 : memref<!tpu.dma_semaphore, #tpu.memory_space<semaphore_mem>>)
    %dma_wait3A = arith.constant 0 : i32
    %dma_wait3A_98 = tpu.memref_slice %arg21[%dma_wait3A, %select_n3A, %select_n3A_28, %mul3A_66] : memref<2x4x4x4096xf32, #tpu.memory_space<vmem_shared>> -> memref<1x1x1x1024xf32, #tpu.memory_space<vmem_shared>>
    %dma_wait3A_99 = tpu.memref_squeeze %dma_wait3A_98 : memref<1x1x1x1024xf32, #tpu.memory_space<vmem_shared>> -> memref<1024xf32, #tpu.memory_space<vmem_shared>>
    %dma_wait3A_100 = tpu.memref_slice %arg21[%dma_wait3A, %select_n3A, %select_n3A_28, %mul3A_66] : memref<2x4x4x4096xf32, #tpu.memory_space<vmem_shared>> -> memref<1x1x1x1024xf32, #tpu.memory_space<vmem_shared>>
    %dma_wait3A_101 = tpu.memref_squeeze %dma_wait3A_100 : memref<1x1x1x1024xf32, #tpu.memory_space<vmem_shared>> -> memref<1024xf32, #tpu.memory_space<vmem_shared>>
    tpu.wait_dma2 semaphore(%arg23 : memref<!tpu.dma_semaphore, #tpu.memory_space<semaphore_mem>>) src(%dma_wait3A_101 : memref<1024xf32, #tpu.memory_space<vmem_shared>>) dst(%arg16 : memref<1024xf32, #tpu.memory_space<vmem>>)
    %dma_wait3A_102 = arith.constant 0 : i32
    %dma_wait3A_103 = tpu.memref_slice %arg21[%dma_wait3A_102, %select_n3A, %rem3A_74, %mul3A_66] : memref<2x4x4x4096xf32, #tpu.memory_space<vmem_shared>> -> memref<1x1x1x1024xf32, #tpu.memory_space<vmem_shared>>
    %dma_wait3A_104 = tpu.memref_squeeze %dma_wait3A_103 : memref<1x1x1x1024xf32, #tpu.memory_space<vmem_shared>> -> memref<1024xf32, #tpu.memory_space<vmem_shared>>
    %dma_wait3A_105 = tpu.memref_slice %arg21[%dma_wait3A_102, %select_n3A, %rem3A_74, %mul3A_66] : memref<2x4x4x4096xf32, #tpu.memory_space<vmem_shared>> -> memref<1x1x1x1024xf32, #tpu.memory_space<vmem_shared>>
    %dma_wait3A_106 = tpu.memref_squeeze %dma_wait3A_105 : memref<1x1x1x1024xf32, #tpu.memory_space<vmem_shared>> -> memref<1024xf32, #tpu.memory_space<vmem_shared>>
    tpu.wait_dma2 semaphore(%arg23 : memref<!tpu.dma_semaphore, #tpu.memory_space<semaphore_mem>>) src(%dma_wait3A_106 : memref<1024xf32, #tpu.memory_space<vmem_shared>>) dst(%arg17 : memref<1024xf32, #tpu.memory_space<vmem>>)
    %dma_wait3A_107 = arith.constant 0 : i32
    %dma_wait3A_108 = tpu.memref_slice %arg21[%dma_wait3A_107, %select_n3A, %rem3A_83, %mul3A_66] : memref<2x4x4x4096xf32, #tpu.memory_space<vmem_shared>> -> memref<1x1x1x1024xf32, #tpu.memory_space<vmem_shared>>
    %dma_wait3A_109 = tpu.memref_squeeze %dma_wait3A_108 : memref<1x1x1x1024xf32, #tpu.memory_space<vmem_shared>> -> memref<1024xf32, #tpu.memory_space<vmem_shared>>
    %dma_wait3A_110 = tpu.memref_slice %arg21[%dma_wait3A_107, %select_n3A, %rem3A_83, %mul3A_66] : memref<2x4x4x4096xf32, #tpu.memory_space<vmem_shared>> -> memref<1x1x1x1024xf32, #tpu.memory_space<vmem_shared>>
    %dma_wait3A_111 = tpu.memref_squeeze %dma_wait3A_110 : memref<1x1x1x1024xf32, #tpu.memory_space<vmem_shared>> -> memref<1024xf32, #tpu.memory_space<vmem_shared>>
    tpu.wait_dma2 semaphore(%arg23 : memref<!tpu.dma_semaphore, #tpu.memory_space<semaphore_mem>>) src(%dma_wait3A_111 : memref<1024xf32, #tpu.memory_space<vmem_shared>>) dst(%arg18 : memref<1024xf32, #tpu.memory_space<vmem>>)
    %dma_wait3A_112 = arith.constant 0 : i32
    %dma_wait3A_113 = tpu.memref_slice %arg21[%dma_wait3A_112, %select_n3A, %rem3A_92, %mul3A_66] : memref<2x4x4x4096xf32, #tpu.memory_space<vmem_shared>> -> memref<1x1x1x1024xf32, #tpu.memory_space<vmem_shared>>
    %dma_wait3A_114 = tpu.memref_squeeze %dma_wait3A_113 : memref<1x1x1x1024xf32, #tpu.memory_space<vmem_shared>> -> memref<1024xf32, #tpu.memory_space<vmem_shared>>
    %dma_wait3A_115 = tpu.memref_slice %arg21[%dma_wait3A_112, %select_n3A, %rem3A_92, %mul3A_66] : memref<2x4x4x4096xf32, #tpu.memory_space<vmem_shared>> -> memref<1x1x1x1024xf32, #tpu.memory_space<vmem_shared>>
    %dma_wait3A_116 = tpu.memref_squeeze %dma_wait3A_115 : memref<1x1x1x1024xf32, #tpu.memory_space<vmem_shared>> -> memref<1024xf32, #tpu.memory_space<vmem_shared>>
    tpu.wait_dma2 semaphore(%arg23 : memref<!tpu.dma_semaphore, #tpu.memory_space<semaphore_mem>>) src(%dma_wait3A_116 : memref<1024xf32, #tpu.memory_space<vmem_shared>>) dst(%arg19 : memref<1024xf32, #tpu.memory_space<vmem>>)
    %parallel_loop3A_117 = arith.constant 0 : i32
    %parallel_loop3A_118 = arith.constant 64 : i32
    %parallel_loop3A_119 = arith.constant 1 : i32
    scf.for %parallel_loop3A_186 = %parallel_loop3A_117 to %parallel_loop3A_118 step %parallel_loop3A_119  : i32 {
      %parallel_loop3A_187 = arith.constant 16 : i32
      %parallel_loop3A_188 = arith.muli %parallel_loop3A_186, %parallel_loop3A_187 : i32
      %parallel_loop3A_189 = arith.index_cast %parallel_loop3A_188 : i32 to index
      %parallel_loop3A_190 = tpu.vector_load %arg16[%parallel_loop3A_189] {strides = array<i32>} : memref<1024xf32, #tpu.memory_space<vmem>>, vector<16xf32>,
      %parallel_loop3A_191 = arith.index_cast %parallel_loop3A_188 : i32 to index
      %parallel_loop3A_192 = tpu.vector_load %arg17[%parallel_loop3A_191] {strides = array<i32>} : memref<1024xf32, #tpu.memory_space<vmem>>, vector<16xf32>,
      %parallel_loop3A_193 = arith.addf %parallel_loop3A_190, %parallel_loop3A_192 : vector<16xf32>
      %parallel_loop3A_194 = arith.index_cast %parallel_loop3A_188 : i32 to index
      %parallel_loop3A_195 = tpu.vector_load %arg18[%parallel_loop3A_194] {strides = array<i32>} : memref<1024xf32, #tpu.memory_space<vmem>>, vector<16xf32>,
      %parallel_loop3A_196 = arith.index_cast %parallel_loop3A_188 : i32 to index
      %parallel_loop3A_197 = tpu.vector_load %arg19[%parallel_loop3A_196] {strides = array<i32>} : memref<1024xf32, #tpu.memory_space<vmem>>, vector<16xf32>,
      %parallel_loop3A_198 = arith.addf %parallel_loop3A_195, %parallel_loop3A_197 : vector<16xf32>
      %parallel_loop3A_199 = arith.addf %parallel_loop3A_193, %parallel_loop3A_198 : vector<16xf32>
      %parallel_loop3A_200 = arith.constant 1.000000e+00 : f32
      %parallel_loop3A_201 = vector.broadcast %parallel_loop3A_200 : f32 to vector<16xf32>
      %parallel_loop3A_202 = arith.mulf %parallel_loop3A_201, %parallel_loop3A_199 : vector<16xf32>
      %parallel_loop3A_203 = arith.constant 1.000000e+00 : f32
      %parallel_loop3A_204 = vector.broadcast %parallel_loop3A_203 : f32 to vector<16xf32>
      %parallel_loop3A_205 = arith.addf %parallel_loop3A_204, %parallel_loop3A_202 : vector<16xf32>
      %parallel_loop3A_206 = arith.constant 1.000000e+00 : f32
      %parallel_loop3A_207 = vector.broadcast %parallel_loop3A_206 : f32 to vector<16xf32>
      %parallel_loop3A_208 = arith.divf %parallel_loop3A_207, %parallel_loop3A_205 : vector<16xf32>
      %parallel_loop3A_209 = arith.index_cast %parallel_loop3A_188 : i32 to index
      %parallel_loop3A_210 = tpu.vector_load %arg13[%parallel_loop3A_209] {strides = array<i32>} : memref<1024xf32, #tpu.memory_space<vmem>>, vector<16xf32>,
      tpu.vector_store %arg13[%parallel_loop3A_209], %parallel_loop3A_208 {strides = array<i32>} : memref<1024xf32, #tpu.memory_space<vmem>>, vector<16xf32>,
    } {sc.loop_unroll_factor = 4 : i64, sc.parallel_access}
    %parallel_loop3A_120 = arith.constant 0 : i32
    %parallel_loop3A_121 = arith.constant 1024 : i32
    %parallel_loop3A_122 = arith.constant 1 : i32
    scf.for %parallel_loop3A_186 = %parallel_loop3A_120 to %parallel_loop3A_121 step %parallel_loop3A_122  : i32 {
      %parallel_loop3A_187 = arith.constant 16 : i32
      %parallel_loop3A_188 = arith.muli %parallel_loop3A_186, %parallel_loop3A_187 : i32
      %parallel_loop3A_189 = arith.index_cast %parallel_loop3A_188 : i32 to index
      %parallel_loop3A_190 = tpu.vector_load %arg8[%parallel_loop3A_189] {strides = array<i32>} : memref<16384xi32, #tpu.memory_space<vmem>>, vector<16xi32>,
      %parallel_loop3A_191 = arith.constant 4095 : i32
      %parallel_loop3A_192 = vector.broadcast %parallel_loop3A_191 : i32 to vector<16xi32>
      %parallel_loop3A_193 = arith.andi %parallel_loop3A_190, %parallel_loop3A_192 : vector<16xi32>
      %parallel_loop3A_194 = arith.constant 12 : i32
      %parallel_loop3A_195 = vector.broadcast %parallel_loop3A_194 : i32 to vector<16xi32>
      %parallel_loop3A_196 = arith.shrsi %parallel_loop3A_190, %parallel_loop3A_195 : vector<16xi32>
      %parallel_loop3A_197 = tpu.vector_load_idx %arg11[%parallel_loop3A_193] : memref<4096xf32, #tpu.memory_space<vmem>>[vector<16xi32>], vector<16xf32>,
      %parallel_loop3A_198 = tpu.vector_load_idx %arg11[%parallel_loop3A_196] : memref<4096xf32, #tpu.memory_space<vmem>>[vector<16xi32>], vector<16xf32>,
      tpu.vector_store_idx %arg14[%parallel_loop3A_193], %parallel_loop3A_198 {add = true} : memref<4096xf32, #tpu.memory_space<vmem>>[vector<16xi32>], vector<16xf32>,
      tpu.vector_store_idx %arg14[%parallel_loop3A_196], %parallel_loop3A_197 {add = true} : memref<4096xf32, #tpu.memory_space<vmem>>[vector<16xi32>], vector<16xf32>,
    } {sc.loop_unroll_factor = 4 : i64, sc.parallel_access}
    %scan3A = arith.constant 0 : i32
    %scan3A_123 = arith.constant 0 : i32
    %scan3A_124 = arith.constant 10 : i32
    %scan3A_125 = arith.addi %scan3A_123, %scan3A_124 : i32
    %scan3A_126 = arith.constant 1 : i32
    scf.for %scan3A_186 = %scan3A_123 to %scan3A_125 step %scan3A_126  : i32 {
      %run_scoped3A_187 = arith.constant 1 : i32
      "tpu.region"() ({
        %run_scoped3A_323 = tpu.sem_alloc : memref<!tpu.dma_semaphore, #tpu.memory_space<semaphore_mem>>
        %dma_start3A_324 = arith.constant 0 : i32
        %dma_start3A_325 = tpu.memref_slice %arg21[%run_scoped3A_187, %select_n3A, %select_n3A_28, %dma_start3A_324] : memref<2x4x4x4096xf32, #tpu.memory_space<vmem_shared>> -> memref<1x1x1x4096xf32, #tpu.memory_space<vmem_shared>>
        %dma_start3A_326 = tpu.memref_squeeze %dma_start3A_325 : memref<1x1x1x4096xf32, #tpu.memory_space<vmem_shared>> -> memref<4096xf32, #tpu.memory_space<vmem_shared>>
        %dma_start3A_327 = arith.constant 0 : i32
        %dma_start3A_328 = tpu.memref_slice %arg21[%run_scoped3A_187, %select_n3A, %select_n3A_28, %dma_start3A_327] : memref<2x4x4x4096xf32, #tpu.memory_space<vmem_shared>> -> memref<1x1x1x4096xf32, #tpu.memory_space<vmem_shared>>
        %dma_start3A_329 = tpu.memref_squeeze %dma_start3A_328 : memref<1x1x1x4096xf32, #tpu.memory_space<vmem_shared>> -> memref<4096xf32, #tpu.memory_space<vmem_shared>>
        tpu.enqueue_dma source(%arg15 : memref<4096xf32, #tpu.memory_space<vmem>>) target(%dma_start3A_329 : memref<4096xf32, #tpu.memory_space<vmem_shared>>) target_semaphore(%run_scoped3A_323 : memref<!tpu.dma_semaphore, #tpu.memory_space<semaphore_mem>>)
        %dma_wait3A_330 = arith.constant 0 : i32
        %dma_wait3A_331 = tpu.memref_slice %arg21[%run_scoped3A_187, %select_n3A, %select_n3A_28, %dma_wait3A_330] : memref<2x4x4x4096xf32, #tpu.memory_space<vmem_shared>> -> memref<1x1x1x4096xf32, #tpu.memory_space<vmem_shared>>
        %dma_wait3A_332 = tpu.memref_squeeze %dma_wait3A_331 : memref<1x1x1x4096xf32, #tpu.memory_space<vmem_shared>> -> memref<4096xf32, #tpu.memory_space<vmem_shared>>
        %dma_wait3A_333 = arith.constant 0 : i32
        %dma_wait3A_334 = tpu.memref_slice %arg21[%run_scoped3A_187, %select_n3A, %select_n3A_28, %dma_wait3A_333] : memref<2x4x4x4096xf32, #tpu.memory_space<vmem_shared>> -> memref<1x1x1x4096xf32, #tpu.memory_space<vmem_shared>>
        %dma_wait3A_335 = tpu.memref_squeeze %dma_wait3A_334 : memref<1x1x1x4096xf32, #tpu.memory_space<vmem_shared>> -> memref<4096xf32, #tpu.memory_space<vmem_shared>>
        tpu.wait_dma2 semaphore(%run_scoped3A_323 : memref<!tpu.dma_semaphore, #tpu.memory_space<semaphore_mem>>) src(%arg15 : memref<4096xf32, #tpu.memory_space<vmem>>) dst(%dma_wait3A_335 : memref<4096xf32, #tpu.memory_space<vmem_shared>>)
        tpu.yield
      }) : () -> ()
      %parallel_loop3A_188 = arith.constant 0 : i32
      %parallel_loop3A_189 = arith.constant 256 : i32
      %parallel_loop3A_190 = arith.constant 1 : i32
      scf.for %parallel_loop3A_323 = %parallel_loop3A_188 to %parallel_loop3A_189 step %parallel_loop3A_190  : i32 {
        %parallel_loop3A_324 = arith.constant 16 : i32
        %parallel_loop3A_325 = arith.muli %parallel_loop3A_323, %parallel_loop3A_324 : i32
        %parallel_loop3A_326 = arith.index_cast %parallel_loop3A_325 : i32 to index
        %parallel_loop3A_327 = tpu.vector_load %arg15[%parallel_loop3A_326] {strides = array<i32>} : memref<4096xf32, #tpu.memory_space<vmem>>, vector<16xf32>,
        tpu.vector_store %arg15[%parallel_loop3A_326], %broadcast_in_dim3A_31 {strides = array<i32>} : memref<4096xf32, #tpu.memory_space<vmem>>, vector<16xf32>,
      } {sc.loop_unroll_factor = 4 : i64, sc.parallel_access}
      %barrier3A_191 = arith.constant 0 : index
      tpu.barrier barrier_id(%barrier3A_191)
      %mul3A_192 = arith.constant 1024 : i32
      %mul3A_193 = arith.muli %select_n3A_28, %mul3A_192 : i32
      %dma_start3A_194 = arith.constant 1 : i32
      %dma_start3A_195 = tpu.memref_slice %arg21[%dma_start3A_194, %select_n3A, %select_n3A_28, %mul3A_193] : memref<2x4x4x4096xf32, #tpu.memory_space<vmem_shared>> -> memref<1x1x1x1024xf32, #tpu.memory_space<vmem_shared>>
      %dma_start3A_196 = tpu.memref_squeeze %dma_start3A_195 : memref<1x1x1x1024xf32, #tpu.memory_space<vmem_shared>> -> memref<1024xf32, #tpu.memory_space<vmem_shared>>
      %dma_start3A_197 = tpu.memref_slice %arg21[%dma_start3A_194, %select_n3A, %select_n3A_28, %mul3A_193] : memref<2x4x4x4096xf32, #tpu.memory_space<vmem_shared>> -> memref<1x1x1x1024xf32, #tpu.memory_space<vmem_shared>>
      %dma_start3A_198 = tpu.memref_squeeze %dma_start3A_197 : memref<1x1x1x1024xf32, #tpu.memory_space<vmem_shared>> -> memref<1024xf32, #tpu.memory_space<vmem_shared>>
      tpu.enqueue_dma source(%dma_start3A_198 : memref<1024xf32, #tpu.memory_space<vmem_shared>>) target(%arg16 : memref<1024xf32, #tpu.memory_space<vmem>>) target_semaphore(%arg23 : memref<!tpu.dma_semaphore, #tpu.memory_space<semaphore_mem>>)
      %add3A_199 = arith.constant 1 : i32
      %add3A_200 = arith.addi %select_n3A_28, %add3A_199 : i32
      %rem3A_201 = arith.constant 4 : i32
      %rem3A_202 = arith.remsi %add3A_200, %rem3A_201 : i32
      %dma_start3A_203 = arith.constant 1 : i32
      %dma_start3A_204 = tpu.memref_slice %arg21[%dma_start3A_203, %select_n3A, %rem3A_202, %mul3A_193] : memref<2x4x4x4096xf32, #tpu.memory_space<vmem_shared>> -> memref<1x1x1x1024xf32, #tpu.memory_space<vmem_shared>>
      %dma_start3A_205 = tpu.memref_squeeze %dma_start3A_204 : memref<1x1x1x1024xf32, #tpu.memory_space<vmem_shared>> -> memref<1024xf32, #tpu.memory_space<vmem_shared>>
      %dma_start3A_206 = tpu.memref_slice %arg21[%dma_start3A_203, %select_n3A, %rem3A_202, %mul3A_193] : memref<2x4x4x4096xf32, #tpu.memory_space<vmem_shared>> -> memref<1x1x1x1024xf32, #tpu.memory_space<vmem_shared>>
      %dma_start3A_207 = tpu.memref_squeeze %dma_start3A_206 : memref<1x1x1x1024xf32, #tpu.memory_space<vmem_shared>> -> memref<1024xf32, #tpu.memory_space<vmem_shared>>
      tpu.enqueue_dma source(%dma_start3A_207 : memref<1024xf32, #tpu.memory_space<vmem_shared>>) target(%arg17 : memref<1024xf32, #tpu.memory_space<vmem>>) target_semaphore(%arg23 : memref<!tpu.dma_semaphore, #tpu.memory_space<semaphore_mem>>)
      %add3A_208 = arith.constant 2 : i32
      %add3A_209 = arith.addi %select_n3A_28, %add3A_208 : i32
      %rem3A_210 = arith.constant 4 : i32
      %rem3A_211 = arith.remsi %add3A_209, %rem3A_210 : i32
      %dma_start3A_212 = arith.constant 1 : i32
      %dma_start3A_213 = tpu.memref_slice %arg21[%dma_start3A_212, %select_n3A, %rem3A_211, %mul3A_193] : memref<2x4x4x4096xf32, #tpu.memory_space<vmem_shared>> -> memref<1x1x1x1024xf32, #tpu.memory_space<vmem_shared>>
      %dma_start3A_214 = tpu.memref_squeeze %dma_start3A_213 : memref<1x1x1x1024xf32, #tpu.memory_space<vmem_shared>> -> memref<1024xf32, #tpu.memory_space<vmem_shared>>
      %dma_start3A_215 = tpu.memref_slice %arg21[%dma_start3A_212, %select_n3A, %rem3A_211, %mul3A_193] : memref<2x4x4x4096xf32, #tpu.memory_space<vmem_shared>> -> memref<1x1x1x1024xf32, #tpu.memory_space<vmem_shared>>
      %dma_start3A_216 = tpu.memref_squeeze %dma_start3A_215 : memref<1x1x1x1024xf32, #tpu.memory_space<vmem_shared>> -> memref<1024xf32, #tpu.memory_space<vmem_shared>>
      tpu.enqueue_dma source(%dma_start3A_216 : memref<1024xf32, #tpu.memory_space<vmem_shared>>) target(%arg18 : memref<1024xf32, #tpu.memory_space<vmem>>) target_semaphore(%arg23 : memref<!tpu.dma_semaphore, #tpu.memory_space<semaphore_mem>>)
      %add3A_217 = arith.constant 3 : i32
      %add3A_218 = arith.addi %select_n3A_28, %add3A_217 : i32
      %rem3A_219 = arith.constant 4 : i32
      %rem3A_220 = arith.remsi %add3A_218, %rem3A_219 : i32
      %dma_start3A_221 = arith.constant 1 : i32
      %dma_start3A_222 = tpu.memref_slice %arg21[%dma_start3A_221, %select_n3A, %rem3A_220, %mul3A_193] : memref<2x4x4x4096xf32, #tpu.memory_space<vmem_shared>> -> memref<1x1x1x1024xf32, #tpu.memory_space<vmem_shared>>
      %dma_start3A_223 = tpu.memref_squeeze %dma_start3A_222 : memref<1x1x1x1024xf32, #tpu.memory_space<vmem_shared>> -> memref<1024xf32, #tpu.memory_space<vmem_shared>>
      %dma_start3A_224 = tpu.memref_slice %arg21[%dma_start3A_221, %select_n3A, %rem3A_220, %mul3A_193] : memref<2x4x4x4096xf32, #tpu.memory_space<vmem_shared>> -> memref<1x1x1x1024xf32, #tpu.memory_space<vmem_shared>>
      %dma_start3A_225 = tpu.memref_squeeze %dma_start3A_224 : memref<1x1x1x1024xf32, #tpu.memory_space<vmem_shared>> -> memref<1024xf32, #tpu.memory_space<vmem_shared>>
      tpu.enqueue_dma source(%dma_start3A_225 : memref<1024xf32, #tpu.memory_space<vmem_shared>>) target(%arg19 : memref<1024xf32, #tpu.memory_space<vmem>>) target_semaphore(%arg23 : memref<!tpu.dma_semaphore, #tpu.memory_space<semaphore_mem>>)
      %dma_wait3A_226 = arith.constant 1 : i32
      %dma_wait3A_227 = tpu.memref_slice %arg21[%dma_wait3A_226, %select_n3A, %select_n3A_28, %mul3A_193] : memref<2x4x4x4096xf32, #tpu.memory_space<vmem_shared>> -> memref<1x1x1x1024xf32, #tpu.memory_space<vmem_shared>>
      %dma_wait3A_228 = tpu.memref_squeeze %dma_wait3A_227 : memref<1x1x1x1024xf32, #tpu.memory_space<vmem_shared>> -> memref<1024xf32, #tpu.memory_space<vmem_shared>>
      %dma_wait3A_229 = tpu.memref_slice %arg21[%dma_wait3A_226, %select_n3A, %select_n3A_28, %mul3A_193] : memref<2x4x4x4096xf32, #tpu.memory_space<vmem_shared>> -> memref<1x1x1x1024xf32, #tpu.memory_space<vmem_shared>>
      %dma_wait3A_230 = tpu.memref_squeeze %dma_wait3A_229 : memref<1x1x1x1024xf32, #tpu.memory_space<vmem_shared>> -> memref<1024xf32, #tpu.memory_space<vmem_shared>>
      tpu.wait_dma2 semaphore(%arg23 : memref<!tpu.dma_semaphore, #tpu.memory_space<semaphore_mem>>) src(%dma_wait3A_230 : memref<1024xf32, #tpu.memory_space<vmem_shared>>) dst(%arg16 : memref<1024xf32, #tpu.memory_space<vmem>>)
      %dma_wait3A_231 = arith.constant 1 : i32
      %dma_wait3A_232 = tpu.memref_slice %arg21[%dma_wait3A_231, %select_n3A, %rem3A_202, %mul3A_193] : memref<2x4x4x4096xf32, #tpu.memory_space<vmem_shared>> -> memref<1x1x1x1024xf32, #tpu.memory_space<vmem_shared>>
      %dma_wait3A_233 = tpu.memref_squeeze %dma_wait3A_232 : memref<1x1x1x1024xf32, #tpu.memory_space<vmem_shared>> -> memref<1024xf32, #tpu.memory_space<vmem_shared>>
      %dma_wait3A_234 = tpu.memref_slice %arg21[%dma_wait3A_231, %select_n3A, %rem3A_202, %mul3A_193] : memref<2x4x4x4096xf32, #tpu.memory_space<vmem_shared>> -> memref<1x1x1x1024xf32, #tpu.memory_space<vmem_shared>>
      %dma_wait3A_235 = tpu.memref_squeeze %dma_wait3A_234 : memref<1x1x1x1024xf32, #tpu.memory_space<vmem_shared>> -> memref<1024xf32, #tpu.memory_space<vmem_shared>>
      tpu.wait_dma2 semaphore(%arg23 : memref<!tpu.dma_semaphore, #tpu.memory_space<semaphore_mem>>) src(%dma_wait3A_235 : memref<1024xf32, #tpu.memory_space<vmem_shared>>) dst(%arg17 : memref<1024xf32, #tpu.memory_space<vmem>>)
      %dma_wait3A_236 = arith.constant 1 : i32
      %dma_wait3A_237 = tpu.memref_slice %arg21[%dma_wait3A_236, %select_n3A, %rem3A_211, %mul3A_193] : memref<2x4x4x4096xf32, #tpu.memory_space<vmem_shared>> -> memref<1x1x1x1024xf32, #tpu.memory_space<vmem_shared>>
      %dma_wait3A_238 = tpu.memref_squeeze %dma_wait3A_237 : memref<1x1x1x1024xf32, #tpu.memory_space<vmem_shared>> -> memref<1024xf32, #tpu.memory_space<vmem_shared>>
      %dma_wait3A_239 = tpu.memref_slice %arg21[%dma_wait3A_236, %select_n3A, %rem3A_211, %mul3A_193] : memref<2x4x4x4096xf32, #tpu.memory_space<vmem_shared>> -> memref<1x1x1x1024xf32, #tpu.memory_space<vmem_shared>>
      %dma_wait3A_240 = tpu.memref_squeeze %dma_wait3A_239 : memref<1x1x1x1024xf32, #tpu.memory_space<vmem_shared>> -> memref<1024xf32, #tpu.memory_space<vmem_shared>>
      tpu.wait_dma2 semaphore(%arg23 : memref<!tpu.dma_semaphore, #tpu.memory_space<semaphore_mem>>) src(%dma_wait3A_240 : memref<1024xf32, #tpu.memory_space<vmem_shared>>) dst(%arg18 : memref<1024xf32, #tpu.memory_space<vmem>>)
      %dma_wait3A_241 = arith.constant 1 : i32
      %dma_wait3A_242 = tpu.memref_slice %arg21[%dma_wait3A_241, %select_n3A, %rem3A_220, %mul3A_193] : memref<2x4x4x4096xf32, #tpu.memory_space<vmem_shared>> -> memref<1x1x1x1024xf32, #tpu.memory_space<vmem_shared>>
      %dma_wait3A_243 = tpu.memref_squeeze %dma_wait3A_242 : memref<1x1x1x1024xf32, #tpu.memory_space<vmem_shared>> -> memref<1024xf32, #tpu.memory_space<vmem_shared>>
      %dma_wait3A_244 = tpu.memref_slice %arg21[%dma_wait3A_241, %select_n3A, %rem3A_220, %mul3A_193] : memref<2x4x4x4096xf32, #tpu.memory_space<vmem_shared>> -> memref<1x1x1x1024xf32, #tpu.memory_space<vmem_shared>>
      %dma_wait3A_245 = tpu.memref_squeeze %dma_wait3A_244 : memref<1x1x1x1024xf32, #tpu.memory_space<vmem_shared>> -> memref<1024xf32, #tpu.memory_space<vmem_shared>>
      tpu.wait_dma2 semaphore(%arg23 : memref<!tpu.dma_semaphore, #tpu.memory_space<semaphore_mem>>) src(%dma_wait3A_245 : memref<1024xf32, #tpu.memory_space<vmem_shared>>) dst(%arg19 : memref<1024xf32, #tpu.memory_space<vmem>>)
      %parallel_loop3A_246 = arith.constant 0 : i32
      %parallel_loop3A_247 = arith.constant 64 : i32
      %parallel_loop3A_248 = arith.constant 1 : i32
      scf.for %parallel_loop3A_323 = %parallel_loop3A_246 to %parallel_loop3A_247 step %parallel_loop3A_248  : i32 {
        %parallel_loop3A_324 = arith.constant 16 : i32
        %parallel_loop3A_325 = arith.muli %parallel_loop3A_323, %parallel_loop3A_324 : i32
        %parallel_loop3A_326 = arith.index_cast %parallel_loop3A_325 : i32 to index
        %parallel_loop3A_327 = tpu.vector_load %arg16[%parallel_loop3A_326] {strides = array<i32>} : memref<1024xf32, #tpu.memory_space<vmem>>, vector<16xf32>,
        %parallel_loop3A_328 = arith.index_cast %parallel_loop3A_325 : i32 to index
        %parallel_loop3A_329 = tpu.vector_load %arg17[%parallel_loop3A_328] {strides = array<i32>} : memref<1024xf32, #tpu.memory_space<vmem>>, vector<16xf32>,
        %parallel_loop3A_330 = arith.addf %parallel_loop3A_327, %parallel_loop3A_329 : vector<16xf32>
        %parallel_loop3A_331 = arith.index_cast %parallel_loop3A_325 : i32 to index
        %parallel_loop3A_332 = tpu.vector_load %arg18[%parallel_loop3A_331] {strides = array<i32>} : memref<1024xf32, #tpu.memory_space<vmem>>, vector<16xf32>,
        %parallel_loop3A_333 = arith.index_cast %parallel_loop3A_325 : i32 to index
        %parallel_loop3A_334 = tpu.vector_load %arg19[%parallel_loop3A_333] {strides = array<i32>} : memref<1024xf32, #tpu.memory_space<vmem>>, vector<16xf32>,
        %parallel_loop3A_335 = arith.addf %parallel_loop3A_332, %parallel_loop3A_334 : vector<16xf32>
        %parallel_loop3A_336 = arith.addf %parallel_loop3A_330, %parallel_loop3A_335 : vector<16xf32>
        %parallel_loop3A_337 = arith.index_cast %parallel_loop3A_325 : i32 to index
        %parallel_loop3A_338 = tpu.vector_load %arg10[%parallel_loop3A_337] {strides = array<i32>} : memref<1024xf32, #tpu.memory_space<vmem>>, vector<16xf32>,
        %parallel_loop3A_339 = arith.constant 1.000000e+00 : f32
        %parallel_loop3A_340 = vector.broadcast %parallel_loop3A_339 : f32 to vector<16xf32>
        %parallel_loop3A_341 = arith.mulf %parallel_loop3A_340, %parallel_loop3A_336 : vector<16xf32>
        %parallel_loop3A_342 = arith.addf %parallel_loop3A_338, %parallel_loop3A_341 : vector<16xf32>
        %parallel_loop3A_343 = arith.index_cast %parallel_loop3A_325 : i32 to index
        %parallel_loop3A_344 = tpu.vector_load %arg12[%parallel_loop3A_343] {strides = array<i32>} : memref<1024xf32, #tpu.memory_space<vmem>>, vector<16xf32>,
        tpu.vector_store %arg12[%parallel_loop3A_343], %parallel_loop3A_342 {strides = array<i32>} : memref<1024xf32, #tpu.memory_space<vmem>>, vector<16xf32>,
      } {sc.loop_unroll_factor = 4 : i64, sc.parallel_access}
      %run_scoped3A_249 = arith.constant 0 : i32
      "tpu.region"() ({
        %run_scoped3A_323 = tpu.sem_alloc : memref<!tpu.dma_semaphore, #tpu.memory_space<semaphore_mem>>
        %dma_start3A_324 = arith.constant 0 : i32
        %dma_start3A_325 = tpu.memref_slice %arg21[%run_scoped3A_249, %select_n3A, %select_n3A_28, %dma_start3A_324] : memref<2x4x4x4096xf32, #tpu.memory_space<vmem_shared>> -> memref<1x1x1x4096xf32, #tpu.memory_space<vmem_shared>>
        %dma_start3A_326 = tpu.memref_squeeze %dma_start3A_325 : memref<1x1x1x4096xf32, #tpu.memory_space<vmem_shared>> -> memref<4096xf32, #tpu.memory_space<vmem_shared>>
        %dma_start3A_327 = arith.constant 0 : i32
        %dma_start3A_328 = tpu.memref_slice %arg21[%run_scoped3A_249, %select_n3A, %select_n3A_28, %dma_start3A_327] : memref<2x4x4x4096xf32, #tpu.memory_space<vmem_shared>> -> memref<1x1x1x4096xf32, #tpu.memory_space<vmem_shared>>
        %dma_start3A_329 = tpu.memref_squeeze %dma_start3A_328 : memref<1x1x1x4096xf32, #tpu.memory_space<vmem_shared>> -> memref<4096xf32, #tpu.memory_space<vmem_shared>>
        tpu.enqueue_dma source(%arg14 : memref<4096xf32, #tpu.memory_space<vmem>>) target(%dma_start3A_329 : memref<4096xf32, #tpu.memory_space<vmem_shared>>) target_semaphore(%run_scoped3A_323 : memref<!tpu.dma_semaphore, #tpu.memory_space<semaphore_mem>>)
        %dma_wait3A_330 = arith.constant 0 : i32
        %dma_wait3A_331 = tpu.memref_slice %arg21[%run_scoped3A_249, %select_n3A, %select_n3A_28, %dma_wait3A_330] : memref<2x4x4x4096xf32, #tpu.memory_space<vmem_shared>> -> memref<1x1x1x4096xf32, #tpu.memory_space<vmem_shared>>
        %dma_wait3A_332 = tpu.memref_squeeze %dma_wait3A_331 : memref<1x1x1x4096xf32, #tpu.memory_space<vmem_shared>> -> memref<4096xf32, #tpu.memory_space<vmem_shared>>
        %dma_wait3A_333 = arith.constant 0 : i32
        %dma_wait3A_334 = tpu.memref_slice %arg21[%run_scoped3A_249, %select_n3A, %select_n3A_28, %dma_wait3A_333] : memref<2x4x4x4096xf32, #tpu.memory_space<vmem_shared>> -> memref<1x1x1x4096xf32, #tpu.memory_space<vmem_shared>>
        %dma_wait3A_335 = tpu.memref_squeeze %dma_wait3A_334 : memref<1x1x1x4096xf32, #tpu.memory_space<vmem_shared>> -> memref<4096xf32, #tpu.memory_space<vmem_shared>>
        tpu.wait_dma2 semaphore(%run_scoped3A_323 : memref<!tpu.dma_semaphore, #tpu.memory_space<semaphore_mem>>) src(%arg14 : memref<4096xf32, #tpu.memory_space<vmem>>) dst(%dma_wait3A_335 : memref<4096xf32, #tpu.memory_space<vmem_shared>>)
        tpu.yield
      }) : () -> ()
      %parallel_loop3A_250 = arith.constant 0 : i32
      %parallel_loop3A_251 = arith.constant 256 : i32
      %parallel_loop3A_252 = arith.constant 1 : i32
      scf.for %parallel_loop3A_323 = %parallel_loop3A_250 to %parallel_loop3A_251 step %parallel_loop3A_252  : i32 {
        %parallel_loop3A_324 = arith.constant 16 : i32
        %parallel_loop3A_325 = arith.muli %parallel_loop3A_323, %parallel_loop3A_324 : i32
        %parallel_loop3A_326 = arith.index_cast %parallel_loop3A_325 : i32 to index
        %parallel_loop3A_327 = tpu.vector_load %arg14[%parallel_loop3A_326] {strides = array<i32>} : memref<4096xf32, #tpu.memory_space<vmem>>, vector<16xf32>,
        tpu.vector_store %arg14[%parallel_loop3A_326], %broadcast_in_dim3A_31 {strides = array<i32>} : memref<4096xf32, #tpu.memory_space<vmem>>, vector<16xf32>,
      } {sc.loop_unroll_factor = 4 : i64, sc.parallel_access}
      %barrier3A_253 = arith.constant 0 : index
      tpu.barrier barrier_id(%barrier3A_253)
      %mul3A_254 = arith.constant 1024 : i32
      %mul3A_255 = arith.muli %select_n3A_28, %mul3A_254 : i32
      %dma_start3A_256 = arith.constant 0 : i32
      %dma_start3A_257 = tpu.memref_slice %arg21[%dma_start3A_256, %select_n3A, %select_n3A_28, %mul3A_255] : memref<2x4x4x4096xf32, #tpu.memory_space<vmem_shared>> -> memref<1x1x1x1024xf32, #tpu.memory_space<vmem_shared>>
      %dma_start3A_258 = tpu.memref_squeeze %dma_start3A_257 : memref<1x1x1x1024xf32, #tpu.memory_space<vmem_shared>> -> memref<1024xf32, #tpu.memory_space<vmem_shared>>
      %dma_start3A_259 = tpu.memref_slice %arg21[%dma_start3A_256, %select_n3A, %select_n3A_28, %mul3A_255] : memref<2x4x4x4096xf32, #tpu.memory_space<vmem_shared>> -> memref<1x1x1x1024xf32, #tpu.memory_space<vmem_shared>>
      %dma_start3A_260 = tpu.memref_squeeze %dma_start3A_259 : memref<1x1x1x1024xf32, #tpu.memory_space<vmem_shared>> -> memref<1024xf32, #tpu.memory_space<vmem_shared>>
      tpu.enqueue_dma source(%dma_start3A_260 : memref<1024xf32, #tpu.memory_space<vmem_shared>>) target(%arg16 : memref<1024xf32, #tpu.memory_space<vmem>>) target_semaphore(%arg23 : memref<!tpu.dma_semaphore, #tpu.memory_space<semaphore_mem>>)
      %add3A_261 = arith.constant 1 : i32
      %add3A_262 = arith.addi %select_n3A_28, %add3A_261 : i32
      %rem3A_263 = arith.constant 4 : i32
      %rem3A_264 = arith.remsi %add3A_262, %rem3A_263 : i32
      %dma_start3A_265 = arith.constant 0 : i32
      %dma_start3A_266 = tpu.memref_slice %arg21[%dma_start3A_265, %select_n3A, %rem3A_264, %mul3A_255] : memref<2x4x4x4096xf32, #tpu.memory_space<vmem_shared>> -> memref<1x1x1x1024xf32, #tpu.memory_space<vmem_shared>>
      %dma_start3A_267 = tpu.memref_squeeze %dma_start3A_266 : memref<1x1x1x1024xf32, #tpu.memory_space<vmem_shared>> -> memref<1024xf32, #tpu.memory_space<vmem_shared>>
      %dma_start3A_268 = tpu.memref_slice %arg21[%dma_start3A_265, %select_n3A, %rem3A_264, %mul3A_255] : memref<2x4x4x4096xf32, #tpu.memory_space<vmem_shared>> -> memref<1x1x1x1024xf32, #tpu.memory_space<vmem_shared>>
      %dma_start3A_269 = tpu.memref_squeeze %dma_start3A_268 : memref<1x1x1x1024xf32, #tpu.memory_space<vmem_shared>> -> memref<1024xf32, #tpu.memory_space<vmem_shared>>
      tpu.enqueue_dma source(%dma_start3A_269 : memref<1024xf32, #tpu.memory_space<vmem_shared>>) target(%arg17 : memref<1024xf32, #tpu.memory_space<vmem>>) target_semaphore(%arg23 : memref<!tpu.dma_semaphore, #tpu.memory_space<semaphore_mem>>)
      %add3A_270 = arith.constant 2 : i32
      %add3A_271 = arith.addi %select_n3A_28, %add3A_270 : i32
      %rem3A_272 = arith.constant 4 : i32
      %rem3A_273 = arith.remsi %add3A_271, %rem3A_272 : i32
      %dma_start3A_274 = arith.constant 0 : i32
      %dma_start3A_275 = tpu.memref_slice %arg21[%dma_start3A_274, %select_n3A, %rem3A_273, %mul3A_255] : memref<2x4x4x4096xf32, #tpu.memory_space<vmem_shared>> -> memref<1x1x1x1024xf32, #tpu.memory_space<vmem_shared>>
      %dma_start3A_276 = tpu.memref_squeeze %dma_start3A_275 : memref<1x1x1x1024xf32, #tpu.memory_space<vmem_shared>> -> memref<1024xf32, #tpu.memory_space<vmem_shared>>
      %dma_start3A_277 = tpu.memref_slice %arg21[%dma_start3A_274, %select_n3A, %rem3A_273, %mul3A_255] : memref<2x4x4x4096xf32, #tpu.memory_space<vmem_shared>> -> memref<1x1x1x1024xf32, #tpu.memory_space<vmem_shared>>
      %dma_start3A_278 = tpu.memref_squeeze %dma_start3A_277 : memref<1x1x1x1024xf32, #tpu.memory_space<vmem_shared>> -> memref<1024xf32, #tpu.memory_space<vmem_shared>>
      tpu.enqueue_dma source(%dma_start3A_278 : memref<1024xf32, #tpu.memory_space<vmem_shared>>) target(%arg18 : memref<1024xf32, #tpu.memory_space<vmem>>) target_semaphore(%arg23 : memref<!tpu.dma_semaphore, #tpu.memory_space<semaphore_mem>>)
      %add3A_279 = arith.constant 3 : i32
      %add3A_280 = arith.addi %select_n3A_28, %add3A_279 : i32
      %rem3A_281 = arith.constant 4 : i32
      %rem3A_282 = arith.remsi %add3A_280, %rem3A_281 : i32
      %dma_start3A_283 = arith.constant 0 : i32
      %dma_start3A_284 = tpu.memref_slice %arg21[%dma_start3A_283, %select_n3A, %rem3A_282, %mul3A_255] : memref<2x4x4x4096xf32, #tpu.memory_space<vmem_shared>> -> memref<1x1x1x1024xf32, #tpu.memory_space<vmem_shared>>
      %dma_start3A_285 = tpu.memref_squeeze %dma_start3A_284 : memref<1x1x1x1024xf32, #tpu.memory_space<vmem_shared>> -> memref<1024xf32, #tpu.memory_space<vmem_shared>>
      %dma_start3A_286 = tpu.memref_slice %arg21[%dma_start3A_283, %select_n3A, %rem3A_282, %mul3A_255] : memref<2x4x4x4096xf32, #tpu.memory_space<vmem_shared>> -> memref<1x1x1x1024xf32, #tpu.memory_space<vmem_shared>>
      %dma_start3A_287 = tpu.memref_squeeze %dma_start3A_286 : memref<1x1x1x1024xf32, #tpu.memory_space<vmem_shared>> -> memref<1024xf32, #tpu.memory_space<vmem_shared>>
      tpu.enqueue_dma source(%dma_start3A_287 : memref<1024xf32, #tpu.memory_space<vmem_shared>>) target(%arg19 : memref<1024xf32, #tpu.memory_space<vmem>>) target_semaphore(%arg23 : memref<!tpu.dma_semaphore, #tpu.memory_space<semaphore_mem>>)
      %dma_wait3A_288 = arith.constant 0 : i32
      %dma_wait3A_289 = tpu.memref_slice %arg21[%dma_wait3A_288, %select_n3A, %select_n3A_28, %mul3A_255] : memref<2x4x4x4096xf32, #tpu.memory_space<vmem_shared>> -> memref<1x1x1x1024xf32, #tpu.memory_space<vmem_shared>>
      %dma_wait3A_290 = tpu.memref_squeeze %dma_wait3A_289 : memref<1x1x1x1024xf32, #tpu.memory_space<vmem_shared>> -> memref<1024xf32, #tpu.memory_space<vmem_shared>>
      %dma_wait3A_291 = tpu.memref_slice %arg21[%dma_wait3A_288, %select_n3A, %select_n3A_28, %mul3A_255] : memref<2x4x4x4096xf32, #tpu.memory_space<vmem_shared>> -> memref<1x1x1x1024xf32, #tpu.memory_space<vmem_shared>>
      %dma_wait3A_292 = tpu.memref_squeeze %dma_wait3A_291 : memref<1x1x1x1024xf32, #tpu.memory_space<vmem_shared>> -> memref<1024xf32, #tpu.memory_space<vmem_shared>>
      tpu.wait_dma2 semaphore(%arg23 : memref<!tpu.dma_semaphore, #tpu.memory_space<semaphore_mem>>) src(%dma_wait3A_292 : memref<1024xf32, #tpu.memory_space<vmem_shared>>) dst(%arg16 : memref<1024xf32, #tpu.memory_space<vmem>>)
      %dma_wait3A_293 = arith.constant 0 : i32
      %dma_wait3A_294 = tpu.memref_slice %arg21[%dma_wait3A_293, %select_n3A, %rem3A_264, %mul3A_255] : memref<2x4x4x4096xf32, #tpu.memory_space<vmem_shared>> -> memref<1x1x1x1024xf32, #tpu.memory_space<vmem_shared>>
      %dma_wait3A_295 = tpu.memref_squeeze %dma_wait3A_294 : memref<1x1x1x1024xf32, #tpu.memory_space<vmem_shared>> -> memref<1024xf32, #tpu.memory_space<vmem_shared>>
      %dma_wait3A_296 = tpu.memref_slice %arg21[%dma_wait3A_293, %select_n3A, %rem3A_264, %mul3A_255] : memref<2x4x4x4096xf32, #tpu.memory_space<vmem_shared>> -> memref<1x1x1x1024xf32, #tpu.memory_space<vmem_shared>>
      %dma_wait3A_297 = tpu.memref_squeeze %dma_wait3A_296 : memref<1x1x1x1024xf32, #tpu.memory_space<vmem_shared>> -> memref<1024xf32, #tpu.memory_space<vmem_shared>>
      tpu.wait_dma2 semaphore(%arg23 : memref<!tpu.dma_semaphore, #tpu.memory_space<semaphore_mem>>) src(%dma_wait3A_297 : memref<1024xf32, #tpu.memory_space<vmem_shared>>) dst(%arg17 : memref<1024xf32, #tpu.memory_space<vmem>>)
      %dma_wait3A_298 = arith.constant 0 : i32
      %dma_wait3A_299 = tpu.memref_slice %arg21[%dma_wait3A_298, %select_n3A, %rem3A_273, %mul3A_255] : memref<2x4x4x4096xf32, #tpu.memory_space<vmem_shared>> -> memref<1x1x1x1024xf32, #tpu.memory_space<vmem_shared>>
      %dma_wait3A_300 = tpu.memref_squeeze %dma_wait3A_299 : memref<1x1x1x1024xf32, #tpu.memory_space<vmem_shared>> -> memref<1024xf32, #tpu.memory_space<vmem_shared>>
      %dma_wait3A_301 = tpu.memref_slice %arg21[%dma_wait3A_298, %select_n3A, %rem3A_273, %mul3A_255] : memref<2x4x4x4096xf32, #tpu.memory_space<vmem_shared>> -> memref<1x1x1x1024xf32, #tpu.memory_space<vmem_shared>>
      %dma_wait3A_302 = tpu.memref_squeeze %dma_wait3A_301 : memref<1x1x1x1024xf32, #tpu.memory_space<vmem_shared>> -> memref<1024xf32, #tpu.memory_space<vmem_shared>>
      tpu.wait_dma2 semaphore(%arg23 : memref<!tpu.dma_semaphore, #tpu.memory_space<semaphore_mem>>) src(%dma_wait3A_302 : memref<1024xf32, #tpu.memory_space<vmem_shared>>) dst(%arg18 : memref<1024xf32, #tpu.memory_space<vmem>>)
      %dma_wait3A_303 = arith.constant 0 : i32
      %dma_wait3A_304 = tpu.memref_slice %arg21[%dma_wait3A_303, %select_n3A, %rem3A_282, %mul3A_255] : memref<2x4x4x4096xf32, #tpu.memory_space<vmem_shared>> -> memref<1x1x1x1024xf32, #tpu.memory_space<vmem_shared>>
      %dma_wait3A_305 = tpu.memref_squeeze %dma_wait3A_304 : memref<1x1x1x1024xf32, #tpu.memory_space<vmem_shared>> -> memref<1024xf32, #tpu.memory_space<vmem_shared>>
      %dma_wait3A_306 = tpu.memref_slice %arg21[%dma_wait3A_303, %select_n3A, %rem3A_282, %mul3A_255] : memref<2x4x4x4096xf32, #tpu.memory_space<vmem_shared>> -> memref<1x1x1x1024xf32, #tpu.memory_space<vmem_shared>>
      %dma_wait3A_307 = tpu.memref_squeeze %dma_wait3A_306 : memref<1x1x1x1024xf32, #tpu.memory_space<vmem_shared>> -> memref<1024xf32, #tpu.memory_space<vmem_shared>>
      tpu.wait_dma2 semaphore(%arg23 : memref<!tpu.dma_semaphore, #tpu.memory_space<semaphore_mem>>) src(%dma_wait3A_307 : memref<1024xf32, #tpu.memory_space<vmem_shared>>) dst(%arg19 : memref<1024xf32, #tpu.memory_space<vmem>>)
      %parallel_loop3A_308 = arith.constant 0 : i32
      %parallel_loop3A_309 = arith.constant 64 : i32
      %parallel_loop3A_310 = arith.constant 1 : i32
      scf.for %parallel_loop3A_323 = %parallel_loop3A_308 to %parallel_loop3A_309 step %parallel_loop3A_310  : i32 {
        %parallel_loop3A_324 = arith.constant 16 : i32
        %parallel_loop3A_325 = arith.muli %parallel_loop3A_323, %parallel_loop3A_324 : i32
        %parallel_loop3A_326 = arith.index_cast %parallel_loop3A_325 : i32 to index
        %parallel_loop3A_327 = tpu.vector_load %arg16[%parallel_loop3A_326] {strides = array<i32>} : memref<1024xf32, #tpu.memory_space<vmem>>, vector<16xf32>,
        %parallel_loop3A_328 = arith.index_cast %parallel_loop3A_325 : i32 to index
        %parallel_loop3A_329 = tpu.vector_load %arg17[%parallel_loop3A_328] {strides = array<i32>} : memref<1024xf32, #tpu.memory_space<vmem>>, vector<16xf32>,
        %parallel_loop3A_330 = arith.addf %parallel_loop3A_327, %parallel_loop3A_329 : vector<16xf32>
        %parallel_loop3A_331 = arith.index_cast %parallel_loop3A_325 : i32 to index
        %parallel_loop3A_332 = tpu.vector_load %arg18[%parallel_loop3A_331] {strides = array<i32>} : memref<1024xf32, #tpu.memory_space<vmem>>, vector<16xf32>,
        %parallel_loop3A_333 = arith.index_cast %parallel_loop3A_325 : i32 to index
        %parallel_loop3A_334 = tpu.vector_load %arg19[%parallel_loop3A_333] {strides = array<i32>} : memref<1024xf32, #tpu.memory_space<vmem>>, vector<16xf32>,
        %parallel_loop3A_335 = arith.addf %parallel_loop3A_332, %parallel_loop3A_334 : vector<16xf32>
        %parallel_loop3A_336 = arith.addf %parallel_loop3A_330, %parallel_loop3A_335 : vector<16xf32>
        %parallel_loop3A_337 = arith.index_cast %parallel_loop3A_325 : i32 to index
        %parallel_loop3A_338 = tpu.vector_load %arg12[%parallel_loop3A_337] {strides = array<i32>} : memref<1024xf32, #tpu.memory_space<vmem>>, vector<16xf32>,
        %parallel_loop3A_339 = arith.constant 1.000000e+00 : f32
        %parallel_loop3A_340 = vector.broadcast %parallel_loop3A_339 : f32 to vector<16xf32>
        %parallel_loop3A_341 = arith.mulf %parallel_loop3A_340, %parallel_loop3A_336 : vector<16xf32>
        %parallel_loop3A_342 = arith.addf %parallel_loop3A_338, %parallel_loop3A_341 : vector<16xf32>
        %parallel_loop3A_343 = arith.index_cast %parallel_loop3A_325 : i32 to index
        %parallel_loop3A_344 = tpu.vector_load %arg13[%parallel_loop3A_343] {strides = array<i32>} : memref<1024xf32, #tpu.memory_space<vmem>>, vector<16xf32>,
        %parallel_loop3A_345 = arith.mulf %parallel_loop3A_342, %parallel_loop3A_344 : vector<16xf32>
        %parallel_loop3A_346 = arith.index_cast %parallel_loop3A_325 : i32 to index
        %parallel_loop3A_347 = tpu.vector_load %arg20[%parallel_loop3A_346] {strides = array<i32>} : memref<1024xf32, #tpu.memory_space<vmem>>, vector<16xf32>,
        tpu.vector_store %arg20[%parallel_loop3A_346], %parallel_loop3A_345 {strides = array<i32>} : memref<1024xf32, #tpu.memory_space<vmem>>, vector<16xf32>,
      } {sc.loop_unroll_factor = 4 : i64, sc.parallel_access}
      %mul3A_311 = arith.constant 1024 : i32
      %mul3A_312 = arith.muli %select_n3A_28, %mul3A_311 : i32
      "tpu.region"() ({
        %run_scoped3A_323 = tpu.sem_alloc : memref<!tpu.dma_semaphore, #tpu.memory_space<semaphore_mem>>
        %dma_start3A_324 = tpu.memref_slice %arg22[%select_n3A, %mul3A_312] : memref<4x4096xf32, #tpu.memory_space<vmem_shared>> -> memref<1x1024xf32, #tpu.memory_space<vmem_shared>>
        %dma_start3A_325 = tpu.memref_squeeze %dma_start3A_324 : memref<1x1024xf32, #tpu.memory_space<vmem_shared>> -> memref<1024xf32, #tpu.memory_space<vmem_shared>>
        %dma_start3A_326 = tpu.memref_slice %arg22[%select_n3A, %mul3A_312] : memref<4x4096xf32, #tpu.memory_space<vmem_shared>> -> memref<1x1024xf32, #tpu.memory_space<vmem_shared>>
        %dma_start3A_327 = tpu.memref_squeeze %dma_start3A_326 : memref<1x1024xf32, #tpu.memory_space<vmem_shared>> -> memref<1024xf32, #tpu.memory_space<vmem_shared>>
        tpu.enqueue_dma source(%arg20 : memref<1024xf32, #tpu.memory_space<vmem>>) target(%dma_start3A_327 : memref<1024xf32, #tpu.memory_space<vmem_shared>>) target_semaphore(%run_scoped3A_323 : memref<!tpu.dma_semaphore, #tpu.memory_space<semaphore_mem>>)
        %dma_wait3A_328 = tpu.memref_slice %arg22[%select_n3A, %mul3A_312] : memref<4x4096xf32, #tpu.memory_space<vmem_shared>> -> memref<1x1024xf32, #tpu.memory_space<vmem_shared>>
        %dma_wait3A_329 = tpu.memref_squeeze %dma_wait3A_328 : memref<1x1024xf32, #tpu.memory_space<vmem_shared>> -> memref<1024xf32, #tpu.memory_space<vmem_shared>>
        %dma_wait3A_330 = tpu.memref_slice %arg22[%select_n3A, %mul3A_312] : memref<4x4096xf32, #tpu.memory_space<vmem_shared>> -> memref<1x1024xf32, #tpu.memory_space<vmem_shared>>
        %dma_wait3A_331 = tpu.memref_squeeze %dma_wait3A_330 : memref<1x1024xf32, #tpu.memory_space<vmem_shared>> -> memref<1024xf32, #tpu.memory_space<vmem_shared>>
        tpu.wait_dma2 semaphore(%run_scoped3A_323 : memref<!tpu.dma_semaphore, #tpu.memory_space<semaphore_mem>>) src(%arg20 : memref<1024xf32, #tpu.memory_space<vmem>>) dst(%dma_wait3A_331 : memref<1024xf32, #tpu.memory_space<vmem_shared>>)
        tpu.yield
      }) : () -> ()
      %barrier3A_313 = arith.constant 0 : index
      tpu.barrier barrier_id(%barrier3A_313)
      "tpu.region"() ({
        %run_scoped3A_323 = tpu.sem_alloc : memref<!tpu.dma_semaphore, #tpu.memory_space<semaphore_mem>>
        %dma_start3A_324 = arith.constant 0 : i32
        %dma_start3A_325 = tpu.memref_slice %arg22[%select_n3A, %dma_start3A_324] : memref<4x4096xf32, #tpu.memory_space<vmem_shared>> -> memref<1x4096xf32, #tpu.memory_space<vmem_shared>>
        %dma_start3A_326 = tpu.memref_squeeze %dma_start3A_325 : memref<1x4096xf32, #tpu.memory_space<vmem_shared>> -> memref<4096xf32, #tpu.memory_space<vmem_shared>>
        %dma_start3A_327 = arith.constant 0 : i32
        %dma_start3A_328 = tpu.memref_slice %arg22[%select_n3A, %dma_start3A_327] : memref<4x4096xf32, #tpu.memory_space<vmem_shared>> -> memref<1x4096xf32, #tpu.memory_space<vmem_shared>>
        %dma_start3A_329 = tpu.memref_squeeze %dma_start3A_328 : memref<1x4096xf32, #tpu.memory_space<vmem_shared>> -> memref<4096xf32, #tpu.memory_space<vmem_shared>>
        tpu.enqueue_dma source(%dma_start3A_329 : memref<4096xf32, #tpu.memory_space<vmem_shared>>) target(%arg11 : memref<4096xf32, #tpu.memory_space<vmem>>) target_semaphore(%run_scoped3A_323 : memref<!tpu.dma_semaphore, #tpu.memory_space<semaphore_mem>>)
        %dma_wait3A_330 = arith.constant 0 : i32
        %dma_wait3A_331 = tpu.memref_slice %arg22[%select_n3A, %dma_wait3A_330] : memref<4x4096xf32, #tpu.memory_space<vmem_shared>> -> memref<1x4096xf32, #tpu.memory_space<vmem_shared>>
        %dma_wait3A_332 = tpu.memref_squeeze %dma_wait3A_331 : memref<1x4096xf32, #tpu.memory_space<vmem_shared>> -> memref<4096xf32, #tpu.memory_space<vmem_shared>>
        %dma_wait3A_333 = arith.constant 0 : i32
        %dma_wait3A_334 = tpu.memref_slice %arg22[%select_n3A, %dma_wait3A_333] : memref<4x4096xf32, #tpu.memory_space<vmem_shared>> -> memref<1x4096xf32, #tpu.memory_space<vmem_shared>>
        %dma_wait3A_335 = tpu.memref_squeeze %dma_wait3A_334 : memref<1x4096xf32, #tpu.memory_space<vmem_shared>> -> memref<4096xf32, #tpu.memory_space<vmem_shared>>
        tpu.wait_dma2 semaphore(%run_scoped3A_323 : memref<!tpu.dma_semaphore, #tpu.memory_space<semaphore_mem>>) src(%dma_wait3A_335 : memref<4096xf32, #tpu.memory_space<vmem_shared>>) dst(%arg11 : memref<4096xf32, #tpu.memory_space<vmem>>)
        tpu.yield
      }) : () -> ()
      %scan3A_314 = arith.constant 0 : i32
      %scan3A_315 = arith.constant 1 : i32
      %scan3A_316 = arith.constant 4 : i32
      %scan3A_317 = arith.addi %scan3A_315, %scan3A_316 : i32
      %scan3A_318 = arith.constant 1 : i32
      scf.for %scan3A_323 = %scan3A_315 to %scan3A_317 step %scan3A_318  : i32 {
        %parallel_loop3A_324 = arith.constant 0 : i32
        %parallel_loop3A_325 = arith.constant 1024 : i32
        %parallel_loop3A_326 = arith.constant 1 : i32
        scf.for %parallel_loop3A_385 = %parallel_loop3A_324 to %parallel_loop3A_325 step %parallel_loop3A_326  : i32 {
          %parallel_loop3A_386 = arith.constant 16 : i32
          %parallel_loop3A_387 = arith.muli %parallel_loop3A_385, %parallel_loop3A_386 : i32
          %parallel_loop3A_388 = arith.index_cast %parallel_loop3A_387 : i32 to index
          %parallel_loop3A_389 = tpu.vector_load %arg8[%parallel_loop3A_388] {strides = array<i32>} : memref<16384xi32, #tpu.memory_space<vmem>>, vector<16xi32>,
          %parallel_loop3A_390 = arith.constant 4095 : i32
          %parallel_loop3A_391 = vector.broadcast %parallel_loop3A_390 : i32 to vector<16xi32>
          %parallel_loop3A_392 = arith.andi %parallel_loop3A_389, %parallel_loop3A_391 : vector<16xi32>
          %parallel_loop3A_393 = arith.constant 12 : i32
          %parallel_loop3A_394 = vector.broadcast %parallel_loop3A_393 : i32 to vector<16xi32>
          %parallel_loop3A_395 = arith.shrsi %parallel_loop3A_389, %parallel_loop3A_394 : vector<16xi32>
          %parallel_loop3A_396 = tpu.vector_load_idx %arg11[%parallel_loop3A_392] : memref<4096xf32, #tpu.memory_space<vmem>>[vector<16xi32>], vector<16xf32>,
          %parallel_loop3A_397 = tpu.vector_load_idx %arg11[%parallel_loop3A_395] : memref<4096xf32, #tpu.memory_space<vmem>>[vector<16xi32>], vector<16xf32>,
          tpu.vector_store_idx %arg14[%parallel_loop3A_392], %parallel_loop3A_397 {add = true} : memref<4096xf32, #tpu.memory_space<vmem>>[vector<16xi32>], vector<16xf32>,
          tpu.vector_store_idx %arg14[%parallel_loop3A_395], %parallel_loop3A_396 {add = true} : memref<4096xf32, #tpu.memory_space<vmem>>[vector<16xi32>], vector<16xf32>,
        } {sc.loop_unroll_factor = 4 : i64, sc.parallel_access}
        %rem3A_327 = arith.constant 2 : i32
        %rem3A_328 = arith.remsi %scan3A_323, %rem3A_327 : i32
        "tpu.region"() ({
          %run_scoped3A_385 = tpu.sem_alloc : memref<!tpu.dma_semaphore, #tpu.memory_space<semaphore_mem>>
          %dma_start3A_386 = arith.constant 0 : i32
          %dma_start3A_387 = tpu.memref_slice %arg21[%rem3A_328, %select_n3A, %select_n3A_28, %dma_start3A_386] : memref<2x4x4x4096xf32, #tpu.memory_space<vmem_shared>> -> memref<1x1x1x4096xf32, #tpu.memory_space<vmem_shared>>
          %dma_start3A_388 = tpu.memref_squeeze %dma_start3A_387 : memref<1x1x1x4096xf32, #tpu.memory_space<vmem_shared>> -> memref<4096xf32, #tpu.memory_space<vmem_shared>>
          %dma_start3A_389 = arith.constant 0 : i32
          %dma_start3A_390 = tpu.memref_slice %arg21[%rem3A_328, %select_n3A, %select_n3A_28, %dma_start3A_389] : memref<2x4x4x4096xf32, #tpu.memory_space<vmem_shared>> -> memref<1x1x1x4096xf32, #tpu.memory_space<vmem_shared>>
          %dma_start3A_391 = tpu.memref_squeeze %dma_start3A_390 : memref<1x1x1x4096xf32, #tpu.memory_space<vmem_shared>> -> memref<4096xf32, #tpu.memory_space<vmem_shared>>
          tpu.enqueue_dma source(%arg14 : memref<4096xf32, #tpu.memory_space<vmem>>) target(%dma_start3A_391 : memref<4096xf32, #tpu.memory_space<vmem_shared>>) target_semaphore(%run_scoped3A_385 : memref<!tpu.dma_semaphore, #tpu.memory_space<semaphore_mem>>)
          %dma_wait3A_392 = arith.constant 0 : i32
          %dma_wait3A_393 = tpu.memref_slice %arg21[%rem3A_328, %select_n3A, %select_n3A_28, %dma_wait3A_392] : memref<2x4x4x4096xf32, #tpu.memory_space<vmem_shared>> -> memref<1x1x1x4096xf32, #tpu.memory_space<vmem_shared>>
          %dma_wait3A_394 = tpu.memref_squeeze %dma_wait3A_393 : memref<1x1x1x4096xf32, #tpu.memory_space<vmem_shared>> -> memref<4096xf32, #tpu.memory_space<vmem_shared>>
          %dma_wait3A_395 = arith.constant 0 : i32
          %dma_wait3A_396 = tpu.memref_slice %arg21[%rem3A_328, %select_n3A, %select_n3A_28, %dma_wait3A_395] : memref<2x4x4x4096xf32, #tpu.memory_space<vmem_shared>> -> memref<1x1x1x4096xf32, #tpu.memory_space<vmem_shared>>
          %dma_wait3A_397 = tpu.memref_squeeze %dma_wait3A_396 : memref<1x1x1x4096xf32, #tpu.memory_space<vmem_shared>> -> memref<4096xf32, #tpu.memory_space<vmem_shared>>
          tpu.wait_dma2 semaphore(%run_scoped3A_385 : memref<!tpu.dma_semaphore, #tpu.memory_space<semaphore_mem>>) src(%arg14 : memref<4096xf32, #tpu.memory_space<vmem>>) dst(%dma_wait3A_397 : memref<4096xf32, #tpu.memory_space<vmem_shared>>)
          tpu.yield
        }) : () -> ()
        %parallel_loop3A_329 = arith.constant 0 : i32
        %parallel_loop3A_330 = arith.constant 256 : i32
        %parallel_loop3A_331 = arith.constant 1 : i32
        scf.for %parallel_loop3A_385 = %parallel_loop3A_329 to %parallel_loop3A_330 step %parallel_loop3A_331  : i32 {
          %parallel_loop3A_386 = arith.constant 16 : i32
          %parallel_loop3A_387 = arith.muli %parallel_loop3A_385, %parallel_loop3A_386 : i32
          %parallel_loop3A_388 = arith.index_cast %parallel_loop3A_387 : i32 to index
          %parallel_loop3A_389 = tpu.vector_load %arg14[%parallel_loop3A_388] {strides = array<i32>} : memref<4096xf32, #tpu.memory_space<vmem>>, vector<16xf32>,
          tpu.vector_store %arg14[%parallel_loop3A_388], %broadcast_in_dim3A_31 {strides = array<i32>} : memref<4096xf32, #tpu.memory_space<vmem>>, vector<16xf32>,
        } {sc.loop_unroll_factor = 4 : i64, sc.parallel_access}
        %barrier3A_332 = arith.constant 0 : index
        tpu.barrier barrier_id(%barrier3A_332)
        %mul3A_333 = arith.constant 1024 : i32
        %mul3A_334 = arith.muli %select_n3A_28, %mul3A_333 : i32
        %dma_start3A_335 = tpu.memref_slice %arg21[%rem3A_328, %select_n3A, %select_n3A_28, %mul3A_334] : memref<2x4x4x4096xf32, #tpu.memory_space<vmem_shared>> -> memref<1x1x1x1024xf32, #tpu.memory_space<vmem_shared>>
        %dma_start3A_336 = tpu.memref_squeeze %dma_start3A_335 : memref<1x1x1x1024xf32, #tpu.memory_space<vmem_shared>> -> memref<1024xf32, #tpu.memory_space<vmem_shared>>
        %dma_start3A_337 = tpu.memref_slice %arg21[%rem3A_328, %select_n3A, %select_n3A_28, %mul3A_334] : memref<2x4x4x4096xf32, #tpu.memory_space<vmem_shared>> -> memref<1x1x1x1024xf32, #tpu.memory_space<vmem_shared>>
        %dma_start3A_338 = tpu.memref_squeeze %dma_start3A_337 : memref<1x1x1x1024xf32, #tpu.memory_space<vmem_shared>> -> memref<1024xf32, #tpu.memory_space<vmem_shared>>
        tpu.enqueue_dma source(%dma_start3A_338 : memref<1024xf32, #tpu.memory_space<vmem_shared>>) target(%arg16 : memref<1024xf32, #tpu.memory_space<vmem>>) target_semaphore(%arg23 : memref<!tpu.dma_semaphore, #tpu.memory_space<semaphore_mem>>)
        %add3A_339 = arith.constant 1 : i32
        %add3A_340 = arith.addi %select_n3A_28, %add3A_339 : i32
        %rem3A_341 = arith.constant 4 : i32
        %rem3A_342 = arith.remsi %add3A_340, %rem3A_341 : i32
        %dma_start3A_343 = tpu.memref_slice %arg21[%rem3A_328, %select_n3A, %rem3A_342, %mul3A_334] : memref<2x4x4x4096xf32, #tpu.memory_space<vmem_shared>> -> memref<1x1x1x1024xf32, #tpu.memory_space<vmem_shared>>
        %dma_start3A_344 = tpu.memref_squeeze %dma_start3A_343 : memref<1x1x1x1024xf32, #tpu.memory_space<vmem_shared>> -> memref<1024xf32, #tpu.memory_space<vmem_shared>>
        %dma_start3A_345 = tpu.memref_slice %arg21[%rem3A_328, %select_n3A, %rem3A_342, %mul3A_334] : memref<2x4x4x4096xf32, #tpu.memory_space<vmem_shared>> -> memref<1x1x1x1024xf32, #tpu.memory_space<vmem_shared>>
        %dma_start3A_346 = tpu.memref_squeeze %dma_start3A_345 : memref<1x1x1x1024xf32, #tpu.memory_space<vmem_shared>> -> memref<1024xf32, #tpu.memory_space<vmem_shared>>
        tpu.enqueue_dma source(%dma_start3A_346 : memref<1024xf32, #tpu.memory_space<vmem_shared>>) target(%arg17 : memref<1024xf32, #tpu.memory_space<vmem>>) target_semaphore(%arg23 : memref<!tpu.dma_semaphore, #tpu.memory_space<semaphore_mem>>)
        %add3A_347 = arith.constant 2 : i32
        %add3A_348 = arith.addi %select_n3A_28, %add3A_347 : i32
        %rem3A_349 = arith.constant 4 : i32
        %rem3A_350 = arith.remsi %add3A_348, %rem3A_349 : i32
        %dma_start3A_351 = tpu.memref_slice %arg21[%rem3A_328, %select_n3A, %rem3A_350, %mul3A_334] : memref<2x4x4x4096xf32, #tpu.memory_space<vmem_shared>> -> memref<1x1x1x1024xf32, #tpu.memory_space<vmem_shared>>
        %dma_start3A_352 = tpu.memref_squeeze %dma_start3A_351 : memref<1x1x1x1024xf32, #tpu.memory_space<vmem_shared>> -> memref<1024xf32, #tpu.memory_space<vmem_shared>>
        %dma_start3A_353 = tpu.memref_slice %arg21[%rem3A_328, %select_n3A, %rem3A_350, %mul3A_334] : memref<2x4x4x4096xf32, #tpu.memory_space<vmem_shared>> -> memref<1x1x1x1024xf32, #tpu.memory_space<vmem_shared>>
        %dma_start3A_354 = tpu.memref_squeeze %dma_start3A_353 : memref<1x1x1x1024xf32, #tpu.memory_space<vmem_shared>> -> memref<1024xf32, #tpu.memory_space<vmem_shared>>
        tpu.enqueue_dma source(%dma_start3A_354 : memref<1024xf32, #tpu.memory_space<vmem_shared>>) target(%arg18 : memref<1024xf32, #tpu.memory_space<vmem>>) target_semaphore(%arg23 : memref<!tpu.dma_semaphore, #tpu.memory_space<semaphore_mem>>)
        %add3A_355 = arith.constant 3 : i32
        %add3A_356 = arith.addi %select_n3A_28, %add3A_355 : i32
        %rem3A_357 = arith.constant 4 : i32
        %rem3A_358 = arith.remsi %add3A_356, %rem3A_357 : i32
        %dma_start3A_359 = tpu.memref_slice %arg21[%rem3A_328, %select_n3A, %rem3A_358, %mul3A_334] : memref<2x4x4x4096xf32, #tpu.memory_space<vmem_shared>> -> memref<1x1x1x1024xf32, #tpu.memory_space<vmem_shared>>
        %dma_start3A_360 = tpu.memref_squeeze %dma_start3A_359 : memref<1x1x1x1024xf32, #tpu.memory_space<vmem_shared>> -> memref<1024xf32, #tpu.memory_space<vmem_shared>>
        %dma_start3A_361 = tpu.memref_slice %arg21[%rem3A_328, %select_n3A, %rem3A_358, %mul3A_334] : memref<2x4x4x4096xf32, #tpu.memory_space<vmem_shared>> -> memref<1x1x1x1024xf32, #tpu.memory_space<vmem_shared>>
        %dma_start3A_362 = tpu.memref_squeeze %dma_start3A_361 : memref<1x1x1x1024xf32, #tpu.memory_space<vmem_shared>> -> memref<1024xf32, #tpu.memory_space<vmem_shared>>
        tpu.enqueue_dma source(%dma_start3A_362 : memref<1024xf32, #tpu.memory_space<vmem_shared>>) target(%arg19 : memref<1024xf32, #tpu.memory_space<vmem>>) target_semaphore(%arg23 : memref<!tpu.dma_semaphore, #tpu.memory_space<semaphore_mem>>)
        %dma_wait3A_363 = tpu.memref_slice %arg21[%rem3A_328, %select_n3A, %select_n3A_28, %mul3A_334] : memref<2x4x4x4096xf32, #tpu.memory_space<vmem_shared>> -> memref<1x1x1x1024xf32, #tpu.memory_space<vmem_shared>>
        %dma_wait3A_364 = tpu.memref_squeeze %dma_wait3A_363 : memref<1x1x1x1024xf32, #tpu.memory_space<vmem_shared>> -> memref<1024xf32, #tpu.memory_space<vmem_shared>>
        %dma_wait3A_365 = tpu.memref_slice %arg21[%rem3A_328, %select_n3A, %select_n3A_28, %mul3A_334] : memref<2x4x4x4096xf32, #tpu.memory_space<vmem_shared>> -> memref<1x1x1x1024xf32, #tpu.memory_space<vmem_shared>>
        %dma_wait3A_366 = tpu.memref_squeeze %dma_wait3A_365 : memref<1x1x1x1024xf32, #tpu.memory_space<vmem_shared>> -> memref<1024xf32, #tpu.memory_space<vmem_shared>>
        tpu.wait_dma2 semaphore(%arg23 : memref<!tpu.dma_semaphore, #tpu.memory_space<semaphore_mem>>) src(%dma_wait3A_366 : memref<1024xf32, #tpu.memory_space<vmem_shared>>) dst(%arg16 : memref<1024xf32, #tpu.memory_space<vmem>>)
        %dma_wait3A_367 = tpu.memref_slice %arg21[%rem3A_328, %select_n3A, %rem3A_342, %mul3A_334] : memref<2x4x4x4096xf32, #tpu.memory_space<vmem_shared>> -> memref<1x1x1x1024xf32, #tpu.memory_space<vmem_shared>>
        %dma_wait3A_368 = tpu.memref_squeeze %dma_wait3A_367 : memref<1x1x1x1024xf32, #tpu.memory_space<vmem_shared>> -> memref<1024xf32, #tpu.memory_space<vmem_shared>>
        %dma_wait3A_369 = tpu.memref_slice %arg21[%rem3A_328, %select_n3A, %rem3A_342, %mul3A_334] : memref<2x4x4x4096xf32, #tpu.memory_space<vmem_shared>> -> memref<1x1x1x1024xf32, #tpu.memory_space<vmem_shared>>
        %dma_wait3A_370 = tpu.memref_squeeze %dma_wait3A_369 : memref<1x1x1x1024xf32, #tpu.memory_space<vmem_shared>> -> memref<1024xf32, #tpu.memory_space<vmem_shared>>
        tpu.wait_dma2 semaphore(%arg23 : memref<!tpu.dma_semaphore, #tpu.memory_space<semaphore_mem>>) src(%dma_wait3A_370 : memref<1024xf32, #tpu.memory_space<vmem_shared>>) dst(%arg17 : memref<1024xf32, #tpu.memory_space<vmem>>)
        %dma_wait3A_371 = tpu.memref_slice %arg21[%rem3A_328, %select_n3A, %rem3A_350, %mul3A_334] : memref<2x4x4x4096xf32, #tpu.memory_space<vmem_shared>> -> memref<1x1x1x1024xf32, #tpu.memory_space<vmem_shared>>
        %dma_wait3A_372 = tpu.memref_squeeze %dma_wait3A_371 : memref<1x1x1x1024xf32, #tpu.memory_space<vmem_shared>> -> memref<1024xf32, #tpu.memory_space<vmem_shared>>
        %dma_wait3A_373 = tpu.memref_slice %arg21[%rem3A_328, %select_n3A, %rem3A_350, %mul3A_334] : memref<2x4x4x4096xf32, #tpu.memory_space<vmem_shared>> -> memref<1x1x1x1024xf32, #tpu.memory_space<vmem_shared>>
        %dma_wait3A_374 = tpu.memref_squeeze %dma_wait3A_373 : memref<1x1x1x1024xf32, #tpu.memory_space<vmem_shared>> -> memref<1024xf32, #tpu.memory_space<vmem_shared>>
        tpu.wait_dma2 semaphore(%arg23 : memref<!tpu.dma_semaphore, #tpu.memory_space<semaphore_mem>>) src(%dma_wait3A_374 : memref<1024xf32, #tpu.memory_space<vmem_shared>>) dst(%arg18 : memref<1024xf32, #tpu.memory_space<vmem>>)
        %dma_wait3A_375 = tpu.memref_slice %arg21[%rem3A_328, %select_n3A, %rem3A_358, %mul3A_334] : memref<2x4x4x4096xf32, #tpu.memory_space<vmem_shared>> -> memref<1x1x1x1024xf32, #tpu.memory_space<vmem_shared>>
        %dma_wait3A_376 = tpu.memref_squeeze %dma_wait3A_375 : memref<1x1x1x1024xf32, #tpu.memory_space<vmem_shared>> -> memref<1024xf32, #tpu.memory_space<vmem_shared>>
        %dma_wait3A_377 = tpu.memref_slice %arg21[%rem3A_328, %select_n3A, %rem3A_358, %mul3A_334] : memref<2x4x4x4096xf32, #tpu.memory_space<vmem_shared>> -> memref<1x1x1x1024xf32, #tpu.memory_space<vmem_shared>>
        %dma_wait3A_378 = tpu.memref_squeeze %dma_wait3A_377 : memref<1x1x1x1024xf32, #tpu.memory_space<vmem_shared>> -> memref<1024xf32, #tpu.memory_space<vmem_shared>>
        tpu.wait_dma2 semaphore(%arg23 : memref<!tpu.dma_semaphore, #tpu.memory_space<semaphore_mem>>) src(%dma_wait3A_378 : memref<1024xf32, #tpu.memory_space<vmem_shared>>) dst(%arg19 : memref<1024xf32, #tpu.memory_space<vmem>>)
        %parallel_loop3A_379 = arith.constant 0 : i32
        %parallel_loop3A_380 = arith.constant 64 : i32
        %parallel_loop3A_381 = arith.constant 1 : i32
        scf.for %parallel_loop3A_385 = %parallel_loop3A_379 to %parallel_loop3A_380 step %parallel_loop3A_381  : i32 {
          %parallel_loop3A_386 = arith.constant 16 : i32
          %parallel_loop3A_387 = arith.muli %parallel_loop3A_385, %parallel_loop3A_386 : i32
          %parallel_loop3A_388 = arith.index_cast %parallel_loop3A_387 : i32 to index
          %parallel_loop3A_389 = tpu.vector_load %arg16[%parallel_loop3A_388] {strides = array<i32>} : memref<1024xf32, #tpu.memory_space<vmem>>, vector<16xf32>,
          %parallel_loop3A_390 = arith.index_cast %parallel_loop3A_387 : i32 to index
          %parallel_loop3A_391 = tpu.vector_load %arg17[%parallel_loop3A_390] {strides = array<i32>} : memref<1024xf32, #tpu.memory_space<vmem>>, vector<16xf32>,
          %parallel_loop3A_392 = arith.addf %parallel_loop3A_389, %parallel_loop3A_391 : vector<16xf32>
          %parallel_loop3A_393 = arith.index_cast %parallel_loop3A_387 : i32 to index
          %parallel_loop3A_394 = tpu.vector_load %arg18[%parallel_loop3A_393] {strides = array<i32>} : memref<1024xf32, #tpu.memory_space<vmem>>, vector<16xf32>,
          %parallel_loop3A_395 = arith.index_cast %parallel_loop3A_387 : i32 to index
          %parallel_loop3A_396 = tpu.vector_load %arg19[%parallel_loop3A_395] {strides = array<i32>} : memref<1024xf32, #tpu.memory_space<vmem>>, vector<16xf32>,
          %parallel_loop3A_397 = arith.addf %parallel_loop3A_394, %parallel_loop3A_396 : vector<16xf32>
          %parallel_loop3A_398 = arith.addf %parallel_loop3A_392, %parallel_loop3A_397 : vector<16xf32>
          %parallel_loop3A_399 = arith.index_cast %parallel_loop3A_387 : i32 to index
          %parallel_loop3A_400 = tpu.vector_load %arg12[%parallel_loop3A_399] {strides = array<i32>} : memref<1024xf32, #tpu.memory_space<vmem>>, vector<16xf32>,
          %parallel_loop3A_401 = arith.constant 1.000000e+00 : f32
          %parallel_loop3A_402 = vector.broadcast %parallel_loop3A_401 : f32 to vector<16xf32>
          %parallel_loop3A_403 = arith.mulf %parallel_loop3A_402, %parallel_loop3A_398 : vector<16xf32>
          %parallel_loop3A_404 = arith.addf %parallel_loop3A_400, %parallel_loop3A_403 : vector<16xf32>
          %parallel_loop3A_405 = arith.index_cast %parallel_loop3A_387 : i32 to index
          %parallel_loop3A_406 = tpu.vector_load %arg13[%parallel_loop3A_405] {strides = array<i32>} : memref<1024xf32, #tpu.memory_space<vmem>>, vector<16xf32>,
          %parallel_loop3A_407 = arith.mulf %parallel_loop3A_404, %parallel_loop3A_406 : vector<16xf32>
          %parallel_loop3A_408 = arith.index_cast %parallel_loop3A_387 : i32 to index
          %parallel_loop3A_409 = tpu.vector_load %arg20[%parallel_loop3A_408] {strides = array<i32>} : memref<1024xf32, #tpu.memory_space<vmem>>, vector<16xf32>,
          tpu.vector_store %arg20[%parallel_loop3A_408], %parallel_loop3A_407 {strides = array<i32>} : memref<1024xf32, #tpu.memory_space<vmem>>, vector<16xf32>,
        } {sc.loop_unroll_factor = 4 : i64, sc.parallel_access}
        %mul3A_382 = arith.constant 1024 : i32
        %mul3A_383 = arith.muli %select_n3A_28, %mul3A_382 : i32
        "tpu.region"() ({
          %run_scoped3A_385 = tpu.sem_alloc : memref<!tpu.dma_semaphore, #tpu.memory_space<semaphore_mem>>
          %dma_start3A_386 = tpu.memref_slice %arg22[%select_n3A, %mul3A_383] : memref<4x4096xf32, #tpu.memory_space<vmem_shared>> -> memref<1x1024xf32, #tpu.memory_space<vmem_shared>>
          %dma_start3A_387 = tpu.memref_squeeze %dma_start3A_386 : memref<1x1024xf32, #tpu.memory_space<vmem_shared>> -> memref<1024xf32, #tpu.memory_space<vmem_shared>>
          %dma_start3A_388 = tpu.memref_slice %arg22[%select_n3A, %mul3A_383] : memref<4x4096xf32, #tpu.memory_space<vmem_shared>> -> memref<1x1024xf32, #tpu.memory_space<vmem_shared>>
          %dma_start3A_389 = tpu.memref_squeeze %dma_start3A_388 : memref<1x1024xf32, #tpu.memory_space<vmem_shared>> -> memref<1024xf32, #tpu.memory_space<vmem_shared>>
          tpu.enqueue_dma source(%arg20 : memref<1024xf32, #tpu.memory_space<vmem>>) target(%dma_start3A_389 : memref<1024xf32, #tpu.memory_space<vmem_shared>>) target_semaphore(%run_scoped3A_385 : memref<!tpu.dma_semaphore, #tpu.memory_space<semaphore_mem>>)
          %dma_wait3A_390 = tpu.memref_slice %arg22[%select_n3A, %mul3A_383] : memref<4x4096xf32, #tpu.memory_space<vmem_shared>> -> memref<1x1024xf32, #tpu.memory_space<vmem_shared>>
          %dma_wait3A_391 = tpu.memref_squeeze %dma_wait3A_390 : memref<1x1024xf32, #tpu.memory_space<vmem_shared>> -> memref<1024xf32, #tpu.memory_space<vmem_shared>>
          %dma_wait3A_392 = tpu.memref_slice %arg22[%select_n3A, %mul3A_383] : memref<4x4096xf32, #tpu.memory_space<vmem_shared>> -> memref<1x1024xf32, #tpu.memory_space<vmem_shared>>
          %dma_wait3A_393 = tpu.memref_squeeze %dma_wait3A_392 : memref<1x1024xf32, #tpu.memory_space<vmem_shared>> -> memref<1024xf32, #tpu.memory_space<vmem_shared>>
          tpu.wait_dma2 semaphore(%run_scoped3A_385 : memref<!tpu.dma_semaphore, #tpu.memory_space<semaphore_mem>>) src(%arg20 : memref<1024xf32, #tpu.memory_space<vmem>>) dst(%dma_wait3A_393 : memref<1024xf32, #tpu.memory_space<vmem_shared>>)
          tpu.yield
        }) : () -> ()
        %barrier3A_384 = arith.constant 0 : index
        tpu.barrier barrier_id(%barrier3A_384)
        "tpu.region"() ({
          %run_scoped3A_385 = tpu.sem_alloc : memref<!tpu.dma_semaphore, #tpu.memory_space<semaphore_mem>>
          %dma_start3A_386 = arith.constant 0 : i32
          %dma_start3A_387 = tpu.memref_slice %arg22[%select_n3A, %dma_start3A_386] : memref<4x4096xf32, #tpu.memory_space<vmem_shared>> -> memref<1x4096xf32, #tpu.memory_space<vmem_shared>>
          %dma_start3A_388 = tpu.memref_squeeze %dma_start3A_387 : memref<1x4096xf32, #tpu.memory_space<vmem_shared>> -> memref<4096xf32, #tpu.memory_space<vmem_shared>>
          %dma_start3A_389 = arith.constant 0 : i32
          %dma_start3A_390 = tpu.memref_slice %arg22[%select_n3A, %dma_start3A_389] : memref<4x4096xf32, #tpu.memory_space<vmem_shared>> -> memref<1x4096xf32, #tpu.memory_space<vmem_shared>>
          %dma_start3A_391 = tpu.memref_squeeze %dma_start3A_390 : memref<1x4096xf32, #tpu.memory_space<vmem_shared>> -> memref<4096xf32, #tpu.memory_space<vmem_shared>>
          tpu.enqueue_dma source(%dma_start3A_391 : memref<4096xf32, #tpu.memory_space<vmem_shared>>) target(%arg11 : memref<4096xf32, #tpu.memory_space<vmem>>) target_semaphore(%run_scoped3A_385 : memref<!tpu.dma_semaphore, #tpu.memory_space<semaphore_mem>>)
          %dma_wait3A_392 = arith.constant 0 : i32
          %dma_wait3A_393 = tpu.memref_slice %arg22[%select_n3A, %dma_wait3A_392] : memref<4x4096xf32, #tpu.memory_space<vmem_shared>> -> memref<1x4096xf32, #tpu.memory_space<vmem_shared>>
          %dma_wait3A_394 = tpu.memref_squeeze %dma_wait3A_393 : memref<1x4096xf32, #tpu.memory_space<vmem_shared>> -> memref<4096xf32, #tpu.memory_space<vmem_shared>>
          %dma_wait3A_395 = arith.constant 0 : i32
          %dma_wait3A_396 = tpu.memref_slice %arg22[%select_n3A, %dma_wait3A_395] : memref<4x4096xf32, #tpu.memory_space<vmem_shared>> -> memref<1x4096xf32, #tpu.memory_space<vmem_shared>>
          %dma_wait3A_397 = tpu.memref_squeeze %dma_wait3A_396 : memref<1x4096xf32, #tpu.memory_space<vmem_shared>> -> memref<4096xf32, #tpu.memory_space<vmem_shared>>
          tpu.wait_dma2 semaphore(%run_scoped3A_385 : memref<!tpu.dma_semaphore, #tpu.memory_space<semaphore_mem>>) src(%dma_wait3A_397 : memref<4096xf32, #tpu.memory_space<vmem_shared>>) dst(%arg11 : memref<4096xf32, #tpu.memory_space<vmem>>)
          tpu.yield
        }) : () -> ()
      }
      %scan3A_319 = arith.constant 4 : i32
      %parallel_loop3A_320 = arith.constant 0 : i32
      %parallel_loop3A_321 = arith.constant 1024 : i32
      %parallel_loop3A_322 = arith.constant 1 : i32
      scf.for %parallel_loop3A_323 = %parallel_loop3A_320 to %parallel_loop3A_321 step %parallel_loop3A_322  : i32 {
        %parallel_loop3A_324 = arith.constant 16 : i32
        %parallel_loop3A_325 = arith.muli %parallel_loop3A_323, %parallel_loop3A_324 : i32
        %parallel_loop3A_326 = arith.index_cast %parallel_loop3A_325 : i32 to index
        %parallel_loop3A_327 = tpu.vector_load %arg8[%parallel_loop3A_326] {strides = array<i32>} : memref<16384xi32, #tpu.memory_space<vmem>>, vector<16xi32>,
        %parallel_loop3A_328 = arith.constant 4095 : i32
        %parallel_loop3A_329 = vector.broadcast %parallel_loop3A_328 : i32 to vector<16xi32>
        %parallel_loop3A_330 = arith.andi %parallel_loop3A_327, %parallel_loop3A_329 : vector<16xi32>
        %parallel_loop3A_331 = arith.constant 12 : i32
        %parallel_loop3A_332 = vector.broadcast %parallel_loop3A_331 : i32 to vector<16xi32>
        %parallel_loop3A_333 = arith.shrsi %parallel_loop3A_327, %parallel_loop3A_332 : vector<16xi32>
        %parallel_loop3A_334 = tpu.vector_load_idx %arg11[%parallel_loop3A_330] : memref<4096xf32, #tpu.memory_space<vmem>>[vector<16xi32>], vector<16xf32>,
        %parallel_loop3A_335 = tpu.vector_load_idx %arg11[%parallel_loop3A_333] : memref<4096xf32, #tpu.memory_space<vmem>>[vector<16xi32>], vector<16xf32>,
        %parallel_loop3A_336 = arith.subf %parallel_loop3A_334, %parallel_loop3A_335 : vector<16xf32>
        %parallel_loop3A_337 = arith.index_cast %parallel_loop3A_325 : i32 to index
        %parallel_loop3A_338 = tpu.vector_load %arg9[%parallel_loop3A_337] {strides = array<i32>} : memref<16384xf32, #tpu.memory_space<vmem>>, vector<16xf32>,
        %parallel_loop3A_339 = arith.addf %parallel_loop3A_336, %parallel_loop3A_338 : vector<16xf32>
        %parallel_loop3A_340 = arith.constant -1.000000e+00 : f32
        %parallel_loop3A_341 = vector.broadcast %parallel_loop3A_340 : f32 to vector<16xf32>
        %parallel_loop3A_342 = arith.maximumf %parallel_loop3A_339, %parallel_loop3A_341 : vector<16xf32>
        %parallel_loop3A_343 = arith.constant 1.000000e+00 : f32
        %parallel_loop3A_344 = vector.broadcast %parallel_loop3A_343 : f32 to vector<16xf32>
        %parallel_loop3A_345 = arith.minimumf %parallel_loop3A_342, %parallel_loop3A_344 : vector<16xf32>
        %parallel_loop3A_346 = arith.subf %parallel_loop3A_339, %parallel_loop3A_345 : vector<16xf32>
        %parallel_loop3A_347 = arith.subf %parallel_loop3A_339, %parallel_loop3A_346 : vector<16xf32>
        %parallel_loop3A_348 = arith.index_cast %parallel_loop3A_325 : i32 to index
        %parallel_loop3A_349 = tpu.vector_load %arg9[%parallel_loop3A_348] {strides = array<i32>} : memref<16384xf32, #tpu.memory_space<vmem>>, vector<16xf32>,
        tpu.vector_store %arg9[%parallel_loop3A_348], %parallel_loop3A_347 {strides = array<i32>} : memref<16384xf32, #tpu.memory_space<vmem>>, vector<16xf32>,
        %parallel_loop3A_350 = arith.subf %parallel_loop3A_346, %parallel_loop3A_347 : vector<16xf32>
        tpu.vector_store_idx %arg15[%parallel_loop3A_330], %parallel_loop3A_350 {add = true} : memref<4096xf32, #tpu.memory_space<vmem>>[vector<16xi32>], vector<16xf32>,
        %parallel_loop3A_351 = arith.constant 0.000000e+00 : f32
        %parallel_loop3A_352 = vector.broadcast %parallel_loop3A_351 : f32 to vector<16xf32>
        %parallel_loop3A_353 = arith.subf %parallel_loop3A_352, %parallel_loop3A_350 : vector<16xf32>
        tpu.vector_store_idx %arg15[%parallel_loop3A_333], %parallel_loop3A_353 {add = true} : memref<4096xf32, #tpu.memory_space<vmem>>[vector<16xi32>], vector<16xf32>,
        tpu.vector_store_idx %arg14[%parallel_loop3A_330], %parallel_loop3A_335 {add = true} : memref<4096xf32, #tpu.memory_space<vmem>>[vector<16xi32>], vector<16xf32>,
        tpu.vector_store_idx %arg14[%parallel_loop3A_333], %parallel_loop3A_334 {add = true} : memref<4096xf32, #tpu.memory_space<vmem>>[vector<16xi32>], vector<16xf32>,
      } {sc.loop_unroll_factor = 4 : i64, sc.parallel_access}
    }
    %scan3A_127 = arith.constant 10 : i32
    %broadcast_in_dim3A_128 = arith.constant 0xFF800000 : f32
    %broadcast_in_dim3A_129 = vector.broadcast %broadcast_in_dim3A_128 : f32 to vector<16xf32>
    %scan3A_130 = arith.constant 0 : i32
    %scan3A_131 = arith.constant 64 : i32
    %scan3A_132 = arith.addi %scan3A_130, %scan3A_131 : i32
    %scan3A_133 = arith.constant 1 : i32
    %scan3A_134:4 = scf.for %scan3A_186 = %scan3A_130 to %scan3A_132 step %scan3A_133 iter_args(%scan3A_187 = %broadcast_in_dim3A_129, %scan3A_188 = %broadcast_in_dim3A_129, %scan3A_189 = %broadcast_in_dim3A_129, %scan3A_190 = %broadcast_in_dim3A_129) -> (vector<16xf32>, vector<16xf32>, vector<16xf32>, vector<16xf32>)  : i32 {
      %mul3A_191 = arith.constant 4 : i32
      %mul3A_192 = arith.muli %scan3A_186, %mul3A_191 : i32
      %add3A_193 = arith.constant 0 : i32
      %add3A_194 = arith.addi %mul3A_192, %add3A_193 : i32
      %mul3A_195 = arith.constant 16 : i32
      %mul3A_196 = arith.muli %add3A_194, %mul3A_195 : i32
      %get3A = arith.index_cast %mul3A_196 : i32 to index
      %get3A_197 = tpu.vector_load %arg11[%get3A] {strides = array<i32>} : memref<4096xf32, #tpu.memory_space<vmem>>, vector<16xf32>,
      %mul3A_198 = arith.constant 1.000000e+00 : f32
      %mul3A_199 = vector.broadcast %mul3A_198 : f32 to vector<16xf32>
      %mul3A_200 = arith.mulf %get3A_197, %mul3A_199 : vector<16xf32>
      %max3A_201 = arith.maximumf %scan3A_187, %mul3A_200 : vector<16xf32>
      %mul3A_202 = arith.constant 4 : i32
      %mul3A_203 = arith.muli %scan3A_186, %mul3A_202 : i32
      %add3A_204 = arith.constant 1 : i32
      %add3A_205 = arith.addi %mul3A_203, %add3A_204 : i32
      %mul3A_206 = arith.constant 16 : i32
      %mul3A_207 = arith.muli %add3A_205, %mul3A_206 : i32
      %get3A_208 = arith.index_cast %mul3A_207 : i32 to index
      %get3A_209 = tpu.vector_load %arg11[%get3A_208] {strides = array<i32>} : memref<4096xf32, #tpu.memory_space<vmem>>, vector<16xf32>,
      %mul3A_210 = arith.constant 1.000000e+00 : f32
      %mul3A_211 = vector.broadcast %mul3A_210 : f32 to vector<16xf32>
      %mul3A_212 = arith.mulf %get3A_209, %mul3A_211 : vector<16xf32>
      %max3A_213 = arith.maximumf %scan3A_188, %mul3A_212 : vector<16xf32>
      %mul3A_214 = arith.constant 4 : i32
      %mul3A_215 = arith.muli %scan3A_186, %mul3A_214 : i32
      %add3A_216 = arith.constant 2 : i32
      %add3A_217 = arith.addi %mul3A_215, %add3A_216 : i32
      %mul3A_218 = arith.constant 16 : i32
      %mul3A_219 = arith.muli %add3A_217, %mul3A_218 : i32
      %get3A_220 = arith.index_cast %mul3A_219 : i32 to index
      %get3A_221 = tpu.vector_load %arg11[%get3A_220] {strides = array<i32>} : memref<4096xf32, #tpu.memory_space<vmem>>, vector<16xf32>,
      %mul3A_222 = arith.constant 1.000000e+00 : f32
      %mul3A_223 = vector.broadcast %mul3A_222 : f32 to vector<16xf32>
      %mul3A_224 = arith.mulf %get3A_221, %mul3A_223 : vector<16xf32>
      %max3A_225 = arith.maximumf %scan3A_189, %mul3A_224 : vector<16xf32>
      %mul3A_226 = arith.constant 4 : i32
      %mul3A_227 = arith.muli %scan3A_186, %mul3A_226 : i32
      %add3A_228 = arith.constant 3 : i32
      %add3A_229 = arith.addi %mul3A_227, %add3A_228 : i32
      %mul3A_230 = arith.constant 16 : i32
      %mul3A_231 = arith.muli %add3A_229, %mul3A_230 : i32
      %get3A_232 = arith.index_cast %mul3A_231 : i32 to index
      %get3A_233 = tpu.vector_load %arg11[%get3A_232] {strides = array<i32>} : memref<4096xf32, #tpu.memory_space<vmem>>, vector<16xf32>,
      %mul3A_234 = arith.constant 1.000000e+00 : f32
      %mul3A_235 = vector.broadcast %mul3A_234 : f32 to vector<16xf32>
      %mul3A_236 = arith.mulf %get3A_233, %mul3A_235 : vector<16xf32>
      %max3A_237 = arith.maximumf %scan3A_190, %mul3A_236 : vector<16xf32>
      scf.yield %max3A_201, %max3A_213, %max3A_225, %max3A_237 : vector<16xf32>, vector<16xf32>, vector<16xf32>, vector<16xf32>
    }
    %scan3A_135 = arith.constant 64 : i32
    %max3A = arith.maximumf %scan3A_134#0, %scan3A_134#1 : vector<16xf32>
    %max3A_136 = arith.maximumf %scan3A_134#2, %scan3A_134#3 : vector<16xf32>
    %max3A_137 = arith.maximumf %max3A, %max3A_136 : vector<16xf32>
    %reduce_max3A = arith.constant true
    %reduce_max3A_138 = vector.broadcast %reduce_max3A : i1 to vector<16xi1>
    %reduce_max3A_139 = tpu.scan <max>, %max3A_137 masked %reduce_max3A_138 : vector<16xf32>, vector<16xi1> -> vector<16xf32>
    %reduce_max3A_140 = vector.extract %reduce_max3A_139[15] : f32 from vector<16xf32>
    %sub3A_141 = arith.constant 1.000000e+00 : f32
    %sub3A_142 = arith.subf %reduce_max3A_140, %sub3A_141 : f32
    %scan3A_143 = arith.constant 0 : i32
    %scan3A_144 = arith.constant 26 : i32
    %scan3A_145 = arith.addi %scan3A_143, %scan3A_144 : i32
    %scan3A_146 = arith.constant 1 : i32
    %scan3A_147:2 = scf.for %scan3A_186 = %scan3A_143 to %scan3A_145 step %scan3A_146 iter_args(%scan3A_187 = %sub3A_142, %scan3A_188 = %reduce_max3A_140) -> (f32, f32)  : i32 {
      %add3A_189 = arith.addf %scan3A_187, %scan3A_188 : f32
      %mul3A_190 = arith.constant 5.000000e-01 : f32
      %mul3A_191 = arith.mulf %mul3A_190, %add3A_189 : f32
      %scan3A_192 = arith.constant 0 : i32
      %scan3A_193 = arith.constant 64 : i32
      %scan3A_194 = arith.addi %scan3A_192, %scan3A_193 : i32
      %scan3A_195 = arith.constant 1 : i32
      %scan3A_196:4 = scf.for %scan3A_208 = %scan3A_192 to %scan3A_194 step %scan3A_195 iter_args(%scan3A_209 = %broadcast_in_dim3A_31, %scan3A_210 = %broadcast_in_dim3A_31, %scan3A_211 = %broadcast_in_dim3A_31, %scan3A_212 = %broadcast_in_dim3A_31) -> (vector<16xf32>, vector<16xf32>, vector<16xf32>, vector<16xf32>)  : i32 {
        %mul3A_213 = arith.constant 4 : i32
        %mul3A_214 = arith.muli %scan3A_208, %mul3A_213 : i32
        %add3A_215 = arith.constant 0 : i32
        %add3A_216 = arith.addi %mul3A_214, %add3A_215 : i32
        %mul3A_217 = arith.constant 16 : i32
        %mul3A_218 = arith.muli %add3A_216, %mul3A_217 : i32
        %get3A = arith.index_cast %mul3A_218 : i32 to index
        %get3A_219 = tpu.vector_load %arg11[%get3A] {strides = array<i32>} : memref<4096xf32, #tpu.memory_space<vmem>>, vector<16xf32>,
        %mul3A_220 = arith.constant 1.000000e+00 : f32
        %mul3A_221 = vector.broadcast %mul3A_220 : f32 to vector<16xf32>
        %mul3A_222 = arith.mulf %get3A_219, %mul3A_221 : vector<16xf32>
        %sub3A_223 = vector.broadcast %mul3A_191 : f32 to vector<16xf32>
        %sub3A_224 = arith.subf %mul3A_222, %sub3A_223 : vector<16xf32>
        %max3A_225 = arith.constant 0.000000e+00 : f32
        %max3A_226 = vector.broadcast %max3A_225 : f32 to vector<16xf32>
        %max3A_227 = arith.maximumf %sub3A_224, %max3A_226 : vector<16xf32>
        %add3A_228 = arith.addf %scan3A_209, %max3A_227 : vector<16xf32>
        %mul3A_229 = arith.constant 4 : i32
        %mul3A_230 = arith.muli %scan3A_208, %mul3A_229 : i32
        %add3A_231 = arith.constant 1 : i32
        %add3A_232 = arith.addi %mul3A_230, %add3A_231 : i32
        %mul3A_233 = arith.constant 16 : i32
        %mul3A_234 = arith.muli %add3A_232, %mul3A_233 : i32
        %get3A_235 = arith.index_cast %mul3A_234 : i32 to index
        %get3A_236 = tpu.vector_load %arg11[%get3A_235] {strides = array<i32>} : memref<4096xf32, #tpu.memory_space<vmem>>, vector<16xf32>,
        %mul3A_237 = arith.constant 1.000000e+00 : f32
        %mul3A_238 = vector.broadcast %mul3A_237 : f32 to vector<16xf32>
        %mul3A_239 = arith.mulf %get3A_236, %mul3A_238 : vector<16xf32>
        %sub3A_240 = vector.broadcast %mul3A_191 : f32 to vector<16xf32>
        %sub3A_241 = arith.subf %mul3A_239, %sub3A_240 : vector<16xf32>
        %max3A_242 = arith.constant 0.000000e+00 : f32
        %max3A_243 = vector.broadcast %max3A_242 : f32 to vector<16xf32>
        %max3A_244 = arith.maximumf %sub3A_241, %max3A_243 : vector<16xf32>
        %add3A_245 = arith.addf %scan3A_210, %max3A_244 : vector<16xf32>
        %mul3A_246 = arith.constant 4 : i32
        %mul3A_247 = arith.muli %scan3A_208, %mul3A_246 : i32
        %add3A_248 = arith.constant 2 : i32
        %add3A_249 = arith.addi %mul3A_247, %add3A_248 : i32
        %mul3A_250 = arith.constant 16 : i32
        %mul3A_251 = arith.muli %add3A_249, %mul3A_250 : i32
        %get3A_252 = arith.index_cast %mul3A_251 : i32 to index
        %get3A_253 = tpu.vector_load %arg11[%get3A_252] {strides = array<i32>} : memref<4096xf32, #tpu.memory_space<vmem>>, vector<16xf32>,
        %mul3A_254 = arith.constant 1.000000e+00 : f32
        %mul3A_255 = vector.broadcast %mul3A_254 : f32 to vector<16xf32>
        %mul3A_256 = arith.mulf %get3A_253, %mul3A_255 : vector<16xf32>
        %sub3A_257 = vector.broadcast %mul3A_191 : f32 to vector<16xf32>
        %sub3A_258 = arith.subf %mul3A_256, %sub3A_257 : vector<16xf32>
        %max3A_259 = arith.constant 0.000000e+00 : f32
        %max3A_260 = vector.broadcast %max3A_259 : f32 to vector<16xf32>
        %max3A_261 = arith.maximumf %sub3A_258, %max3A_260 : vector<16xf32>
        %add3A_262 = arith.addf %scan3A_211, %max3A_261 : vector<16xf32>
        %mul3A_263 = arith.constant 4 : i32
        %mul3A_264 = arith.muli %scan3A_208, %mul3A_263 : i32
        %add3A_265 = arith.constant 3 : i32
        %add3A_266 = arith.addi %mul3A_264, %add3A_265 : i32
        %mul3A_267 = arith.constant 16 : i32
        %mul3A_268 = arith.muli %add3A_266, %mul3A_267 : i32
        %get3A_269 = arith.index_cast %mul3A_268 : i32 to index
        %get3A_270 = tpu.vector_load %arg11[%get3A_269] {strides = array<i32>} : memref<4096xf32, #tpu.memory_space<vmem>>, vector<16xf32>,
        %mul3A_271 = arith.constant 1.000000e+00 : f32
        %mul3A_272 = vector.broadcast %mul3A_271 : f32 to vector<16xf32>
        %mul3A_273 = arith.mulf %get3A_270, %mul3A_272 : vector<16xf32>
        %sub3A_274 = vector.broadcast %mul3A_191 : f32 to vector<16xf32>
        %sub3A_275 = arith.subf %mul3A_273, %sub3A_274 : vector<16xf32>
        %max3A_276 = arith.constant 0.000000e+00 : f32
        %max3A_277 = vector.broadcast %max3A_276 : f32 to vector<16xf32>
        %max3A_278 = arith.maximumf %sub3A_275, %max3A_277 : vector<16xf32>
        %add3A_279 = arith.addf %scan3A_212, %max3A_278 : vector<16xf32>
        scf.yield %add3A_228, %add3A_245, %add3A_262, %add3A_279 : vector<16xf32>, vector<16xf32>, vector<16xf32>, vector<16xf32>
      }
      %scan3A_197 = arith.constant 64 : i32
      %add3A_198 = arith.addf %scan3A_196#0, %scan3A_196#1 : vector<16xf32>
      %add3A_199 = arith.addf %scan3A_196#2, %scan3A_196#3 : vector<16xf32>
      %add3A_200 = arith.addf %add3A_198, %add3A_199 : vector<16xf32>
      %reduce_sum3A_201 = arith.constant true
      %reduce_sum3A_202 = vector.broadcast %reduce_sum3A_201 : i1 to vector<16xi1>
      %reduce_sum3A_203 = tpu.scan <sum>, %add3A_200 masked %reduce_sum3A_202 : vector<16xf32>, vector<16xi1> -> vector<16xf32>
      %reduce_sum3A_204 = vector.extract %reduce_sum3A_203[15] : f32 from vector<16xf32>
      %ge3A = arith.constant 1.000000e+00 : f32
      %ge3A_205 = arith.cmpf oge, %reduce_sum3A_204, %ge3A : f32
      %select_n3A_206 = arith.select %ge3A_205, %mul3A_191, %scan3A_187 : f32
      %select_n3A_207 = arith.select %ge3A_205, %scan3A_188, %mul3A_191 : f32
      scf.yield %select_n3A_206, %select_n3A_207 : f32, f32
    }
    %scan3A_148 = arith.constant 26 : i32
    %add3A_149 = arith.addf %scan3A_147#0, %scan3A_147#1 : f32
    %mul3A_150 = arith.constant 5.000000e-01 : f32
    %mul3A_151 = arith.mulf %mul3A_150, %add3A_149 : f32
    %scan3A_152 = arith.constant 0 : i32
    %scan3A_153 = arith.constant 64 : i32
    %scan3A_154 = arith.addi %scan3A_152, %scan3A_153 : i32
    %scan3A_155 = arith.constant 1 : i32
    %scan3A_156:8 = scf.for %scan3A_186 = %scan3A_152 to %scan3A_154 step %scan3A_155 iter_args(%scan3A_187 = %broadcast_in_dim3A_31, %scan3A_188 = %broadcast_in_dim3A_31, %scan3A_189 = %broadcast_in_dim3A_31, %scan3A_190 = %broadcast_in_dim3A_31, %scan3A_191 = %broadcast_in_dim3A_31, %scan3A_192 = %broadcast_in_dim3A_31, %scan3A_193 = %broadcast_in_dim3A_31, %scan3A_194 = %broadcast_in_dim3A_31) -> (vector<16xf32>, vector<16xf32>, vector<16xf32>, vector<16xf32>, vector<16xf32>, vector<16xf32>, vector<16xf32>, vector<16xf32>)  : i32 {
      %mul3A_195 = arith.constant 4 : i32
      %mul3A_196 = arith.muli %scan3A_186, %mul3A_195 : i32
      %add3A_197 = arith.constant 0 : i32
      %add3A_198 = arith.addi %mul3A_196, %add3A_197 : i32
      %mul3A_199 = arith.constant 16 : i32
      %mul3A_200 = arith.muli %add3A_198, %mul3A_199 : i32
      %get3A = arith.index_cast %mul3A_200 : i32 to index
      %get3A_201 = tpu.vector_load %arg11[%get3A] {strides = array<i32>} : memref<4096xf32, #tpu.memory_space<vmem>>, vector<16xf32>,
      %mul3A_202 = arith.constant 1.000000e+00 : f32
      %mul3A_203 = vector.broadcast %mul3A_202 : f32 to vector<16xf32>
      %mul3A_204 = arith.mulf %get3A_201, %mul3A_203 : vector<16xf32>
      %mul3A_205 = arith.constant 4 : i32
      %mul3A_206 = arith.muli %scan3A_186, %mul3A_205 : i32
      %add3A_207 = arith.constant 1 : i32
      %add3A_208 = arith.addi %mul3A_206, %add3A_207 : i32
      %mul3A_209 = arith.constant 16 : i32
      %mul3A_210 = arith.muli %add3A_208, %mul3A_209 : i32
      %get3A_211 = arith.index_cast %mul3A_210 : i32 to index
      %get3A_212 = tpu.vector_load %arg11[%get3A_211] {strides = array<i32>} : memref<4096xf32, #tpu.memory_space<vmem>>, vector<16xf32>,
      %mul3A_213 = arith.constant 1.000000e+00 : f32
      %mul3A_214 = vector.broadcast %mul3A_213 : f32 to vector<16xf32>
      %mul3A_215 = arith.mulf %get3A_212, %mul3A_214 : vector<16xf32>
      %mul3A_216 = arith.constant 4 : i32
      %mul3A_217 = arith.muli %scan3A_186, %mul3A_216 : i32
      %add3A_218 = arith.constant 2 : i32
      %add3A_219 = arith.addi %mul3A_217, %add3A_218 : i32
      %mul3A_220 = arith.constant 16 : i32
      %mul3A_221 = arith.muli %add3A_219, %mul3A_220 : i32
      %get3A_222 = arith.index_cast %mul3A_221 : i32 to index
      %get3A_223 = tpu.vector_load %arg11[%get3A_222] {strides = array<i32>} : memref<4096xf32, #tpu.memory_space<vmem>>, vector<16xf32>,
      %mul3A_224 = arith.constant 1.000000e+00 : f32
      %mul3A_225 = vector.broadcast %mul3A_224 : f32 to vector<16xf32>
      %mul3A_226 = arith.mulf %get3A_223, %mul3A_225 : vector<16xf32>
      %mul3A_227 = arith.constant 4 : i32
      %mul3A_228 = arith.muli %scan3A_186, %mul3A_227 : i32
      %add3A_229 = arith.constant 3 : i32
      %add3A_230 = arith.addi %mul3A_228, %add3A_229 : i32
      %mul3A_231 = arith.constant 16 : i32
      %mul3A_232 = arith.muli %add3A_230, %mul3A_231 : i32
      %get3A_233 = arith.index_cast %mul3A_232 : i32 to index
      %get3A_234 = tpu.vector_load %arg11[%get3A_233] {strides = array<i32>} : memref<4096xf32, #tpu.memory_space<vmem>>, vector<16xf32>,
      %mul3A_235 = arith.constant 1.000000e+00 : f32
      %mul3A_236 = vector.broadcast %mul3A_235 : f32 to vector<16xf32>
      %mul3A_237 = arith.mulf %get3A_234, %mul3A_236 : vector<16xf32>
      %gt3A = vector.broadcast %mul3A_151 : f32 to vector<16xf32>
      %gt3A_238 = arith.cmpf ogt, %mul3A_204, %gt3A : vector<16xf32>
      %gt3A_239 = vector.broadcast %mul3A_151 : f32 to vector<16xf32>
      %gt3A_240 = arith.cmpf ogt, %mul3A_215, %gt3A_239 : vector<16xf32>
      %gt3A_241 = vector.broadcast %mul3A_151 : f32 to vector<16xf32>
      %gt3A_242 = arith.cmpf ogt, %mul3A_226, %gt3A_241 : vector<16xf32>
      %gt3A_243 = vector.broadcast %mul3A_151 : f32 to vector<16xf32>
      %gt3A_244 = arith.cmpf ogt, %mul3A_237, %gt3A_243 : vector<16xf32>
      %jit3A_245 = arith.constant 0.000000e+00 : f32
      %broadcast_in_dim3A_246 = vector.broadcast %jit3A_245 : f32 to vector<16xf32>
      %select_n3A_247 = arith.select %gt3A_238, %mul3A_204, %broadcast_in_dim3A_246 : vector<16xi1>, vector<16xf32>
      %add3A_248 = arith.addf %scan3A_187, %select_n3A_247 : vector<16xf32>
      %jit3A_249 = arith.constant 0.000000e+00 : f32
      %broadcast_in_dim3A_250 = vector.broadcast %jit3A_249 : f32 to vector<16xf32>
      %select_n3A_251 = arith.select %gt3A_240, %mul3A_215, %broadcast_in_dim3A_250 : vector<16xi1>, vector<16xf32>
      %add3A_252 = arith.addf %scan3A_188, %select_n3A_251 : vector<16xf32>
      %jit3A_253 = arith.constant 0.000000e+00 : f32
      %broadcast_in_dim3A_254 = vector.broadcast %jit3A_253 : f32 to vector<16xf32>
      %select_n3A_255 = arith.select %gt3A_242, %mul3A_226, %broadcast_in_dim3A_254 : vector<16xi1>, vector<16xf32>
      %add3A_256 = arith.addf %scan3A_189, %select_n3A_255 : vector<16xf32>
      %jit3A_257 = arith.constant 0.000000e+00 : f32
      %broadcast_in_dim3A_258 = vector.broadcast %jit3A_257 : f32 to vector<16xf32>
      %select_n3A_259 = arith.select %gt3A_244, %mul3A_237, %broadcast_in_dim3A_258 : vector<16xi1>, vector<16xf32>
      %add3A_260 = arith.addf %scan3A_190, %select_n3A_259 : vector<16xf32>
      %jit3A_261 = arith.constant 1.000000e+00 : f32
      %jit3A_262 = arith.constant 0.000000e+00 : f32
      %broadcast_in_dim3A_263 = vector.broadcast %jit3A_261 : f32 to vector<16xf32>
      %broadcast_in_dim3A_264 = vector.broadcast %jit3A_262 : f32 to vector<16xf32>
      %select_n3A_265 = arith.select %gt3A_238, %broadcast_in_dim3A_263, %broadcast_in_dim3A_264 : vector<16xi1>, vector<16xf32>
      %add3A_266 = arith.addf %scan3A_191, %select_n3A_265 : vector<16xf32>
      %jit3A_267 = arith.constant 1.000000e+00 : f32
      %jit3A_268 = arith.constant 0.000000e+00 : f32
      %broadcast_in_dim3A_269 = vector.broadcast %jit3A_267 : f32 to vector<16xf32>
      %broadcast_in_dim3A_270 = vector.broadcast %jit3A_268 : f32 to vector<16xf32>
      %select_n3A_271 = arith.select %gt3A_240, %broadcast_in_dim3A_269, %broadcast_in_dim3A_270 : vector<16xi1>, vector<16xf32>
      %add3A_272 = arith.addf %scan3A_192, %select_n3A_271 : vector<16xf32>
      %jit3A_273 = arith.constant 1.000000e+00 : f32
      %jit3A_274 = arith.constant 0.000000e+00 : f32
      %broadcast_in_dim3A_275 = vector.broadcast %jit3A_273 : f32 to vector<16xf32>
      %broadcast_in_dim3A_276 = vector.broadcast %jit3A_274 : f32 to vector<16xf32>
      %select_n3A_277 = arith.select %gt3A_242, %broadcast_in_dim3A_275, %broadcast_in_dim3A_276 : vector<16xi1>, vector<16xf32>
      %add3A_278 = arith.addf %scan3A_193, %select_n3A_277 : vector<16xf32>
      %jit3A_279 = arith.constant 1.000000e+00 : f32
      %jit3A_280 = arith.constant 0.000000e+00 : f32
      %broadcast_in_dim3A_281 = vector.broadcast %jit3A_279 : f32 to vector<16xf32>
      %broadcast_in_dim3A_282 = vector.broadcast %jit3A_280 : f32 to vector<16xf32>
      %select_n3A_283 = arith.select %gt3A_244, %broadcast_in_dim3A_281, %broadcast_in_dim3A_282 : vector<16xi1>, vector<16xf32>
      %add3A_284 = arith.addf %scan3A_194, %select_n3A_283 : vector<16xf32>
      scf.yield %add3A_248, %add3A_252, %add3A_256, %add3A_260, %add3A_266, %add3A_272, %add3A_278, %add3A_284 : vector<16xf32>, vector<16xf32>, vector<16xf32>, vector<16xf32>, vector<16xf32>, vector<16xf32>, vector<16xf32>, vector<16xf32>
    }
    %scan3A_157 = arith.constant 64 : i32
    %add3A_158 = arith.addf %scan3A_156#0, %scan3A_156#1 : vector<16xf32>
    %add3A_159 = arith.addf %scan3A_156#2, %scan3A_156#3 : vector<16xf32>
    %add3A_160 = arith.addf %add3A_158, %add3A_159 : vector<16xf32>
    %reduce_sum3A = arith.constant true
    %reduce_sum3A_161 = vector.broadcast %reduce_sum3A : i1 to vector<16xi1>
    %reduce_sum3A_162 = tpu.scan <sum>, %add3A_160 masked %reduce_sum3A_161 : vector<16xf32>, vector<16xi1> -> vector<16xf32>
    %reduce_sum3A_163 = vector.extract %reduce_sum3A_162[15] : f32 from vector<16xf32>
    %add3A_164 = arith.addf %scan3A_156#4, %scan3A_156#5 : vector<16xf32>
    %add3A_165 = arith.addf %scan3A_156#6, %scan3A_156#7 : vector<16xf32>
    %add3A_166 = arith.addf %add3A_164, %add3A_165 : vector<16xf32>
    %reduce_sum3A_167 = arith.constant true
    %reduce_sum3A_168 = vector.broadcast %reduce_sum3A_167 : i1 to vector<16xi1>
    %reduce_sum3A_169 = tpu.scan <sum>, %add3A_166 masked %reduce_sum3A_168 : vector<16xf32>, vector<16xi1> -> vector<16xf32>
    %reduce_sum3A_170 = vector.extract %reduce_sum3A_169[15] : f32 from vector<16xf32>
    %max3A_171 = arith.constant 1.000000e+00 : f32
    %max3A_172 = arith.maximumf %reduce_sum3A_170, %max3A_171 : f32
    %sub3A_173 = arith.constant 1.000000e+00 : f32
    %sub3A_174 = arith.subf %reduce_sum3A_163, %sub3A_173 : f32
    %broadcast_in_dim3A_175 = vector.broadcast %sub3A_174 : f32 to vector<16xf32>
    %broadcast_in_dim3A_176 = vector.broadcast %max3A_172 : f32 to vector<16xf32>
    %div3A_177 = arith.divf %broadcast_in_dim3A_175, %broadcast_in_dim3A_176 : vector<16xf32>
    %parallel_loop3A_178 = arith.constant 0 : i32
    %parallel_loop3A_179 = arith.constant 64 : i32
    %parallel_loop3A_180 = arith.constant 1 : i32
    scf.for %parallel_loop3A_186 = %parallel_loop3A_178 to %parallel_loop3A_179 step %parallel_loop3A_180  : i32 {
      %parallel_loop3A_187 = arith.constant 1024 : i32
      %parallel_loop3A_188 = arith.muli %select_n3A_28, %parallel_loop3A_187 : i32
      %parallel_loop3A_189 = arith.constant 16 : i32
      %parallel_loop3A_190 = arith.muli %parallel_loop3A_186, %parallel_loop3A_189 : i32
      %parallel_loop3A_191 = arith.addi %parallel_loop3A_188, %parallel_loop3A_190 : i32
      %parallel_loop3A_192 = arith.index_cast %parallel_loop3A_191 : i32 to index
      %parallel_loop3A_193 = tpu.vector_load %arg11[%parallel_loop3A_192] {strides = array<i32>} : memref<4096xf32, #tpu.memory_space<vmem>>, vector<16xf32>,
      %parallel_loop3A_194 = arith.constant 1.000000e+00 : f32
      %parallel_loop3A_195 = vector.broadcast %parallel_loop3A_194 : f32 to vector<16xf32>
      %parallel_loop3A_196 = arith.mulf %parallel_loop3A_193, %parallel_loop3A_195 : vector<16xf32>
      %parallel_loop3A_197 = arith.subf %parallel_loop3A_196, %div3A_177 : vector<16xf32>
      %parallel_loop3A_198 = arith.constant 0.000000e+00 : f32
      %parallel_loop3A_199 = vector.broadcast %parallel_loop3A_198 : f32 to vector<16xf32>
      %parallel_loop3A_200 = arith.maximumf %parallel_loop3A_197, %parallel_loop3A_199 : vector<16xf32>
      %parallel_loop3A_201 = arith.constant 16 : i32
      %parallel_loop3A_202 = arith.muli %parallel_loop3A_186, %parallel_loop3A_201 : i32
      %parallel_loop3A_203 = arith.index_cast %parallel_loop3A_202 : i32 to index
      %parallel_loop3A_204 = tpu.vector_load %arg20[%parallel_loop3A_203] {strides = array<i32>} : memref<1024xf32, #tpu.memory_space<vmem>>, vector<16xf32>,
      tpu.vector_store %arg20[%parallel_loop3A_203], %parallel_loop3A_200 {strides = array<i32>} : memref<1024xf32, #tpu.memory_space<vmem>>, vector<16xf32>,
    } {sc.loop_unroll_factor = 4 : i64, sc.parallel_access}
    %mul3A_181 = arith.constant 4096 : i32
    %mul3A_182 = arith.muli %add3A_30, %mul3A_181 : i32
    %mul3A_183 = arith.constant 1024 : i32
    %mul3A_184 = arith.muli %select_n3A_28, %mul3A_183 : i32
    %add3A_185 = arith.addi %mul3A_182, %mul3A_184 : i32
    "tpu.region"() ({
      %run_scoped3A_186 = tpu.sem_alloc : memref<!tpu.dma_semaphore, #tpu.memory_space<semaphore_mem>>
      %dma_start3A_187 = tpu.memref_slice %arg5[%add3A_185] : memref<32768xf32, #tpu.memory_space<hbm>> -> memref<1024xf32, #tpu.memory_space<hbm>>
      %dma_start3A_188 = tpu.memref_slice %arg5[%add3A_185] : memref<32768xf32, #tpu.memory_space<hbm>> -> memref<1024xf32, #tpu.memory_space<hbm>>
      tpu.enqueue_dma source(%arg20 : memref<1024xf32, #tpu.memory_space<vmem>>) target(%dma_start3A_188 : memref<1024xf32, #tpu.memory_space<hbm>>) target_semaphore(%run_scoped3A_186 : memref<!tpu.dma_semaphore, #tpu.memory_space<semaphore_mem>>)
      %dma_wait3A_189 = tpu.memref_slice %arg5[%add3A_185] : memref<32768xf32, #tpu.memory_space<hbm>> -> memref<1024xf32, #tpu.memory_space<hbm>>
      %dma_wait3A_190 = tpu.memref_slice %arg5[%add3A_185] : memref<32768xf32, #tpu.memory_space<hbm>> -> memref<1024xf32, #tpu.memory_space<hbm>>
      tpu.wait_dma2 semaphore(%run_scoped3A_186 : memref<!tpu.dma_semaphore, #tpu.memory_space<semaphore_mem>>) src(%arg20 : memref<1024xf32, #tpu.memory_space<vmem>>) dst(%dma_wait3A_190 : memref<1024xf32, #tpu.memory_space<hbm>>)
      tpu.yield
    }) : () -> ()
    return
  }
}

</mosaic_0001>

<sc_bundles>
// kernel: kernel.3.cloned.1.call-start
scs
__scs_entry_jumppad:
0x0: {  	(pc) =	sbr.rel $0x88, $3  }
0x1: {  	(tag) =	ssettag $0x0;
	lr =	simm.s32 $0x1  }
0x2: {  	[smem:$0x3F9F] =	sst lr;
	_ =	strace $0xD0000000  }
0x3: {  	_ = 	snop  }
0x4: {  	_ = 	snop  }
0x5: {  	_ = 	snop  }
0x6: {  	_ = 	snop  }
0x7: {  	_ = 	snop  }
__scs_overlays_trampoline_lowered:
0x8: {  	[smem:$0x3FAE] =	sst s0  }
0x9: {  	[smem:$0x3FAF] =	sst s1  }
0xa: {  	[smem:$0x3FB0] =	sst s2  }
0xb: {  	[smem:$0x3FB1] =	sst s3  }
0xc: {  	[smem:$0x3FB2] =	sst s4  }
0xd: {  	[smem:$0x3FB3] =	sst s5  }
0xe: {  	[smem:$0x3FB4] =	sst s6  }
0xf: {  	[smem:$0x3FB5] =	sst s7  }
0x10: {  	[smem:$0x3FB6] =	sst s8  }
0x11: {  	[smem:$0x3FB7] =	sst s9;
	s0 =	simm.s32 @!p0 $0x0  }
0x12: {  	s1 =	sld [smem:$0x3F9D];
	s0 =	simm.s32 @p0 $0x1  }
0x13: {  	[smem:$0x3FB8] =	sst s0;
	s0 =	simm.s32 @!p1 $0x0  }
0x14: {  	s2 =	sld [smem:$0x3F9C];
	s0 =	simm.s32 @p1 $0x1  }
0x15: {  	[smem:$0x3FB9] =	sst s0;
	s0 =	simm.s32 @!p2 $0x0  }
0x16: {  	s3 =	sld [smem:$0x3FDB];
	s0 =	simm.s32 @p2 $0x1  }
0x17: {  	s4 =	simm.s32 $0x1BF5;
	[smem:$0x3FBB] =	sst s0  }
0x18: {  	s0 =	sld [smem:$0x3F9E];
	_ =	swait.ge [sflag:s4], $0x0  }
0x19: {  	s7 =	sld [smem:$0x3F9F]  }
0x1a: {  	s8 =	sadd.s32 $0xFFFFE003, lr  }
0x1b: {  	s9 =	sadd.s32 $0xFFFFFEF7, lr;
	s5 =	simm.s32 $0xFFFFFFFF;
	p2 =	slt.u32 s8, $0xFFFFF086  }
0x1c: {  	p1 =	slt.u32 s9, $0xF7A;
	s5 =	simm.s32 @!p2 $0x0  }
0x1d: {  	s5 =	simm.s32 @p1 $0x1;
	p0 =	seq.s32 s7, s2  }
0x1e: {  	s7 =	smul.u32 @!p0 $0xF7A, s2;
	p2 =	seq.s32 @!p0 s5, $0x0  }
0x1f: {  	s9 =	smul.u32 $0xF7A, s1;
	s8 =	simm.s32 @!p0 $0x1BF5;
	p2 =	por !p2, p0  }
0x20: {  	[sflag:s8] =	ssyncset.s32 @!p0 $0xFFFFF086;
	s6 =	sadd.s32 @!p0 s3, s7;
	s7 =	simm.s32 @!p0 $0x108  }
0x21: {  	s3 =	sadd.s32 s3, s9;
	s6 =	sadd.s32 @!p0 $0x88, s6;
	s7 =	simm.s32 @p2 $0x1082  }
0x22: {  	[simem:s7], [sflag:s8] =	dma.local @!p0 [hbm:s6], $0xF7A  }
0x23: {  	s9 =	sor.u32 $0xD0000000, s2;
	s6 =	simm.s32 $0x108;
	_ =	swait.ge @!p0 [sflag:s8], $0x0  }
0x24: {  	s3 =	sadd.s32 $0x88, s3;
	s6 =	simm.s32 @!p1 $0x1082;
	[sflag:s4] =	ssyncset.s32 $0xFFFFF086  }
0x25: {  	[simem:s6], [sflag:s4] =	dma.local [hbm:s3], $0xF7A  }
0x26: {  	[smem:$0x3F9F] =	sst s1;
	(tag) =	ssettag s2;
	_ =	strace s9  }
0x27: {  	s1 =	sld [smem:$0x3FAF]  }
0x28: {  	s2 =	sld [smem:$0x3FB0]  }
0x29: {  	s4 =	sld [smem:$0x3FB2]  }
0x2a: {  	p0 =	seq.s32 s5, $0x0;
	s5 =	sld [smem:$0x3FB3]  }
0x2b: {  	s6 =	sld [smem:$0x3FB4]  }
0x2c: {  	s7 =	sld [smem:$0x3FB5]  }
0x2d: {  	s3 =	simm.s32 $0x108;
	s8 =	sld [smem:$0x3FB6]  }
0x2e: {  	s3 =	simm.s32 @!p0 $0x1082;
	s9 =	sld [smem:$0x3FB7]  }
0x2f: {  	lr =	sadd.s32 s0, s3;
	s0 =	sld [smem:$0x3FAE]  }
0x30: {  	s3 =	sld [smem:$0x3FB1]  }
0x31: {  	[smem:$0x3FBA] =	sst s10  }
0x32: {  	s10 =	sld [smem:$0x3FB8];
	_ =	sdelay $0x3  }
0x33: {  	p0 =	seq.s32 s10, $0x1;
	s10 =	sld [smem:$0x3FBA];
	_ =	sdelay $0x3  }
0x34: {  	[smem:$0x3FBA] =	sst s10  }
0x35: {  	s10 =	sld [smem:$0x3FB9];
	_ =	sdelay $0x3  }
0x36: {  	p1 =	seq.s32 s10, $0x1;
	s10 =	sld [smem:$0x3FBA];
	_ =	sdelay $0x3  }
0x37: {  	[smem:$0x3FBA] =	sst s10  }
0x38: {  	s10 =	sld [smem:$0x3FBB]  }
0x39: {  	_ = 	snop;
	(pc) =	sbr.ind lr, $3  }
0x3a: {  	_ = 	snop  }
0x3b: {  	_ = 	snop  }
0x3c: {  	p2 =	seq.s32 s10, $0x1;
	s10 =	sld [smem:$0x3FBA]  }
0x3d: {  	_ =	shalt  }
0x3e: {  	_ =	shalt  }
0x3f: {  	_ =	shalt  }
0x40: {  	_ =	shalt  }
0x41: {  	_ =	shalt  }
0x42: {  	_ =	shalt  }
0x43: {  	_ =	shalt  }
0x44: {  	_ =	shalt  }
0x45: {  	_ =	shalt  }
0x46: {  	_ =	shalt  }
0x47: {  	_ =	shalt  }
0x48: {  	_ =	shalt  }
0x49: {  	_ =	shalt  }
0x4a: {  	_ =	shalt  }
0x4b: {  	_ =	shalt  }
0x4c: {  	_ =	shalt  }
0x4d: {  	_ =	shalt  }
0x4e: {  	_ =	shalt  }
0x4f: {  	_ =	shalt  }
0x50: {  	_ =	shalt  }
0x51: {  	_ =	shalt  }
0x52: {  	_ =	shalt  }
0x53: {  	_ =	shalt  }
0x54: {  	_ =	shalt  }
0x55: {  	_ =	shalt  }
0x56: {  	_ =	shalt  }
0x57: {  	_ =	shalt  }
0x58: {  	_ =	shalt  }
0x59: {  	_ =	shalt  }
0x5a: {  	_ =	shalt  }
0x5b: {  	_ =	shalt  }
0x5c: {  	_ =	shalt  }
0x5d: {  	_ =	shalt  }
0x5e: {  	_ =	shalt  }
0x5f: {  	_ =	shalt  }
0x60: {  	_ =	shalt  }
0x61: {  	_ =	shalt  }
0x62: {  	_ =	shalt  }
0x63: {  	_ =	shalt  }
0x64: {  	_ =	shalt  }
0x65: {  	_ =	shalt  }
0x66: {  	_ =	shalt  }
0x67: {  	_ =	shalt  }
0x68: {  	_ =	shalt  }
0x69: {  	_ =	shalt  }
0x6a: {  	_ =	shalt  }
0x6b: {  	_ =	shalt  }
0x6c: {  	_ =	shalt  }
0x6d: {  	_ =	shalt  }
0x6e: {  	_ =	shalt  }
0x6f: {  	_ =	shalt  }
0x70: {  	_ =	shalt  }
0x71: {  	_ =	shalt  }
0x72: {  	_ =	shalt  }
0x73: {  	_ =	shalt  }
0x74: {  	_ =	shalt  }
0x75: {  	_ =	shalt  }
0x76: {  	_ =	shalt  }
0x77: {  	_ =	shalt  }
0x78: {  	_ =	shalt  }
0x79: {  	_ =	shalt  }
0x7a: {  	_ =	shalt  }
0x7b: {  	_ =	shalt  }
0x7c: {  	_ =	shalt  }
0x7d: {  	_ =	shalt  }
0x7e: {  	_ =	shalt  }
0x7f: {  	_ =	shalt  }
0x80: {  	_ =	shalt  }
0x81: {  	_ =	shalt  }
0x82: {  	_ =	shalt  }
0x83: {  	_ =	shalt  }
0x84: {  	_ =	shalt  }
0x85: {  	_ =	shalt  }
0x86: {  	_ =	shalt  }
0x87: {  	_ =	shalt  }
.Lfunc_end0:
.L_simem_size_0:
called_computation_lowered:
.L_overlay_start_0:
0x88: {  	s2 =	sld [smem:$0x3FD9]  }
0x89: {  	s3 =	sld [smem:$0x3FFE];
	_ =	sdelay $0x1  }
0x8a: {  	s1 =	srdreg.scid  }
0x8b: {  	s0 =	sand.u32 $0x1, s1  }
0x8c: {  	s17 =	sshll.u32 s0, $0xA;
	s2 =	sadd.s32 s3, s2  }
0x8d: {  	s2 =	sadd.s32 s2, s17  }
0x8e: {  	[smem:$0x3FC6] =	sst s2  }
0x8f: {  	_ = 	snop  }
0x90: {  	s2 =	sld [smem:$0x3FC9]  }
0x91: {  	s18 =	sld [smem:$0x3FD0];
	(tm) =	ssettm $0x1  }
0x92: {  	s4 =	sld [smem:$0x3FFB];
	_ =	sdelay $0x3  }
0x93: {  	_ =	strace s4  }
0x94: {  	s4 =	sld [smem:$0x3FFC];
	_ =	sdelay $0x3  }
0x95: {  	_ =	strace s4  }
0x96: {  	s4 =	sld [smem:$0x3FFD];
	_ =	sdelay $0x3  }
0x97: {  	_ =	strace s4  }
0x98: {  	_ =	strace $0x8FFFFFFF  }
0x99: {  	s19 =	sld [smem:$0x3FDB];
	_ =	sdelay $0x1  }
0x9a: {  	s5 =	simm.s32 $_scs_section_size  }
0x9b: {  	s6 =	simm.s32 $_size__tile_overlayer_lowered;
	s7 =	simm.s32 $_tile_overlayer_lowered  }
0x9c: {  	s22 =	simm.s32 $0x1BFF;
	s21 =	sshll.u32 s7, $0x1;
	s4 =	sadd.s32 s5, s19  }
0x9d: {  	s8 =	simm.s32 $0x0;
	s20 =	sshll.u32 s6, $0x1;
	s6 =	sadd.s32 s21, s4  }
0x9e: {  	[timem:s8], [sflag:s22] =	dma.local [hbm:s6], s20  }
0x9f: {  	_ =	swait.ge [sflag:s22], s20  }
0xa0: {  	s5 =	ssub.s32 $0x0, s20;
	[sflag:s22] =	ssyncset.done $0x0  }
0xa1: {  	[sflag:s22] =	ssyncadd.s32 s5;
	_ =	sdelay $0x1  }
0xa2: {  	s23 =	simm.s32 $0x1B8B  }
0xa3: {  	_ =	swait.ge [sflag:s23], $0x1  }
0xa4: {  	[sflag:s23] =	ssyncset.done $0x0  }
0xa5: {  	s25 =	simm.s32 $0x1B8E;
	s24 =	sld [smem:$0x3FFE];
	[sflag:s23] =	ssyncadd.s32 $0xFFFFFFFF  }
0xa6: {  	s26 =	simm.s32 $execute0_lowered;
	[smem:$0x3FD2] =	sst s25  }
0xa7: {  	s6 =	sshll.u32 s26, $0x1;
	_ =	strace $0x80000046;
	[dreg:$0x1] =	wrdreg $0xFFFFFFFF  }
0xa8: {  	s28 =	simm.s32 $_size_execute0_lowered;
	s4 =	sadd.s32 s4, s6;
	[dreg:$0x0] =	wrdreg $0x0  }
0xa9: {  	s6 =	sshll.u32 s28, $0x1;
	[dreg:$0x2] =	wrdreg s4  }
0xaa: {  	[dreg:$0x3] =	wrdreg s6  }
0xab: {  	[dreg:$0x4] =	wrdreg $0xC0  }
0xac: {  	_ =	task [dreg:s8], $0x5FFFF  }
0xad: {  	[dreg:$0x1] =	wrdreg $0xFFFFFFFF  }
0xae: {  	[dreg:$0x0] =	wrdreg $0x60  }
0xaf: {  	[dreg:$0x2] =	wrdreg s2  }
0xb0: {  	[dreg:$0x3] =	wrdreg s24  }
0xb1: {  	[dreg:$0x4] =	wrdreg s18  }
0xb2: {  	[dreg:$0x5] =	wrdreg $0x150000  }
0xb3: {  	[dreg:$0x6] =	wrdreg $0x170000  }
0xb4: {  	[dreg:$0x7] =	wrdreg $0x9  }
0xb5: {  	_ =	task.clear_ibuf [dreg:s8], $0x8FFFF;
	_ =	strace $0x90000046  }
0xb6: {  	s29 =	simm.s32 $0x9;
	_ =	strace $0x80000048  }
0xb7: {  	_ =	swait.ge [sflag:s29], $0x1  }
0xb8: {  	[sflag:s29] =	ssyncadd.s32 $0xFFFFFFFF  }
0xb9: {  	_ =	strace $0x90000048  }
0xba: {  	_ =	sfence  }
0xbb: {  	s30 =	sld [smem:$0x0];
	_ =	sdelay $0x2  }
0xbc: {  	s31 =	sshll.u32 s1, $0xD;
	s1 =	sshrl.u32 s1, $0x2  }
0xbd: {  	s3 =	sand.u32 $0x4000, s31;
	s1 =	sadd.s32 s1, s30  }
0xbe: {  	s0 =	sor.u32 s3, s0;
	s1 =	sshll.u32 s1, $0x11  }
0xbf: {  	s0 =	sor.u32 s1, s0  }
0xc0: {  	s0 =	sadd.s32 $0x8F2B, s0  }
0xc1: {  	[sflag:s0] =	ssyncadd.remote.s32 $0x1  }
0xc2: {  	_ =	sfence.sel $0xFFFF  }
0xc3: {  	[dreg:$0x0] =	wrdreg $0xFFFFFFFF;
	(pc) =	sbr.abs _section_cstart, $3  }
0xc4: {  	[dreg:$0x1] =	wrdreg $0xFFFFFFFF  }
0xc5: {  	_ =	task.clear_ibuf [dreg:s8], $0x2FFFF;
	_ =	strace $0x9FFFFFFF  }
0xc6: {  	(tm) =	ssettm $0x7FFFFFFF  }
0xc7: {  	_ =	shalt  }
tec
execute0_lowered:
.L_overlay_start_1:
0x0: {  	(tag) =	ssettag $0x1  }
0x1: {  	s0 =	rddreg [dreg:$0x0]  }
0x2: {  	s1 =	rddreg [dreg:$0x1]  }
0x3: {  	s2 =	rddreg [dreg:$0x2]  }
0x4: {  	s3 =	rddreg [dreg:$0x3]  }
0x5: {  	s4 =	rddreg [dreg:$0x4]  }
0x6: {  	s5 =	srdreg.scid;
	s7 =	stileid.u32  }
0x7: {  	s15 =	simm.s32 $0x0;
	s29 =	simm.s32 $0x10400;
	s30 =	simm.s32 $0x2  }
0x8: {  	s31 =	simm.s32 $0x80;
	s5 =	sand.u32 $0x1, s5;
	s9 =	sshrl.u32 s7, $0x2  }
0x9: {  	[smem:$0x7FF] =	sst s15;
	s8 =	sand.u32 $0x3, s7;
	s6 =	sshll.u32 s5, $0x2  }
0xa: {  	_ =	strace $0x80000047;
	s10 =	sshll.u32 s8, $0xB;
	s11 =	sshll.u32 s8, $0xA  }
0xb: {  	s5 =	ssub.s32 $0x2, s5;
	s24 =	sshll.u32 s9, $0xE;
	s6 =	sor.u32 s9, s6  }
0xc: {  	s22 =	sshrl.u32 s5, $0x1;
	s19 =	sshll.u32 s6, $0xD;
	s20 =	sshll.u32 s6, $0xC  }
0xd: {  	s6 =	sshll.u32 s6, $0x9;
	s5 =	ssub.s32 s5, s22;
	s7 =	sor.u32 s10, s19  }
0xe: {  	s21 =	sor.u32 s11, s20;
	s6 =	sadd.s32 s0, s6;
	s20 =	sshll.u32 s9, $0x7  }
0xf: {  	s9 =	simm.s32 $0x14800;
	s1 =	sadd.s32 s7, s1;
	s12 =	sshrl.u32 s21, $0x3  }
0x10: {  	[dreg:$0x6] =	wrdreg s6;
	s6 =	sshll.u32 s8, $0x7;
	s7 =	sadd.s32 s24, s3  }
0x11: {  	s8 =	sshll.u32 s8, $0xC;
	s0 =	sadd.s32 s0, s12;
	s23 =	sadd.s32 $0x10600, s1  }
0x12: {  	s25 =	sadd.s32 $0x80, s6;
	s1 =	sadd.s32 $0x600, s1;
	s26 =	sadd.s32 s8, s7  }
0x13: {  	s14 =	sadd.s32 $0x180, s6;
	s16 =	sadd.s32 $0x10000, s7;
	[dreg:$0x7] =	wrdreg s0  }
0x14: {  	s22 =	sadd.s32 s2, s12;
	s2 =	simm.s32 $0x14C00;
	[dreg:$0x8] =	wrdreg s23  }
0x15: {  	s12 =	simm.s32 $0x0;
	[dreg:$0x9] =	wrdreg s1;
	s10 =	sand.u32 $0x180, s25  }
0x16: {  	s3 =	sadd.s32 s6, s26;
	s14 =	sand.u32 $0x180, s14;
	[dreg:$0x11] =	wrdreg s22  }
0x17: {  	s18 =	sadd.s32 s8, s16;
	s0 =	sadd.s32 s6, s16;
	[dreg:$0xa] =	wrdreg s3  }
0x18: {  	s25 =	smax.u32 s5, $0x1;
	s5 =	simm.s32 $0x14400;
	[dreg:$0xe] =	wrdreg s0  }
0x19: {  	s13 =	sadd.s32 s10, s26;
	s1 =	sadd.s32 s14, s26;
	[dreg:$0x14] =	wrdreg s25  }
0x1a: {  	s19 =	sadd.s32 s6, s18;
	s21 =	sadd.s32 s10, s18;
	[dreg:$0xb] =	wrdreg s13  }
0x1b: {  	s24 =	sadd.s32 s14, s18;
	s0 =	simm.s32 $0x200;
	[dreg:$0xd] =	wrdreg s1  }
0x1c: {  	s3 =	simm.s32 $0x13C00;
	s25 =	simm.s32 $0x12C00;
	[dreg:$0xf] =	wrdreg s19  }
0x1d: {  	s13 =	sxor.u32 $0x100, s6;
	s19 =	sadd.s32 s20, s4;
	[dreg:$0x10] =	wrdreg s21  }
0x1e: {  	[dreg:$0x13] =	wrdreg s24;
	s24 =	sadd.s32 $0x10400, s11;
	s17 =	sadd.s32 s13, s26  }
0x1f: {  	s1 =	simm.s32 $0x11C00;
	s23 =	sadd.s32 s13, s18;
	[dreg:$0xc] =	wrdreg s17  }
0x20: {  	s4 =	simm.s32 $0x14000;
	s26 =	sadd.s32 s6, s7;
	[dreg:$0x12] =	wrdreg s23  }
0x21: {  	v0 =	vimm.f32 $0.0e+00;
	v1 =	vimm.f32 $1.000000000e+00;
	s21 =	simm.s32 $0x1;
	s28 =	sadd.s32 s8, s19;
	[dreg:$0x15] =	wrdreg s26  }
.LBB2_1:
0x22: {  	[dreg:$0x16] =	wrdreg s12  }
0x23: {  	s11 =	rddreg [dreg:$0x6]  }
0x24: {  	[tilespmem:s29], [sflag:$0x2] =	stream.linear.gather [hbm4b:s11+s15], $0x1000, $0x38;
	[tilespmem:$0x17400] =	vst v63  }
0x25: {  	_ =	swait.ge [sflag:s30], $0x1000  }
0x26: {  	[sflag:s30] =	ssyncset.done $0x0  }
0x27: {  	s26 =	simm.s32 $0x10000;
	s23 =	rddreg [dreg:$0x7];
	[sflag:s30] =	ssyncadd.s32 $0xFFFFF000  }
0x28: {  	[tilespmem:s26], [sflag:$0x2] =	stream.linear.gather [hbm4b:s23+s15], $0x400, $0x38;
	[tilespmem:$0x17400] =	vst v63  }
0x29: {  	_ =	swait.ge [sflag:s30], $0x400  }
0x2a: {  	[sflag:s30] =	ssyncset.done $0x0  }
0x2b: {  	s16 =	rddreg [dreg:$0x8];
	[sflag:s30] =	ssyncadd.s32 $0xFFFFFC00  }
0x2c: {  	[tilespmem:s15], [sflag:$0x2] =	stream.linear.gather [hbm4b:s16+s15], $0x4000, $0x38;
	[tilespmem:$0x17400] =	vst v63  }
0x2d: {  	_ =	swait.ge [sflag:s30], $0x4000  }
0x2e: {  	[sflag:s30] =	ssyncset.done $0x0  }
0x2f: {  	s18 =	simm.s32 $0x4000;
	s17 =	rddreg [dreg:$0x9];
	[sflag:s30] =	ssyncadd.s32 $0xFFFFC000  }
0x30: {  	[tilespmem:s18], [sflag:$0x2] =	stream.linear.gather [hbm4b:s17+s15], $0x4000, $0x38;
	[tilespmem:$0x17400] =	vst v63  }
0x31: {  	_ =	swait.ge [sflag:s30], $0x4000  }
0x32: {  	[sflag:s30] =	ssyncset.done $0x0  }
0x33: {  	s20 =	simm.s32 $0xC020;
	[sflag:s30] =	ssyncadd.s32 $0xFFFFC000  }
0x34: {  	s22 =	simm.s32 $0x4020;
	[tilespmem:s20+$0x10] =	vst v0  }
0x35: {  	s23 =	simm.s32 $0x20;
	v2 =	vld [tilespmem:s22+$0x10]  }
0x36: {  	[tilespmem:s20+$0xFFFFFFF0] =	vst v0;
	v3 =	vld [tilespmem:s23+$0x10]  }
0x37: {  	[tilespmem:s20+$0xFFFFFFE0] =	vst v0;
	v5 =	vld [tilespmem:s22+$0xFFFFFFF0]  }
0x38: {  	[tilespmem:s20+$0x0] =	vst v0;
	v4 =	vld [tilespmem:s22+$0xFFFFFFE0]  }
0x39: {  	v6 =	vld [tilespmem:s22+$0x0]  }
0x3a: {  	s26 =	simm.s32 $0xC060;
	v7 =	vld [tilespmem:s23+$0xFFFFFFE0]  }
0x3b: {  	[tilespmem:s26+$0x10] =	vst v0;
	v8 =	vld [tilespmem:s23+$0xFFFFFFF0]  }
0x3c: {  	s15 =	simm.s32 $0x4060;
	[tilespmem:s26+$0xFFFFFFF0] =	vst v0;
	v9 =	vld [tilespmem:s23+$0x0];
	v2 =	vshll.u32 v2, $0xC  }
0x3d: {  	s12 =	simm.s32 $0x8020;
	s16 =	simm.s32 $0x60;
	[tilespmem:s26+$0x0] =	vst v0;
	v10 =	vld [tilespmem:s15+$0x10];
	v2 =	vor.u32 v3, v2  }
0x3e: {  	[tilespmem:s12+$0x10] =	vst v2;
	v2 =	vshll.u32 v4, $0xC;
	v4 =	vld [tilespmem:s16+$0x10]  }
0x3f: {  	[tilespmem:s26+$0xFFFFFFE0] =	vst v0;
	v11 =	vshll.u32 v5, $0xC;
	v5 =	vld [tilespmem:s15+$0xFFFFFFF0];
	v2 =	vor.u32 v7, v2  }
0x40: {  	v6 =	vshll.u32 v6, $0xC;
	v3 =	vld [tilespmem:s15+$0xFFFFFFE0];
	v7 =	vor.u32 v8, v11;
	[tilespmem:s12+$0xFFFFFFE0] =	vst v2  }
0x41: {  	v8 =	vor.u32 v9, v6;
	v2 =	vld [tilespmem:s15+$0x0];
	[tilespmem:s12+$0xFFFFFFF0] =	vst v7  }
0x42: {  	s11 =	simm.s32 $0x0;
	s17 =	simm.s32 $0x4;
	s18 =	simm.s32 $0xC0A0;
	v6 =	vld [tilespmem:s16+$0xFFFFFFE0];
	v7 =	vshll.u32 v10, $0xC;
	[tilespmem:s12+$0x0] =	vst v8  }
.LBB2_2:
0x43: {  	[tilespmem:s18+$0x10] =	vst v0;
	v8 =	vld [tilespmem:s16+$0xFFFFFFF0];
	v4 =	vor.u32 v4, v7;
	s12 =	sadd.s32 $0x40, s12  }
0x44: {  	s17 =	sadd.s32 $0x4, s17;
	s15 =	sadd.s32 $0x40, s15;
	v7 =	vshll.u32 v5, $0xC;
	v9 =	vld [tilespmem:s16+$0x0];
	[tilespmem:s12+$0x10] =	vst v4  }
0x45: {  	p0 =	slt.u32 s17, $0x3FC;
	s16 =	sadd.s32 $0x40, s16;
	[tilespmem:s18+$0xFFFFFFF0] =	vst v0;
	v10 =	vld [tilespmem:s15+$0x10];
	v3 =	vshll.u32 v3, $0xC  }
.Ltmp0:
0x46: {  	[tilespmem:s18+$0x0] =	vst v0;
	v4 =	vld [tilespmem:s16+$0x10];
	v11 =	vshll.u32 v2, $0xC;
	(pc) =	sbr.rel @p0 .LBB2_2-.Ltmp0, $4  }
0x47: {  	[tilespmem:s18+$0xFFFFFFE0] =	vst v0;
	v5 =	vld [tilespmem:s15+$0xFFFFFFF0];
	v2 =	vor.u32 v6, v3  }
0x48: {  	v3 =	vld [tilespmem:s15+$0xFFFFFFE0];
	[tilespmem:s12+$0xFFFFFFE0] =	vst v2;
	v6 =	vor.u32 v8, v7  }
0x49: {  	v2 =	vld [tilespmem:s15+$0x0];
	[tilespmem:s12+$0xFFFFFFF0] =	vst v6;
	v8 =	vor.u32 v9, v11  }
0x4a: {  	s18 =	sadd.s32 $0x40, s18;
	v6 =	vld [tilespmem:s16+$0xFFFFFFE0];
	v7 =	vshll.u32 v10, $0xC;
	[tilespmem:s12+$0x0] =	vst v8  }
0x4b: {  	v8 =	vld [tilespmem:s16+$0xFFFFFFF0]  }
0x4c: {  	v9 =	vld [tilespmem:s16+$0x0];
	_ =	sdelay $0x1  }
0x4d: {  	v4 =	vor.u32 v4, v7;
	s12 =	sadd.s32 $0x40, s12;
	v3 =	vshll.u32 v3, $0xC  }
0x4e: {  	v5 =	vshll.u32 v5, $0xC;
	[tilespmem:s12+$0x10] =	vst v4;
	v3 =	vor.u32 v6, v3  }
0x4f: {  	v2 =	vshll.u32 v2, $0xC;
	[tilespmem:s12+$0xFFFFFFE0] =	vst v3;
	v3 =	vor.u32 v8, v5  }
0x50: {  	v2 =	vor.u32 v9, v2;
	[tilespmem:s12+$0xFFFFFFF0] =	vst v3  }
0x51: {  	s15 =	simm.s32 $0x11C20;
	[tilespmem:s12+$0x0] =	vst v2  }
0x52: {  	[tilespmem:s15+$0xFFFFFFE0] =	vst v0  }
0x53: {  	[tilespmem:s15+$0x10] =	vst v0  }
0x54: {  	s12 =	simm.s32 $0x12C20;
	[tilespmem:s15+$0x0] =	vst v0  }
.LBB2_4:
0x55: {  	s11 =	sadd.s32 $0x4, s11  }
0x56: {  	[tilespmem:s15+$0xFFFFFFF0] =	vst v0;
	s15 =	sadd.s32 $0x40, s15;
	p0 =	slt.u32 s11, $0xFC  }
.Ltmp1:
0x57: {  	[tilespmem:s15+$0xFFFFFFE0] =	vst v0;
	(pc) =	sbr.rel @p0 .LBB2_4-.Ltmp1, $3  }
0x58: {  	_ =	sdelay $0x1  }
0x59: {  	[tilespmem:s15+$0x10] =	vst v0  }
0x5a: {  	[tilespmem:s15+$0x0] =	vst v0  }
0x5b: {  	[tilespmem:s15+$0xFFFFFFF0] =	vst v0  }
0x5c: {  	[tilespmem:s12+$0xFFFFFFE0] =	vst v0  }
0x5d: {  	[tilespmem:s12+$0x10] =	vst v0  }
0x5e: {  	s11 =	simm.s32 $0x0;
	[tilespmem:s12+$0x0] =	vst v0  }
.LBB2_6:
0x5f: {  	s11 =	sadd.s32 $0x4, s11  }
0x60: {  	[tilespmem:s12+$0xFFFFFFF0] =	vst v0;
	s12 =	sadd.s32 $0x40, s12;
	p0 =	slt.u32 s11, $0xFC  }
.Ltmp2:
0x61: {  	[tilespmem:s12+$0xFFFFFFE0] =	vst v0;
	(pc) =	sbr.rel @p0 .LBB2_6-.Ltmp2, $3  }
0x62: {  	_ =	sdelay $0x1  }
0x63: {  	[tilespmem:s12+$0x10] =	vst v0  }
0x64: {  	s15 =	simm.s32 $0x20;
	[tilespmem:s12+$0x0] =	vst v0  }
0x65: {  	[tilespmem:s12+$0xFFFFFFF0] =	vst v0  }
0x66: {  	v2 =	vld [tilespmem:s15+$0x10];
	_ =	sdelay $0x1  }
0x67: {  	v3 =	vld [tilespmem:s15+$0xFFFFFFF0]  }
0x68: {  	v4 =	vld [tilespmem:s15+$0x0]  }
0x69: {  	v5 =	vld [tilespmem:s15+$0xFFFFFFE0];
	_ =	sdelay $0x3  }
0x6a: {  	s11 =	simm.s32 $0x4020;
	[tilespmem:v2+s1+$0x0] =	vst.idx.add.f32.msk $0xffff, v1  }
0x6b: {  	v2 =	vld [tilespmem:s11+$0x10]  }
0x6c: {  	[tilespmem:v3+s1+$0x0] =	vst.idx.add.f32.msk $0xffff, v1  }
0x6d: {  	[tilespmem:v4+s1+$0x0] =	vst.idx.add.f32.msk $0xffff, v1  }
0x6e: {  	[tilespmem:v5+s1+$0x0] =	vst.idx.add.f32.msk $0xffff, v1  }
0x6f: {  	v3 =	vld [tilespmem:s11+$0xFFFFFFE0]  }
0x70: {  	v4 =	vld [tilespmem:s11+$0xFFFFFFF0]  }
0x71: {  	s12 =	simm.s32 $0x0;
	s15 =	simm.s32 $0x60;
	v5 =	vld [tilespmem:s11+$0x0]  }
.LBB2_8:
0x72: {  	v6 =	vld [tilespmem:s15+$0x10];
	s12 =	sadd.s32 $0x4, s12  }
0x73: {  	p0 =	slt.u32 s12, $0x3FC;
	[tilespmem:v2+s1+$0x0] =	vst.idx.add.f32.msk $0xffff, v1  }
0x74: {  	v7 =	vld [tilespmem:s15+$0xFFFFFFF0]  }
0x75: {  	v8 =	vld [tilespmem:s15+$0x0]  }
0x76: {  	v9 =	vld [tilespmem:s15+$0xFFFFFFE0]  }
0x77: {  	[tilespmem:v3+s1+$0x0] =	vst.idx.add.f32.msk $0xffff, v1  }
0x78: {  	[tilespmem:v4+s1+$0x0] =	vst.idx.add.f32.msk $0xffff, v1  }
0x79: {  	[tilespmem:v5+s1+$0x0] =	vst.idx.add.f32.msk $0xffff, v1  }
0x7a: {  	s11 =	sadd.s32 $0x40, s11;
	[tilespmem:v6+s1+$0x0] =	vst.idx.add.f32.msk $0xffff, v1  }
0x7b: {  	v2 =	vld [tilespmem:s11+$0x10]  }
0x7c: {  	[tilespmem:v7+s1+$0x0] =	vst.idx.add.f32.msk $0xffff, v1  }
.Ltmp3:
0x7d: {  	[tilespmem:v8+s1+$0x0] =	vst.idx.add.f32.msk $0xffff, v1;
	(pc) =	sbr.rel @p0 .LBB2_8-.Ltmp3, $4  }
0x7e: {  	[tilespmem:v9+s1+$0x0] =	vst.idx.add.f32.msk $0xffff, v1  }
0x7f: {  	v3 =	vld [tilespmem:s11+$0xFFFFFFE0]  }
0x80: {  	v4 =	vld [tilespmem:s11+$0xFFFFFFF0]  }
0x81: {  	s15 =	sadd.s32 $0x40, s15;
	v5 =	vld [tilespmem:s11+$0x0]  }
0x82: {  	_ =	sdelay $0x4  }
0x83: {  	[tilespmem:v2+s1+$0x0] =	vst.idx.add.f32.msk $0xffff, v1  }
0x84: {  	[tilespmem:v3+s1+$0x0] =	vst.idx.add.f32.msk $0xffff, v1  }
0x85: {  	[tilespmem:v4+s1+$0x0] =	vst.idx.add.f32.msk $0xffff, v1  }
0x86: {  	[tilespmem:v5+s1+$0x0] =	vst.idx.add.f32.msk $0xffff, v1  }
0x87: {  	s11 =	rddreg [dreg:$0x15]  }
0x88: {  	[spmem:s11] =	stream.strided.scatter [tilespmem:s1], [sflag:$0x2], $0x1000, s0, s31, $0x38;
	[tilespmem:$0x17400] =	vst v63  }
0x89: {  	_ =	swait.ge [sflag:s30], $0x1000  }
0x8a: {  	[sflag:s30] =	ssyncset.done $0x0  }
0x8b: {  	s11 =	simm.s32 $0x11C20;
	[sflag:s30] =	ssyncadd.s32 $0xFFFFF000  }
0x8c: {  	[tilespmem:s11+$0xFFFFFFE0] =	vst v0  }
0x8d: {  	[tilespmem:s11+$0x10] =	vst v0  }
0x8e: {  	s12 =	simm.s32 $0x0;
	[tilespmem:s11+$0x0] =	vst v0  }
.LBB2_10:
0x8f: {  	s12 =	sadd.s32 $0x4, s12  }
0x90: {  	[tilespmem:s11+$0xFFFFFFF0] =	vst v0;
	s11 =	sadd.s32 $0x40, s11;
	p0 =	slt.u32 s12, $0xFC  }
.Ltmp4:
0x91: {  	[tilespmem:s11+$0xFFFFFFE0] =	vst v0;
	(pc) =	sbr.rel @p0 .LBB2_10-.Ltmp4, $3  }
0x92: {  	_ =	sdelay $0x1  }
0x93: {  	[tilespmem:s11+$0x10] =	vst v0  }
0x94: {  	[tilespmem:s11+$0x0] =	vst v0  }
0x95: {  	[tilespmem:s11+$0xFFFFFFF0] =	vst v0  }
0x96: {  	[bflag:$0x0] =	sbarrier.arrive $0xFFFF  }
0x97: {  	s17 =	rddreg [dreg:$0xa]  }
0x98: {  	[tilespmem:s3], [sflag:$0x1] =	stream.strided.gather [spmem:s17], $0x400, s0, s31, $0x38;
	[tilespmem:$0x17400] =	vst v63  }
0x99: {  	s18 =	rddreg [dreg:$0xb]  }
0x9a: {  	[tilespmem:s4], [sflag:$0x1] =	stream.strided.gather [spmem:s18], $0x400, s0, s31, $0x38;
	[tilespmem:$0x17400] =	vst v63  }
0x9b: {  	s20 =	rddreg [dreg:$0xc]  }
0x9c: {  	[tilespmem:s5], [sflag:$0x1] =	stream.strided.gather [spmem:s20], $0x400, s0, s31, $0x38;
	[tilespmem:$0x17400] =	vst v63  }
0x9d: {  	s22 =	rddreg [dreg:$0xd]  }
0x9e: {  	[tilespmem:s9], [sflag:$0x1] =	stream.strided.gather [spmem:s22], $0x400, s0, s31, $0x38;
	[tilespmem:$0x17400] =	vst v63  }
0x9f: {  	_ =	swait.ge [sflag:s21], $0x400  }
0xa0: {  	[sflag:s21] =	ssyncset.done $0x0  }
0xa1: {  	[sflag:s21] =	ssyncadd.s32 $0xFFFFFC00  }
0xa2: {  	_ =	swait.ge [sflag:s21], $0x400  }
0xa3: {  	[sflag:s21] =	ssyncset.done $0x0  }
0xa4: {  	[sflag:s21] =	ssyncadd.s32 $0xFFFFFC00  }
0xa5: {  	_ =	swait.ge [sflag:s21], $0x400  }
0xa6: {  	[sflag:s21] =	ssyncset.done $0x0  }
0xa7: {  	[sflag:s21] =	ssyncadd.s32 $0xFFFFFC00  }
0xa8: {  	_ =	swait.ge [sflag:s21], $0x400  }
0xa9: {  	[sflag:s21] =	ssyncset.done $0x0  }
0xaa: {  	s23 =	simm.s32 $0x13C20;
	[sflag:s21] =	ssyncadd.s32 $0xFFFFFC00  }
0xab: {  	s12 =	simm.s32 $0x14020;
	v2 =	vld [tilespmem:s23+$0x10]  }
0xac: {  	s15 =	simm.s32 $0x14420;
	v3 =	vld [tilespmem:s12+$0x10]  }
0xad: {  	s16 =	simm.s32 $0x14820;
	v4 =	vld [tilespmem:s15+$0x10]  }
0xae: {  	v5 =	vld [tilespmem:s16+$0x10]  }
0xaf: {  	v6 =	vld [tilespmem:s12+$0xFFFFFFE0]  }
0xb0: {  	v9 =	vld [tilespmem:s23+$0xFFFFFFF0]  }
0xb1: {  	v10 =	vld [tilespmem:s12+$0xFFFFFFF0]  }
0xb2: {  	v11 =	vld [tilespmem:s15+$0xFFFFFFF0]  }
0xb3: {  	v12 =	vld [tilespmem:s16+$0xFFFFFFF0]  }
0xb4: {  	v7 =	vld [tilespmem:s15+$0xFFFFFFE0]  }
0xb5: {  	v8 =	vld [tilespmem:s16+$0xFFFFFFE0];
	v2 =	vadd.f32 v3, v2;
	v3 =	vadd.f32 v5, v4  }
0xb6: {  	v13 =	vld [tilespmem:s23+$0x0]  }
0xb7: {  	v14 =	vld [tilespmem:s12+$0x0];
	v2 =	vadd.f32 v3, v2  }
0xb8: {  	v15 =	vld [tilespmem:s15+$0x0];
	v5 =	vadd.f32 v10, v9;
	v10 =	vadd.f32 v12, v11  }
0xb9: {  	s17 =	simm.s32 $0x14860;
	v4 =	vld [tilespmem:s16+$0x0];
	v2 =	vadd.f32 $1.000000000e+00, v2  }
0xba: {  	v58 =	vld [tilespmem:s17+$0x10];
	v5 =	vadd.f32 v10, v5  }
0xbb: {  	s11 =	simm.s32 $0x14060;
	v9 =	vld [tilespmem:s23+$0xFFFFFFE0];
	(erf) = vrcp.f32 v2  }
0xbc: {  	s26 =	simm.s32 $0x13C60;
	v11 =	vld [tilespmem:s11+$0x10];
	v5 =	vadd.f32 $1.000000000e+00, v5  }
0xbd: {  	s12 =	simm.s32 $0x14460;
	v3 =	vld [tilespmem:s26+$0x10]  }
0xbe: {  	v10 =	vld [tilespmem:s12+$0x10];
	v4 =	vadd.f32 v4, v15;
	(erf) = vrcp.f32 v5;
	v5 =	vadd.f32 v14, v13  }
0xbf: {  	v59 =	vld [tilespmem:s17+$0xFFFFFFE0];
	v7 =	vadd.f32 v8, v7  }
0xc0: {  	v16 =	vld [tilespmem:s12+$0xFFFFFFE0];
	v6 =	vadd.f32 v6, v9;
	v4 =	vadd.f32 v4, v5  }
0xc1: {  	v8 =	vld [tilespmem:s26+$0xFFFFFFF0]  }
0xc2: {  	v9 =	vld [tilespmem:s11+$0xFFFFFFF0];
	v6 =	vadd.f32 v7, v6;
	v7 =	vadd.f32 $1.000000000e+00, v4  }
0xc3: {  	v2 =	vld [tilespmem:s11+$0xFFFFFFE0];
	v3 =	vadd.f32 v11, v3;
	v5 =	vadd.f32 v58, v10  }
0xc4: {  	v11 =	vld [tilespmem:s17+$0xFFFFFFF0];
	v60 =	vadd.f32 $1.000000000e+00, v6;
	v61 =	vpop (erf);
	(erf) = vrcp.f32 v7  }
0xc5: {  	v10 =	vld [tilespmem:s12+$0xFFFFFFF0];
	v3 =	vadd.f32 v5, v3  }
0xc6: {  	v6 =	vld [tilespmem:s11+$0x0];
	(erf) = vrcp.f32 v60  }
0xc7: {  	v4 =	vld [tilespmem:s26+$0x0];
	v62 =	vadd.f32 $1.000000000e+00, v3  }
0xc8: {  	s20 =	simm.s32 $0x11820;
	v5 =	vld [tilespmem:s12+$0x0]  }
0xc9: {  	v9 =	vadd.f32 v9, v8;
	v7 =	vld [tilespmem:s17+$0x0];
	[tilespmem:s20+$0x10] =	vst v61;
	v63 =	vpop (erf);
	(erf) = vrcp.f32 v62  }
0xca: {  	s18 =	simm.s32 $0x0;
	s15 =	simm.s32 $0x4;
	s16 =	simm.s32 $0x13CA0;
	v8 =	vld [tilespmem:s26+$0xFFFFFFE0];
	v3 =	vadd.f32 v59, v16;
	v10 =	vadd.f32 v11, v10;
	[tilespmem:s20+$0xFFFFFFF0] =	vst v63  }
.LBB2_12:
0xcb: {  	v11 =	vld [tilespmem:s16+$0x10];
	s11 =	sadd.s32 $0x40, s11  }
0xcc: {  	s12 =	sadd.s32 $0x40, s12;
	v12 =	vld [tilespmem:s11+$0x10];
	v9 =	vadd.f32 v10, v9;
	v4 =	vadd.f32 v6, v4  }
0xcd: {  	s17 =	sadd.s32 $0x40, s17;
	v6 =	vld [tilespmem:s12+$0x10];
	v10 =	vpop (erf)  }
0xce: {  	s15 =	sadd.s32 $0x4, s15;
	v13 =	vld [tilespmem:s17+$0x10];
	v9 =	vadd.f32 $1.000000000e+00, v9;
	v5 =	vadd.f32 v7, v5;
	[tilespmem:s20+$0x0] =	vst v10  }
0xcf: {  	p0 =	slt.u32 s15, $0x3C;
	v7 =	vadd.f32 v2, v8;
	v2 =	vld [tilespmem:s11+$0xFFFFFFE0];
	v8 =	vpop (erf)  }
0xd0: {  	v10 =	vld [tilespmem:s12+$0xFFFFFFE0];
	v4 =	vadd.f32 v5, v4;
	(erf) = vrcp.f32 v9;
	[tilespmem:s20+$0xFFFFFFE0] =	vst v8  }
0xd1: {  	v5 =	vld [tilespmem:s17+$0xFFFFFFE0];
	v3 =	vadd.f32 v3, v7  }
0xd2: {  	s20 =	sadd.s32 $0x40, s20;
	v7 =	vld [tilespmem:s16+$0xFFFFFFF0];
	v4 =	vadd.f32 $1.000000000e+00, v4;
	v8 =	vpop (erf)  }
0xd3: {  	v11 =	vadd.f32 v12, v11;
	v9 =	vld [tilespmem:s11+$0xFFFFFFF0];
	v6 =	vadd.f32 v13, v6;
	[tilespmem:s20+$0x10] =	vst v8  }
0xd4: {  	v8 =	vadd.f32 $1.000000000e+00, v3;
	v12 =	vld [tilespmem:s12+$0xFFFFFFF0];
	(erf) = vrcp.f32 v4  }
0xd5: {  	v13 =	vld [tilespmem:s17+$0xFFFFFFF0];
	v11 =	vadd.f32 v6, v11  }
.Ltmp5:
0xd6: {  	v3 =	vadd.f32 v5, v10;
	v4 =	vld [tilespmem:s16+$0x0];
	(erf) = vrcp.f32 v8;
	(pc) =	sbr.rel @p0 .LBB2_12-.Ltmp5, $4  }
0xd7: {  	v6 =	vld [tilespmem:s11+$0x0];
	v8 =	vadd.f32 $1.000000000e+00, v11  }
0xd8: {  	v9 =	vadd.f32 v9, v7;
	v5 =	vld [tilespmem:s12+$0x0]  }
0xd9: {  	v7 =	vld [tilespmem:s17+$0x0];
	(erf) = vrcp.f32 v8;
	v11 =	vpop (erf)  }
0xda: {  	v8 =	vld [tilespmem:s16+$0xFFFFFFE0];
	v10 =	vadd.f32 v13, v12;
	s16 =	sadd.s32 $0x40, s16;
	[tilespmem:s20+$0xFFFFFFF0] =	vst v11  }
0xdb: {  	_ =	sdelay $0x2  }
0xdc: {  	v4 =	vadd.f32 v6, v4;
	v5 =	vadd.f32 v7, v5  }
0xdd: {  	v6 =	vadd.f32 v10, v9;
	v2 =	vadd.f32 v2, v8  }
0xde: {  	v4 =	vadd.f32 v5, v4  }
0xdf: {  	v5 =	vadd.f32 $1.000000000e+00, v6;
	v2 =	vadd.f32 v3, v2  }
0xe0: {  	v3 =	vadd.f32 $1.000000000e+00, v4  }
0xe1: {  	(erf) = vrcp.f32 v5;
	v2 =	vadd.f32 $1.000000000e+00, v2  }
0xe2: {  	(erf) = vrcp.f32 v3  }
0xe3: {  	(erf) = vrcp.f32 v2;
	_ =	sdelay $0x3  }
0xe4: {  	v2 =	vpop (erf)  }
0xe5: {  	v3 =	vpop (erf);
	[tilespmem:s20+$0x0] =	vst v2  }
0xe6: {  	s11 =	sadd.s32 $0x40, s20;
	v2 =	vpop (erf);
	[tilespmem:s20+$0xFFFFFFE0] =	vst v3  }
0xe7: {  	[tilespmem:s11+$0x10] =	vst v2;
	v2 =	vpop (erf)  }
0xe8: {  	[tilespmem:s11+$0xFFFFFFF0] =	vst v2;
	v2 =	vpop (erf)  }
0xe9: {  	[tilespmem:s11+$0x0] =	vst v2;
	v2 =	vpop (erf)  }
0xea: {  	s12 =	simm.s32 $0x8020;
	[tilespmem:s11+$0xFFFFFFE0] =	vst v2  }
0xeb: {  	v2 =	vld [tilespmem:s12+$0x10];
	_ =	sdelay $0x1  }
0xec: {  	v3 =	vld [tilespmem:s12+$0xFFFFFFF0]  }
0xed: {  	v4 =	vld [tilespmem:s12+$0xFFFFFFE0];
	_ =	sdelay $0x1  }
0xee: {  	v9 =	vshra.s32 v2, $0xC  }
0xef: {  	v12 =	vand.u32 $0xFFF, v2  }
0xf0: {  	v5 =	vld [tilespmem:s12+$0x0];
	v2 =	vand.u32 $0xFFF, v3  }
0xf1: {  	v7 =	vand.u32 $0xFFF, v4  }
0xf2: {  	v6 =	vshra.s32 v4, $0xC  }
0xf3: {  	v3 =	vshra.s32 v3, $0xC;
	v14 =	vld.idx.msk [tilespmem:v9+s29+$0x0], $0xffff  }
0xf4: {  	v15 =	vld.idx.msk [tilespmem:v12+s29+$0x0], $0xffff  }
0xf5: {  	v4 =	vand.u32 $0xFFF, v5;
	v5 =	vshra.s32 v5, $0xC;
	v8 =	vld.idx.msk [tilespmem:v2+s29+$0x0], $0xffff  }
0xf6: {  	v10 =	vld.idx.msk [tilespmem:v7+s29+$0x0], $0xffff  }
0xf7: {  	v13 =	vld.idx.msk [tilespmem:v6+s29+$0x0], $0xffff  }
0xf8: {  	v11 =	vld.idx.msk [tilespmem:v3+s29+$0x0], $0xffff  }
0xf9: {  	[tilespmem:v12+s1+$0x0] =	vst.idx.add.f32.msk $0xffff, v14  }
0xfa: {  	v12 =	vld.idx.msk [tilespmem:v5+s29+$0x0], $0xffff  }
0xfb: {  	[tilespmem:v9+s1+$0x0] =	vst.idx.add.f32.msk $0xffff, v15  }
0xfc: {  	s11 =	simm.s32 $0x8060;
	v9 =	vld.idx.msk [tilespmem:v4+s29+$0x0], $0xffff  }
.LBB2_14:
0xfd: {  	v14 =	vld [tilespmem:s11+$0x10]  }
0xfe: {  	s18 =	sadd.s32 $0x4, s18;
	v15 =	vld [tilespmem:s11+$0xFFFFFFF0]  }
0xff: {  	p0 =	slt.u32 s18, $0x3FC;
	v16 =	vld [tilespmem:s11+$0x0]  }
0x100: {  	v17 =	vld [tilespmem:s11+$0xFFFFFFE0]  }
0x101: {  	[tilespmem:v7+s1+$0x0] =	vst.idx.add.f32.msk $0xffff, v13  }
0x102: {  	v18 =	vshra.s32 v14, $0xC;
	[tilespmem:v6+s1+$0x0] =	vst.idx.add.f32.msk $0xffff, v10  }
0x103: {  	v14 =	vand.u32 $0xFFF, v14;
	v6 =	vshra.s32 v15, $0xC;
	[tilespmem:v2+s1+$0x0] =	vst.idx.add.f32.msk $0xffff, v11;
	v2 =	vand.u32 $0xFFF, v15  }
0x104: {  	v10 =	vshra.s32 v16, $0xC;
	v11 =	vand.u32 $0xFFF, v16;
	[tilespmem:v3+s1+$0x0] =	vst.idx.add.f32.msk $0xffff, v8;
	v3 =	vmov v6  }
0x105: {  	v6 =	vshra.s32 v17, $0xC;
	v7 =	vand.u32 $0xFFF, v17;
	[tilespmem:v4+s1+$0x0] =	vst.idx.add.f32.msk $0xffff, v12;
	v4 =	vmov v11  }
0x106: {  	[tilespmem:v5+s1+$0x0] =	vst.idx.add.f32.msk $0xffff, v9;
	v5 =	vmov v10  }
0x107: {  	v9 =	vld.idx.msk [tilespmem:v18+s29+$0x0], $0xffff  }
0x108: {  	v12 =	vld.idx.msk [tilespmem:v14+s29+$0x0], $0xffff  }
0x109: {  	v8 =	vld.idx.msk [tilespmem:v2+s29+$0x0], $0xffff  }
0x10a: {  	v10 =	vld.idx.msk [tilespmem:v7+s29+$0x0], $0xffff  }
0x10b: {  	v13 =	vld.idx.msk [tilespmem:v6+s29+$0x0], $0xffff  }
.Ltmp6:
0x10c: {  	v11 =	vld.idx.msk [tilespmem:v3+s29+$0x0], $0xffff;
	(pc) =	sbr.rel @p0 .LBB2_14-.Ltmp6, $4  }
0x10d: {  	[tilespmem:v14+s1+$0x0] =	vst.idx.add.f32.msk $0xffff, v9  }
0x10e: {  	s17 =	simm.s32 $0x0;
	[tilespmem:v18+s1+$0x0] =	vst.idx.add.f32.msk $0xffff, v12  }
0x10f: {  	v9 =	vld.idx.msk [tilespmem:v4+s29+$0x0], $0xffff  }
0x110: {  	s11 =	sadd.s32 $0x40, s11;
	v12 =	vld.idx.msk [tilespmem:v5+s29+$0x0], $0xffff  }
0x111: {  	_ =	sdelay $0x3  }
0x112: {  	[tilespmem:v7+s1+$0x0] =	vst.idx.add.f32.msk $0xffff, v13  }
0x113: {  	[tilespmem:v2+s1+$0x0] =	vst.idx.add.f32.msk $0xffff, v11  }
0x114: {  	[tilespmem:v6+s1+$0x0] =	vst.idx.add.f32.msk $0xffff, v10  }
0x115: {  	[tilespmem:v3+s1+$0x0] =	vst.idx.add.f32.msk $0xffff, v8  }
0x116: {  	[tilespmem:v4+s1+$0x0] =	vst.idx.add.f32.msk $0xffff, v12  }
0x117: {  	[tilespmem:v5+s1+$0x0] =	vst.idx.add.f32.msk $0xffff, v9  }
.LBB2_16:
0x118: {  	s11 =	rddreg [dreg:$0xe]  }
0x119: {  	[spmem:s11] =	stream.strided.scatter [tilespmem:s25], [sflag:$0x2], $0x1000, s0, s31, $0x38;
	[tilespmem:$0x17400] =	vst v63  }
0x11a: {  	_ =	swait.ge [sflag:s30], $0x1000  }
0x11b: {  	[sflag:s30] =	ssyncset.done $0x0  }
0x11c: {  	s11 =	simm.s32 $0x12C20;
	[sflag:s30] =	ssyncadd.s32 $0xFFFFF000  }
0x11d: {  	[tilespmem:s11+$0xFFFFFFE0] =	vst v0  }
0x11e: {  	[tilespmem:s11+$0x10] =	vst v0  }
0x11f: {  	s12 =	simm.s32 $0x0;
	[tilespmem:s11+$0x0] =	vst v0  }
.LBB2_17:
0x120: {  	s12 =	sadd.s32 $0x4, s12  }
0x121: {  	[tilespmem:s11+$0xFFFFFFF0] =	vst v0;
	s11 =	sadd.s32 $0x40, s11;
	p0 =	slt.u32 s12, $0xFC  }
.Ltmp7:
0x122: {  	[tilespmem:s11+$0xFFFFFFE0] =	vst v0;
	(pc) =	sbr.rel @p0 .LBB2_17-.Ltmp7, $3  }
0x123: {  	_ =	sdelay $0x1  }
0x124: {  	[tilespmem:s11+$0x10] =	vst v0  }
0x125: {  	[tilespmem:s11+$0x0] =	vst v0  }
0x126: {  	[tilespmem:s11+$0xFFFFFFF0] =	vst v0  }
0x127: {  	[bflag:$0x0] =	sbarrier.arrive $0xFFFF  }
0x128: {  	s20 =	rddreg [dreg:$0xf]  }
0x129: {  	[tilespmem:s3], [sflag:$0x1] =	stream.strided.gather [spmem:s20], $0x400, s0, s31, $0x38;
	[tilespmem:$0x17400] =	vst v63  }
0x12a: {  	s22 =	rddreg [dreg:$0x10]  }
0x12b: {  	[tilespmem:s4], [sflag:$0x1] =	stream.strided.gather [spmem:s22], $0x400, s0, s31, $0x38;
	[tilespmem:$0x17400] =	vst v63  }
0x12c: {  	s23 =	rddreg [dreg:$0x12]  }
0x12d: {  	[tilespmem:s5], [sflag:$0x1] =	stream.strided.gather [spmem:s23], $0x400, s0, s31, $0x38;
	[tilespmem:$0x17400] =	vst v63  }
0x12e: {  	s26 =	rddreg [dreg:$0x13]  }
0x12f: {  	[tilespmem:s9], [sflag:$0x1] =	stream.strided.gather [spmem:s26], $0x400, s0, s31, $0x38;
	[tilespmem:$0x17400] =	vst v63  }
0x130: {  	_ =	swait.ge [sflag:s21], $0x400  }
0x131: {  	[sflag:s21] =	ssyncset.done $0x0  }
0x132: {  	[sflag:s21] =	ssyncadd.s32 $0xFFFFFC00  }
0x133: {  	_ =	swait.ge [sflag:s21], $0x400  }
0x134: {  	[sflag:s21] =	ssyncset.done $0x0  }
0x135: {  	[sflag:s21] =	ssyncadd.s32 $0xFFFFFC00  }
0x136: {  	_ =	swait.ge [sflag:s21], $0x400  }
0x137: {  	[sflag:s21] =	ssyncset.done $0x0  }
0x138: {  	[sflag:s21] =	ssyncadd.s32 $0xFFFFFC00  }
0x139: {  	_ =	swait.ge [sflag:s21], $0x400  }
0x13a: {  	[sflag:s21] =	ssyncset.done $0x0  }
0x13b: {  	s16 =	simm.s32 $0x13C20;
	[sflag:s21] =	ssyncadd.s32 $0xFFFFFC00  }
0x13c: {  	s11 =	simm.s32 $0x14020;
	v3 =	vld [tilespmem:s16+$0x10]  }
0x13d: {  	s12 =	simm.s32 $0x14420;
	v4 =	vld [tilespmem:s11+$0x10]  }
0x13e: {  	s18 =	simm.s32 $0x14820;
	v5 =	vld [tilespmem:s12+$0x10]  }
0x13f: {  	v6 =	vld [tilespmem:s18+$0x10]  }
0x140: {  	v2 =	vld [tilespmem:s11+$0xFFFFFFE0]  }
0x141: {  	v8 =	vld [tilespmem:s12+$0xFFFFFFE0]  }
0x142: {  	s15 =	simm.s32 $0x10020;
	v10 =	vld [tilespmem:s18+$0xFFFFFFE0]  }
0x143: {  	v7 =	vld [tilespmem:s15+$0x10]  }
0x144: {  	v11 =	vld [tilespmem:s16+$0xFFFFFFF0]  }
0x145: {  	v12 =	vld [tilespmem:s11+$0xFFFFFFF0]  }
0x146: {  	v13 =	vld [tilespmem:s12+$0xFFFFFFF0]  }
0x147: {  	v14 =	vld [tilespmem:s18+$0xFFFFFFF0]  }
0x148: {  	v15 =	vld [tilespmem:s16+$0x0];
	v3 =	vadd.f32 v4, v3;
	v4 =	vadd.f32 v6, v5  }
0x149: {  	v16 =	vld [tilespmem:s11+$0x0]  }
0x14a: {  	v9 =	vld [tilespmem:s18+$0x0];
	v3 =	vadd.f32 v4, v3  }
0x14b: {  	v5 =	vld [tilespmem:s12+$0x0]  }
0x14c: {  	v17 =	vadd.f32 v3, v7;
	v7 =	vld [tilespmem:s16+$0xFFFFFFE0]  }
0x14d: {  	v11 =	vadd.f32 v12, v11;
	v63 =	vadd.f32 v14, v13;
	v6 =	vld [tilespmem:s15+$0xFFFFFFF0]  }
0x14e: {  	s20 =	simm.s32 $0x11420;
	v4 =	vld [tilespmem:s15+$0xFFFFFFE0];
	v3 =	vadd.f32 v10, v8  }
0x14f: {  	s22 =	simm.s32 $0x13C60;
	v8 =	vadd.f32 v63, v11;
	s16 =	simm.s32 $0x0;
	v11 =	vadd.f32 v16, v15;
	v10 =	vld [tilespmem:s15+$0x0];
	[tilespmem:s20+$0x10] =	vst v17  }
.LBB2_19:
0x150: {  	v12 =	vld [tilespmem:s22+$0x10];
	v5 =	vadd.f32 v9, v5;
	s11 =	sadd.s32 $0x40, s11  }
0x151: {  	s12 =	sadd.s32 $0x40, s12;
	v9 =	vld [tilespmem:s11+$0x10];
	v2 =	vadd.f32 v2, v7  }
0x152: {  	s18 =	sadd.s32 $0x40, s18;
	v7 =	vld [tilespmem:s12+$0x10];
	v5 =	vadd.f32 v5, v11  }
0x153: {  	s16 =	sadd.s32 $0x4, s16;
	v11 =	vld [tilespmem:s18+$0x10];
	v3 =	vadd.f32 v3, v2;
	v6 =	vadd.f32 v8, v6  }
0x154: {  	p0 =	slt.u32 s16, $0x3C;
	v2 =	vld [tilespmem:s11+$0xFFFFFFE0];
	v5 =	vadd.f32 v5, v10  }
0x155: {  	v8 =	vld [tilespmem:s12+$0xFFFFFFE0];
	v3 =	vadd.f32 v3, v4;
	[tilespmem:s20+$0xFFFFFFF0] =	vst v6  }
0x156: {  	s15 =	sadd.s32 $0x40, s15;
	v4 =	vld [tilespmem:s18+$0xFFFFFFE0];
	[tilespmem:s20+$0x0] =	vst v5  }
0x157: {  	v5 =	vld [tilespmem:s15+$0x10];
	[tilespmem:s20+$0xFFFFFFE0] =	vst v3  }
0x158: {  	v3 =	vadd.f32 v9, v12;
	v6 =	vld [tilespmem:s22+$0xFFFFFFF0];
	v7 =	vadd.f32 v11, v7  }
0x159: {  	v9 =	vld [tilespmem:s11+$0xFFFFFFF0]  }
0x15a: {  	v10 =	vld [tilespmem:s12+$0xFFFFFFF0];
	v7 =	vadd.f32 v7, v3  }
0x15b: {  	v3 =	vadd.f32 v4, v8;
	v4 =	vld [tilespmem:s18+$0xFFFFFFF0]  }
0x15c: {  	v11 =	vld [tilespmem:s22+$0x0];
	v7 =	vadd.f32 v7, v5  }
0x15d: {  	s20 =	sadd.s32 $0x40, s20;
	v12 =	vld [tilespmem:s11+$0x0]  }
0x15e: {  	v6 =	vadd.f32 v9, v6;
	v5 =	vld [tilespmem:s12+$0x0];
	[tilespmem:s20+$0x10] =	vst v7  }
.Ltmp8:
0x15f: {  	v9 =	vld [tilespmem:s18+$0x0];
	(pc) =	sbr.rel @p0 .LBB2_19-.Ltmp8, $4  }
0x160: {  	v7 =	vld [tilespmem:s22+$0xFFFFFFE0];
	v8 =	vadd.f32 v4, v10  }
0x161: {  	v4 =	vld [tilespmem:s15+$0xFFFFFFE0]  }
0x162: {  	v8 =	vadd.f32 v8, v6;
	v6 =	vld [tilespmem:s15+$0xFFFFFFF0];
	v11 =	vadd.f32 v12, v11  }
0x163: {  	s22 =	sadd.s32 $0x40, s22;
	v10 =	vld [tilespmem:s15+$0x0]  }
0x164: {  	v5 =	vadd.f32 v9, v5  }
0x165: {  	v2 =	vadd.f32 v2, v7  }
0x166: {  	v5 =	vadd.f32 v5, v11  }
0x167: {  	v2 =	vadd.f32 v3, v2;
	v3 =	vadd.f32 v8, v6  }
0x168: {  	v5 =	vadd.f32 v5, v10  }
0x169: {  	v2 =	vadd.f32 v2, v4;
	[tilespmem:s20+$0xFFFFFFF0] =	vst v3  }
0x16a: {  	[tilespmem:s20+$0x0] =	vst v5  }
0x16b: {  	[tilespmem:s20+$0xFFFFFFE0] =	vst v2  }
0x16c: {  	s11 =	rddreg [dreg:$0x15]  }
0x16d: {  	[spmem:s11] =	stream.strided.scatter [tilespmem:s1], [sflag:$0x2], $0x1000, s0, s31, $0x38;
	[tilespmem:$0x17400] =	vst v63  }
0x16e: {  	_ =	swait.ge [sflag:s30], $0x1000  }
0x16f: {  	[sflag:s30] =	ssyncset.done $0x0  }
0x170: {  	s11 =	simm.s32 $0x11C20;
	[sflag:s30] =	ssyncadd.s32 $0xFFFFF000  }
0x171: {  	[tilespmem:s11+$0xFFFFFFE0] =	vst v0  }
0x172: {  	[tilespmem:s11+$0x10] =	vst v0  }
0x173: {  	s12 =	simm.s32 $0x0;
	[tilespmem:s11+$0x0] =	vst v0  }
.LBB2_21:
0x174: {  	s12 =	sadd.s32 $0x4, s12  }
0x175: {  	[tilespmem:s11+$0xFFFFFFF0] =	vst v0;
	s11 =	sadd.s32 $0x40, s11;
	p0 =	slt.u32 s12, $0xFC  }
.Ltmp9:
0x176: {  	[tilespmem:s11+$0xFFFFFFE0] =	vst v0;
	(pc) =	sbr.rel @p0 .LBB2_21-.Ltmp9, $3  }
0x177: {  	_ =	sdelay $0x1  }
0x178: {  	[tilespmem:s11+$0x10] =	vst v0  }
0x179: {  	[tilespmem:s11+$0x0] =	vst v0  }
0x17a: {  	[tilespmem:s11+$0xFFFFFFF0] =	vst v0  }
0x17b: {  	[bflag:$0x0] =	sbarrier.arrive $0xFFFF  }
0x17c: {  	s20 =	rddreg [dreg:$0xa]  }
0x17d: {  	[tilespmem:s3], [sflag:$0x1] =	stream.strided.gather [spmem:s20], $0x400, s0, s31, $0x38;
	[tilespmem:$0x17400] =	vst v63  }
0x17e: {  	s22 =	rddreg [dreg:$0xb]  }
0x17f: {  	[tilespmem:s4], [sflag:$0x1] =	stream.strided.gather [spmem:s22], $0x400, s0, s31, $0x38;
	[tilespmem:$0x17400] =	vst v63  }
0x180: {  	s23 =	rddreg [dreg:$0xc]  }
0x181: {  	[tilespmem:s5], [sflag:$0x1] =	stream.strided.gather [spmem:s23], $0x400, s0, s31, $0x38;
	[tilespmem:$0x17400] =	vst v63  }
0x182: {  	s26 =	rddreg [dreg:$0xd]  }
0x183: {  	[tilespmem:s9], [sflag:$0x1] =	stream.strided.gather [spmem:s26], $0x400, s0, s31, $0x38;
	[tilespmem:$0x17400] =	vst v63  }
0x184: {  	_ =	swait.ge [sflag:s21], $0x400  }
0x185: {  	[sflag:s21] =	ssyncset.done $0x0  }
0x186: {  	[sflag:s21] =	ssyncadd.s32 $0xFFFFFC00  }
0x187: {  	_ =	swait.ge [sflag:s21], $0x400  }
0x188: {  	[sflag:s21] =	ssyncset.done $0x0  }
0x189: {  	[sflag:s21] =	ssyncadd.s32 $0xFFFFFC00  }
0x18a: {  	_ =	swait.ge [sflag:s21], $0x400  }
0x18b: {  	[sflag:s21] =	ssyncset.done $0x0  }
0x18c: {  	[sflag:s21] =	ssyncadd.s32 $0xFFFFFC00  }
0x18d: {  	_ =	swait.ge [sflag:s21], $0x400  }
0x18e: {  	[sflag:s21] =	ssyncset.done $0x0  }
0x18f: {  	s12 =	simm.s32 $0x13C20;
	[sflag:s21] =	ssyncadd.s32 $0xFFFFFC00  }
0x190: {  	s18 =	simm.s32 $0x14020;
	v2 =	vld [tilespmem:s12+$0x10]  }
0x191: {  	s20 =	simm.s32 $0x14420;
	v3 =	vld [tilespmem:s18+$0x10]  }
0x192: {  	s22 =	simm.s32 $0x14820;
	v4 =	vld [tilespmem:s20+$0x10]  }
0x193: {  	v5 =	vld [tilespmem:s22+$0x10]  }
0x194: {  	v8 =	vld [tilespmem:s18+$0xFFFFFFE0]  }
0x195: {  	v7 =	vld [tilespmem:s20+$0xFFFFFFE0]  }
0x196: {  	s23 =	simm.s32 $0x11420;
	v9 =	vld [tilespmem:s22+$0xFFFFFFE0]  }
0x197: {  	v6 =	vld [tilespmem:s23+$0x10]  }
0x198: {  	s11 =	simm.s32 $0x11820;
	v10 =	vld [tilespmem:s12+$0xFFFFFFF0]  }
0x199: {  	v11 =	vld [tilespmem:s11+$0x10]  }
0x19a: {  	v12 =	vld [tilespmem:s18+$0xFFFFFFF0]  }
0x19b: {  	v13 =	vld [tilespmem:s20+$0xFFFFFFF0]  }
0x19c: {  	v14 =	vld [tilespmem:s22+$0xFFFFFFF0]  }
0x19d: {  	v15 =	vld [tilespmem:s12+$0x0]  }
0x19e: {  	v16 =	vld [tilespmem:s18+$0x0];
	v2 =	vadd.f32 v3, v2;
	v3 =	vadd.f32 v5, v4  }
0x19f: {  	v17 =	vld [tilespmem:s22+$0x0]  }
0x1a0: {  	v4 =	vld [tilespmem:s20+$0x0];
	v2 =	vadd.f32 v3, v2  }
0x1a1: {  	v18 =	vld [tilespmem:s12+$0xFFFFFFE0]  }
0x1a2: {  	v5 =	vld [tilespmem:s23+$0xFFFFFFF0];
	v2 =	vadd.f32 v2, v6  }
0x1a3: {  	v10 =	vadd.f32 v12, v10;
	v3 =	vld [tilespmem:s23+$0xFFFFFFE0]  }
0x1a4: {  	v61 =	vadd.f32 v14, v13;
	v62 =	vadd.f32 v16, v15;
	v6 =	vld [tilespmem:s23+$0x0];
	v11 =	vmul.f32 v2, v11  }
0x1a5: {  	s12 =	simm.s32 $0x14C20;
	v63 =	vadd.f32 v17, v4;
	v4 =	vld [tilespmem:s11+$0xFFFFFFE0];
	v2 =	vadd.f32 v9, v7  }
0x1a6: {  	v9 =	vadd.f32 v61, v10;
	v7 =	vld [tilespmem:s11+$0xFFFFFFF0];
	[tilespmem:s12+$0x10] =	vst v11;
	v11 =	vadd.f32 v8, v18  }
0x1a7: {  	s15 =	simm.s32 $0x0;
	s16 =	simm.s32 $0x13C60;
	v10 =	vadd.f32 v63, v62;
	v8 =	vld [tilespmem:s11+$0x0]  }
.LBB2_23:
0x1a8: {  	v12 =	vld [tilespmem:s16+$0x10];
	v2 =	vadd.f32 v2, v11;
	v5 =	vadd.f32 v9, v5;
	s18 =	sadd.s32 $0x40, s18  }
0x1a9: {  	s20 =	sadd.s32 $0x40, s20;
	v9 =	vld [tilespmem:s18+$0x10];
	v6 =	vadd.f32 v10, v6  }
0x1aa: {  	s22 =	sadd.s32 $0x40, s22;
	v10 =	vld [tilespmem:s20+$0x10];
	v2 =	vadd.f32 v2, v3  }
0x1ab: {  	s15 =	sadd.s32 $0x4, s15;
	v3 =	vld [tilespmem:s22+$0x10];
	v5 =	vmul.f32 v5, v7  }
0x1ac: {  	p0 =	slt.u32 s15, $0x3C;
	v7 =	vld [tilespmem:s18+$0xFFFFFFE0];
	v2 =	vmul.f32 v2, v4;
	v4 =	vmul.f32 v6, v8  }
0x1ad: {  	v6 =	vld [tilespmem:s20+$0xFFFFFFE0];
	[tilespmem:s12+$0xFFFFFFF0] =	vst v5  }
0x1ae: {  	s23 =	sadd.s32 $0x40, s23;
	v5 =	vld [tilespmem:s22+$0xFFFFFFE0];
	[tilespmem:s12+$0xFFFFFFE0] =	vst v2  }
0x1af: {  	v8 =	vld [tilespmem:s23+$0x10];
	[tilespmem:s12+$0x0] =	vst v4  }
0x1b0: {  	s11 =	sadd.s32 $0x40, s11;
	v2 =	vadd.f32 v9, v12;
	v4 =	vld [tilespmem:s16+$0xFFFFFFF0];
	v3 =	vadd.f32 v3, v10  }
0x1b1: {  	v9 =	vld [tilespmem:s11+$0x10]  }
0x1b2: {  	v10 =	vld [tilespmem:s18+$0xFFFFFFF0];
	v3 =	vadd.f32 v3, v2  }
0x1b3: {  	v2 =	vadd.f32 v5, v6;
	v5 =	vld [tilespmem:s20+$0xFFFFFFF0]  }
0x1b4: {  	v6 =	vld [tilespmem:s22+$0xFFFFFFF0];
	v3 =	vadd.f32 v3, v8  }
0x1b5: {  	v8 =	vld [tilespmem:s16+$0x0]  }
0x1b6: {  	v11 =	vld [tilespmem:s18+$0x0];
	v3 =	vmul.f32 v3, v9  }
0x1b7: {  	s12 =	sadd.s32 $0x40, s12;
	v4 =	vadd.f32 v10, v4;
	v10 =	vld [tilespmem:s20+$0x0]  }
0x1b8: {  	v12 =	vld [tilespmem:s22+$0x0];
	[tilespmem:s12+$0x10] =	vst v3  }
0x1b9: {  	v13 =	vld [tilespmem:s16+$0xFFFFFFE0];
	v5 =	vadd.f32 v6, v5  }
0x1ba: {  	v3 =	vld [tilespmem:s23+$0xFFFFFFE0]  }
.Ltmp10:
0x1bb: {  	v9 =	vadd.f32 v5, v4;
	v5 =	vld [tilespmem:s23+$0xFFFFFFF0];
	v8 =	vadd.f32 v11, v8;
	(pc) =	sbr.rel @p0 .LBB2_23-.Ltmp10, $4  }
0x1bc: {  	v6 =	vld [tilespmem:s23+$0x0]  }
0x1bd: {  	v4 =	vld [tilespmem:s11+$0xFFFFFFE0];
	v10 =	vadd.f32 v12, v10  }
0x1be: {  	v11 =	vadd.f32 v7, v13;
	v7 =	vld [tilespmem:s11+$0xFFFFFFF0]  }
0x1bf: {  	s16 =	sadd.s32 $0x40, s16;
	v10 =	vadd.f32 v10, v8;
	v8 =	vld [tilespmem:s11+$0x0]  }
0x1c0: {  	v2 =	vadd.f32 v2, v11  }
0x1c1: {  	v5 =	vadd.f32 v9, v5  }
0x1c2: {  	v2 =	vadd.f32 v2, v3  }
0x1c3: {  	v3 =	vadd.f32 v10, v6;
	v5 =	vmul.f32 v5, v7  }
0x1c4: {  	v2 =	vmul.f32 v2, v4  }
0x1c5: {  	v3 =	vmul.f32 v3, v8;
	[tilespmem:s12+$0xFFFFFFF0] =	vst v5  }
0x1c6: {  	[tilespmem:s12+$0xFFFFFFE0] =	vst v2  }
0x1c7: {  	[tilespmem:s12+$0x0] =	vst v3  }
0x1c8: {  	[spmem:s28] =	stream.strided.scatter [tilespmem:s2], [sflag:$0x2], $0x400, s0, s31, $0x38;
	[tilespmem:$0x17400] =	vst v63  }
0x1c9: {  	_ =	swait.ge [sflag:s30], $0x400  }
0x1ca: {  	[sflag:s30] =	ssyncset.done $0x0  }
0x1cb: {  	[sflag:s30] =	ssyncadd.s32 $0xFFFFFC00  }
0x1cc: {  	[bflag:$0x0] =	sbarrier.arrive $0xFFFF  }
0x1cd: {  	[tilespmem:s29], [sflag:$0x2] =	stream.strided.gather [spmem:s19], $0x1000, s0, s31, $0x38;
	[tilespmem:$0x17400] =	vst v63  }
0x1ce: {  	_ =	swait.ge [sflag:s30], $0x1000  }
0x1cf: {  	[sflag:s30] =	ssyncset.done $0x0  }
0x1d0: {  	s18 =	simm.s32 $0x1;
	[sflag:s30] =	ssyncadd.s32 $0xFFFFF000  }
.LBB2_25:
0x1d1: {  	s11 =	simm.s32 $0x8020  }
0x1d2: {  	v2 =	vld [tilespmem:s11+$0x10];
	_ =	sdelay $0x1  }
0x1d3: {  	v3 =	vld [tilespmem:s11+$0xFFFFFFF0]  }
0x1d4: {  	v4 =	vld [tilespmem:s11+$0xFFFFFFE0];
	_ =	sdelay $0x1  }
0x1d5: {  	v9 =	vshra.s32 v2, $0xC  }
0x1d6: {  	v11 =	vand.u32 $0xFFF, v2  }
0x1d7: {  	v5 =	vld [tilespmem:s11+$0x0];
	v2 =	vand.u32 $0xFFF, v3  }
0x1d8: {  	v7 =	vand.u32 $0xFFF, v4  }
0x1d9: {  	v6 =	vshra.s32 v4, $0xC  }
0x1da: {  	v3 =	vshra.s32 v3, $0xC;
	v14 =	vld.idx.msk [tilespmem:v9+s29+$0x0], $0xffff  }
0x1db: {  	v15 =	vld.idx.msk [tilespmem:v11+s29+$0x0], $0xffff  }
0x1dc: {  	v4 =	vand.u32 $0xFFF, v5;
	v5 =	vshra.s32 v5, $0xC;
	v8 =	vld.idx.msk [tilespmem:v2+s29+$0x0], $0xffff  }
0x1dd: {  	v10 =	vld.idx.msk [tilespmem:v7+s29+$0x0], $0xffff  }
0x1de: {  	v13 =	vld.idx.msk [tilespmem:v6+s29+$0x0], $0xffff  }
0x1df: {  	v12 =	vld.idx.msk [tilespmem:v3+s29+$0x0], $0xffff  }
0x1e0: {  	[tilespmem:v11+s1+$0x0] =	vst.idx.add.f32.msk $0xffff, v14  }
0x1e1: {  	v11 =	vld.idx.msk [tilespmem:v5+s29+$0x0], $0xffff  }
0x1e2: {  	[tilespmem:v9+s1+$0x0] =	vst.idx.add.f32.msk $0xffff, v15  }
0x1e3: {  	s12 =	simm.s32 $0x8060;
	s11 =	simm.s32 $0x0;
	v9 =	vld.idx.msk [tilespmem:v4+s29+$0x0], $0xffff  }
.LBB2_26:
0x1e4: {  	v14 =	vld [tilespmem:s12+$0x10]  }
0x1e5: {  	s11 =	sadd.s32 $0x4, s11;
	v15 =	vld [tilespmem:s12+$0xFFFFFFF0]  }
0x1e6: {  	p0 =	slt.u32 s11, $0x3FC;
	v16 =	vld [tilespmem:s12+$0x0]  }
0x1e7: {  	v17 =	vld [tilespmem:s12+$0xFFFFFFE0]  }
0x1e8: {  	[tilespmem:v7+s1+$0x0] =	vst.idx.add.f32.msk $0xffff, v13  }
0x1e9: {  	v18 =	vshra.s32 v14, $0xC;
	[tilespmem:v6+s1+$0x0] =	vst.idx.add.f32.msk $0xffff, v10  }
0x1ea: {  	v14 =	vand.u32 $0xFFF, v14;
	v6 =	vshra.s32 v15, $0xC;
	[tilespmem:v2+s1+$0x0] =	vst.idx.add.f32.msk $0xffff, v12;
	v2 =	vand.u32 $0xFFF, v15  }
0x1eb: {  	v10 =	vshra.s32 v16, $0xC;
	v12 =	vand.u32 $0xFFF, v16;
	[tilespmem:v3+s1+$0x0] =	vst.idx.add.f32.msk $0xffff, v8;
	v3 =	vmov v6  }
0x1ec: {  	v6 =	vshra.s32 v17, $0xC;
	v7 =	vand.u32 $0xFFF, v17;
	[tilespmem:v4+s1+$0x0] =	vst.idx.add.f32.msk $0xffff, v11;
	v4 =	vmov v12  }
0x1ed: {  	[tilespmem:v5+s1+$0x0] =	vst.idx.add.f32.msk $0xffff, v9;
	v5 =	vmov v10  }
0x1ee: {  	v9 =	vld.idx.msk [tilespmem:v18+s29+$0x0], $0xffff  }
0x1ef: {  	v11 =	vld.idx.msk [tilespmem:v14+s29+$0x0], $0xffff  }
0x1f0: {  	v8 =	vld.idx.msk [tilespmem:v2+s29+$0x0], $0xffff  }
0x1f1: {  	v10 =	vld.idx.msk [tilespmem:v7+s29+$0x0], $0xffff  }
0x1f2: {  	v13 =	vld.idx.msk [tilespmem:v6+s29+$0x0], $0xffff  }
.Ltmp11:
0x1f3: {  	v12 =	vld.idx.msk [tilespmem:v3+s29+$0x0], $0xffff;
	(pc) =	sbr.rel @p0 .LBB2_26-.Ltmp11, $4  }
0x1f4: {  	[tilespmem:v14+s1+$0x0] =	vst.idx.add.f32.msk $0xffff, v9  }
0x1f5: {  	[tilespmem:v18+s1+$0x0] =	vst.idx.add.f32.msk $0xffff, v11  }
0x1f6: {  	v9 =	vld.idx.msk [tilespmem:v4+s29+$0x0], $0xffff  }
0x1f7: {  	s12 =	sadd.s32 $0x40, s12;
	v11 =	vld.idx.msk [tilespmem:v5+s29+$0x0], $0xffff  }
0x1f8: {  	_ =	sdelay $0x3  }
0x1f9: {  	[tilespmem:v7+s1+$0x0] =	vst.idx.add.f32.msk $0xffff, v13  }
0x1fa: {  	[tilespmem:v2+s1+$0x0] =	vst.idx.add.f32.msk $0xffff, v12  }
0x1fb: {  	s11 =	sshll.u32 s18, $0x10;
	[tilespmem:v6+s1+$0x0] =	vst.idx.add.f32.msk $0xffff, v10  }
0x1fc: {  	[tilespmem:v3+s1+$0x0] =	vst.idx.add.f32.msk $0xffff, v8;
	s11 =	sand.u32 $0x10000, s11  }
0x1fd: {  	s11 =	sadd.s32 s11, s7;
	[tilespmem:v4+s1+$0x0] =	vst.idx.add.f32.msk $0xffff, v11  }
0x1fe: {  	s12 =	sadd.s32 s6, s11;
	[tilespmem:v5+s1+$0x0] =	vst.idx.add.f32.msk $0xffff, v9  }
0x1ff: {  	[spmem:s12] =	stream.strided.scatter [tilespmem:s1], [sflag:$0x2], $0x1000, s0, s31, $0x38;
	[tilespmem:$0x17400] =	vst v63  }
0x200: {  	_ =	swait.ge [sflag:s30], $0x1000  }
0x201: {  	[sflag:s30] =	ssyncset.done $0x0  }
0x202: {  	s12 =	simm.s32 $0x11C20;
	[sflag:s30] =	ssyncadd.s32 $0xFFFFF000  }
0x203: {  	[tilespmem:s12+$0xFFFFFFE0] =	vst v0  }
0x204: {  	[tilespmem:s12+$0x10] =	vst v0  }
0x205: {  	s15 =	simm.s32 $0x0;
	[tilespmem:s12+$0x0] =	vst v0  }
.LBB2_28:
0x206: {  	s15 =	sadd.s32 $0x4, s15  }
0x207: {  	[tilespmem:s12+$0xFFFFFFF0] =	vst v0;
	s12 =	sadd.s32 $0x40, s12;
	p0 =	slt.u32 s15, $0xFC  }
.Ltmp12:
0x208: {  	[tilespmem:s12+$0xFFFFFFE0] =	vst v0;
	(pc) =	sbr.rel @p0 .LBB2_28-.Ltmp12, $3  }
0x209: {  	_ =	sdelay $0x1  }
0x20a: {  	[tilespmem:s12+$0x10] =	vst v0  }
0x20b: {  	[tilespmem:s12+$0x0] =	vst v0  }
0x20c: {  	[tilespmem:s12+$0xFFFFFFF0] =	vst v0;
	s11 =	sadd.s32 s8, s11  }
0x20d: {  	[bflag:$0x0] =	sbarrier.arrive $0xFFFF;
	s22 =	sadd.s32 s6, s11  }
0x20e: {  	[tilespmem:s3], [sflag:$0x1] =	stream.strided.gather [spmem:s22], $0x400, s0, s31, $0x38;
	[tilespmem:$0x17400] =	vst v63  }
0x20f: {  	s23 =	sadd.s32 s10, s11  }
0x210: {  	[tilespmem:s4], [sflag:$0x1] =	stream.strided.gather [spmem:s23], $0x400, s0, s31, $0x38;
	[tilespmem:$0x17400] =	vst v63  }
0x211: {  	s26 =	sadd.s32 s13, s11  }
0x212: {  	[tilespmem:s5], [sflag:$0x1] =	stream.strided.gather [spmem:s26], $0x400, s0, s31, $0x38;
	[tilespmem:$0x17400] =	vst v63  }
0x213: {  	s11 =	sadd.s32 s14, s11  }
0x214: {  	[tilespmem:s9], [sflag:$0x1] =	stream.strided.gather [spmem:s11], $0x400, s0, s31, $0x38;
	[tilespmem:$0x17400] =	vst v63  }
0x215: {  	_ =	swait.ge [sflag:s21], $0x400  }
0x216: {  	[sflag:s21] =	ssyncset.done $0x0  }
0x217: {  	[sflag:s21] =	ssyncadd.s32 $0xFFFFFC00  }
0x218: {  	_ =	swait.ge [sflag:s21], $0x400  }
0x219: {  	[sflag:s21] =	ssyncset.done $0x0  }
0x21a: {  	[sflag:s21] =	ssyncadd.s32 $0xFFFFFC00  }
0x21b: {  	_ =	swait.ge [sflag:s21], $0x400  }
0x21c: {  	[sflag:s21] =	ssyncset.done $0x0  }
0x21d: {  	[sflag:s21] =	ssyncadd.s32 $0xFFFFFC00  }
0x21e: {  	_ =	swait.ge [sflag:s21], $0x400  }
0x21f: {  	[sflag:s21] =	ssyncset.done $0x0  }
0x220: {  	s15 =	simm.s32 $0x13C20;
	[sflag:s21] =	ssyncadd.s32 $0xFFFFFC00  }
0x221: {  	s20 =	simm.s32 $0x14020;
	v2 =	vld [tilespmem:s15+$0x10]  }
0x222: {  	s22 =	simm.s32 $0x14420;
	v3 =	vld [tilespmem:s20+$0x10]  }
0x223: {  	s23 =	simm.s32 $0x14820;
	v4 =	vld [tilespmem:s22+$0x10]  }
0x224: {  	v5 =	vld [tilespmem:s23+$0x10]  }
0x225: {  	v8 =	vld [tilespmem:s20+$0xFFFFFFE0]  }
0x226: {  	v7 =	vld [tilespmem:s22+$0xFFFFFFE0]  }
0x227: {  	s11 =	simm.s32 $0x11420;
	v9 =	vld [tilespmem:s23+$0xFFFFFFE0]  }
0x228: {  	v6 =	vld [tilespmem:s11+$0x10]  }
0x229: {  	s12 =	simm.s32 $0x11820;
	v10 =	vld [tilespmem:s15+$0xFFFFFFF0]  }
0x22a: {  	v11 =	vld [tilespmem:s12+$0x10]  }
0x22b: {  	v12 =	vld [tilespmem:s20+$0xFFFFFFF0]  }
0x22c: {  	v13 =	vld [tilespmem:s22+$0xFFFFFFF0]  }
0x22d: {  	v14 =	vld [tilespmem:s23+$0xFFFFFFF0]  }
0x22e: {  	v15 =	vld [tilespmem:s15+$0x0]  }
0x22f: {  	v16 =	vld [tilespmem:s20+$0x0];
	v2 =	vadd.f32 v3, v2;
	v3 =	vadd.f32 v5, v4  }
0x230: {  	v17 =	vld [tilespmem:s23+$0x0]  }
0x231: {  	v4 =	vld [tilespmem:s22+$0x0];
	v2 =	vadd.f32 v3, v2  }
0x232: {  	v18 =	vld [tilespmem:s15+$0xFFFFFFE0]  }
0x233: {  	v5 =	vld [tilespmem:s11+$0xFFFFFFF0];
	v2 =	vadd.f32 v2, v6  }
0x234: {  	v10 =	vadd.f32 v12, v10;
	v3 =	vld [tilespmem:s11+$0xFFFFFFE0]  }
0x235: {  	v61 =	vadd.f32 v14, v13;
	v62 =	vadd.f32 v16, v15;
	v6 =	vld [tilespmem:s11+$0x0];
	v11 =	vmul.f32 v2, v11  }
0x236: {  	s15 =	simm.s32 $0x14C20;
	v63 =	vadd.f32 v17, v4;
	v4 =	vld [tilespmem:s12+$0xFFFFFFE0];
	v2 =	vadd.f32 v9, v7  }
0x237: {  	v9 =	vadd.f32 v61, v10;
	v7 =	vld [tilespmem:s12+$0xFFFFFFF0];
	[tilespmem:s15+$0x10] =	vst v11;
	v11 =	vadd.f32 v8, v18  }
0x238: {  	s16 =	simm.s32 $0x0;
	s26 =	simm.s32 $0x13C60;
	v10 =	vadd.f32 v63, v62;
	v8 =	vld [tilespmem:s12+$0x0]  }
.LBB2_30:
0x239: {  	v12 =	vld [tilespmem:s26+$0x10];
	v2 =	vadd.f32 v2, v11;
	v5 =	vadd.f32 v9, v5;
	s20 =	sadd.s32 $0x40, s20  }
0x23a: {  	s22 =	sadd.s32 $0x40, s22;
	v9 =	vld [tilespmem:s20+$0x10];
	v6 =	vadd.f32 v10, v6  }
0x23b: {  	s23 =	sadd.s32 $0x40, s23;
	v10 =	vld [tilespmem:s22+$0x10];
	v2 =	vadd.f32 v2, v3  }
0x23c: {  	s16 =	sadd.s32 $0x4, s16;
	v3 =	vld [tilespmem:s23+$0x10];
	v5 =	vmul.f32 v5, v7  }
0x23d: {  	p0 =	slt.u32 s16, $0x3C;
	v7 =	vld [tilespmem:s20+$0xFFFFFFE0];
	v2 =	vmul.f32 v2, v4;
	v4 =	vmul.f32 v6, v8  }
0x23e: {  	v6 =	vld [tilespmem:s22+$0xFFFFFFE0];
	[tilespmem:s15+$0xFFFFFFF0] =	vst v5  }
0x23f: {  	s11 =	sadd.s32 $0x40, s11;
	v5 =	vld [tilespmem:s23+$0xFFFFFFE0];
	[tilespmem:s15+$0xFFFFFFE0] =	vst v2  }
0x240: {  	v8 =	vld [tilespmem:s11+$0x10];
	[tilespmem:s15+$0x0] =	vst v4  }
0x241: {  	s12 =	sadd.s32 $0x40, s12;
	v2 =	vadd.f32 v9, v12;
	v4 =	vld [tilespmem:s26+$0xFFFFFFF0];
	v3 =	vadd.f32 v3, v10  }
0x242: {  	v9 =	vld [tilespmem:s12+$0x10]  }
0x243: {  	v10 =	vld [tilespmem:s20+$0xFFFFFFF0];
	v3 =	vadd.f32 v3, v2  }
0x244: {  	v2 =	vadd.f32 v5, v6;
	v5 =	vld [tilespmem:s22+$0xFFFFFFF0]  }
0x245: {  	v6 =	vld [tilespmem:s23+$0xFFFFFFF0];
	v3 =	vadd.f32 v3, v8  }
0x246: {  	v8 =	vld [tilespmem:s26+$0x0]  }
0x247: {  	v11 =	vld [tilespmem:s20+$0x0];
	v3 =	vmul.f32 v3, v9  }
0x248: {  	s15 =	sadd.s32 $0x40, s15;
	v4 =	vadd.f32 v10, v4;
	v10 =	vld [tilespmem:s22+$0x0]  }
0x249: {  	v12 =	vld [tilespmem:s23+$0x0];
	[tilespmem:s15+$0x10] =	vst v3  }
0x24a: {  	v13 =	vld [tilespmem:s26+$0xFFFFFFE0];
	v5 =	vadd.f32 v6, v5  }
0x24b: {  	v3 =	vld [tilespmem:s11+$0xFFFFFFE0]  }
.Ltmp13:
0x24c: {  	v9 =	vadd.f32 v5, v4;
	v5 =	vld [tilespmem:s11+$0xFFFFFFF0];
	v8 =	vadd.f32 v11, v8;
	(pc) =	sbr.rel @p0 .LBB2_30-.Ltmp13, $4  }
0x24d: {  	v6 =	vld [tilespmem:s11+$0x0]  }
0x24e: {  	v4 =	vld [tilespmem:s12+$0xFFFFFFE0];
	v10 =	vadd.f32 v12, v10  }
0x24f: {  	v11 =	vadd.f32 v7, v13;
	v7 =	vld [tilespmem:s12+$0xFFFFFFF0]  }
0x250: {  	s26 =	sadd.s32 $0x40, s26;
	v10 =	vadd.f32 v10, v8;
	v8 =	vld [tilespmem:s12+$0x0]  }
0x251: {  	v2 =	vadd.f32 v2, v11  }
0x252: {  	v5 =	vadd.f32 v9, v5  }
0x253: {  	v2 =	vadd.f32 v2, v3  }
0x254: {  	v3 =	vadd.f32 v10, v6;
	v5 =	vmul.f32 v5, v7  }
0x255: {  	v2 =	vmul.f32 v2, v4  }
0x256: {  	v3 =	vmul.f32 v3, v8;
	[tilespmem:s15+$0xFFFFFFF0] =	vst v5  }
0x257: {  	[tilespmem:s15+$0xFFFFFFE0] =	vst v2  }
0x258: {  	[tilespmem:s15+$0x0] =	vst v3  }
0x259: {  	[spmem:s28] =	stream.strided.scatter [tilespmem:s2], [sflag:$0x2], $0x400, s0, s31, $0x38;
	[tilespmem:$0x17400] =	vst v63  }
0x25a: {  	_ =	swait.ge [sflag:s30], $0x400  }
0x25b: {  	s18 =	sadd.s32 $0x1, s18;
	[sflag:s30] =	ssyncset.done $0x0  }
0x25c: {  	p0 =	sne.s32 s18, $0x5;
	[sflag:s30] =	ssyncadd.s32 $0xFFFFFC00  }
.Ltmp14:
0x25d: {  	[bflag:$0x0] =	sbarrier.arrive $0xFFFF;
	(pc) =	sbr.rel @p0 .LBB2_25-.Ltmp14, $4  }
0x25e: {  	[tilespmem:s29], [sflag:$0x2] =	stream.strided.gather [spmem:s19], $0x1000, s0, s31, $0x38;
	[tilespmem:$0x17400] =	vst v63  }
0x25f: {  	_ =	swait.ge [sflag:s30], $0x1000  }
0x260: {  	[sflag:s30] =	ssyncset.done $0x0  }
0x261: {  	[sflag:s30] =	ssyncadd.s32 $0xFFFFF000  }
0x262: {  	s11 =	simm.s32 $0x8020  }
0x263: {  	v2 =	vld [tilespmem:s11+$0xFFFFFFE0];
	_ =	sdelay $0x4  }
0x264: {  	v13 =	vshra.s32 v2, $0xC  }
0x265: {  	v9 =	vand.u32 $0xFFF, v2;
	_ =	sdelay $0x1  }
0x266: {  	v4 =	vld [tilespmem:s11+$0x0]  }
0x267: {  	v2 =	vld [tilespmem:s11+$0x10]  }
0x268: {  	v18 =	vld.idx.msk [tilespmem:v13+s29+$0x0], $0xffff  }
0x269: {  	v20 =	vld.idx.msk [tilespmem:v9+s29+$0x0], $0xffff  }
0x26a: {  	s18 =	simm.s32 $0xC020  }
0x26b: {  	v5 =	vld [tilespmem:s18+$0xFFFFFFE0]  }
0x26c: {  	v7 =	vld [tilespmem:s11+$0xFFFFFFF0];
	v8 =	vand.u32 $0xFFF, v4  }
0x26d: {  	v3 =	vand.u32 $0xFFF, v2  }
0x26e: {  	s26 =	simm.s32 $0x8060;
	v2 =	vshra.s32 v2, $0xC;
	v11 =	vsub.f32 v20, v18  }
0x26f: {  	v10 =	vld [tilespmem:s26+$0xFFFFFFF0];
	v4 =	vshra.s32 v4, $0xC  }
0x270: {  	v17 =	vld [tilespmem:s18+$0x10];
	v15 =	vadd.f32 v5, v11  }
0x271: {  	v6 =	vshra.s32 v7, $0xC;
	v12 =	vand.u32 $0xFFF, v7;
	v7 =	vld.idx.msk [tilespmem:v8+s29+$0x0], $0xffff  }
0x272: {  	v5 =	vld.idx.msk [tilespmem:v3+s29+$0x0], $0xffff;
	v14 =	vmax.f32 v15, $-1.000000000e+00  }
0x273: {  	v11 =	vld.idx.msk [tilespmem:v2+s29+$0x0], $0xffff;
	v16 =	vmin.f32 v14, $1.000000000e+00  }
0x274: {  	v14 =	vld.idx.msk [tilespmem:v4+s29+$0x0], $0xffff;
	v19 =	vsub.f32 v15, v16  }
0x275: {  	v22 =	vld [tilespmem:s18+$0x0]  }
0x276: {  	v24 =	vld [tilespmem:s18+$0xFFFFFFF0];
	v21 =	vsub.f32 v15, v19  }
0x277: {  	v16 =	vld.idx.msk [tilespmem:v6+s29+$0x0], $0xffff  }
0x278: {  	v23 =	vsub.f32 v5, v11;
	v15 =	vld.idx.msk [tilespmem:v12+s29+$0x0], $0xffff;
	v19 =	vsub.f32 v19, v21  }
0x279: {  	v25 =	vld [tilespmem:s26+$0xFFFFFFE0];
	v26 =	vsub.f32 v7, v14  }
0x27a: {  	[tilespmem:s18+$0xFFFFFFE0] =	vst v21;
	v21 =	vadd.f32 v17, v23;
	v17 =	vld [tilespmem:s26+$0x10];
	v27 =	vsub.f32 $0.0e+00, v19  }
0x27b: {  	[tilespmem:v9+s25+$0x0] =	vst.idx.add.f32.msk $0xffff, v19;
	v19 =	vadd.f32 v22, v26  }
0x27c: {  	v22 =	vmax.f32 v21, $-1.000000000e+00;
	[tilespmem:v13+s25+$0x0] =	vst.idx.add.f32.msk $0xffff, v27  }
0x27d: {  	v23 =	vsub.f32 v15, v16;
	v22 =	vmin.f32 v22, $1.000000000e+00;
	[tilespmem:v9+s1+$0x0] =	vst.idx.add.f32.msk $0xffff, v18;
	v18 =	vmax.f32 v19, $-1.000000000e+00  }
0x27e: {  	v22 =	vsub.f32 v21, v22;
	v9 =	vshra.s32 v25, $0xC;
	[tilespmem:v13+s1+$0x0] =	vst.idx.add.f32.msk $0xffff, v20;
	v63 =	vmin.f32 v18, $1.000000000e+00  }
0x27f: {  	s22 =	simm.s32 $0x4;
	s23 =	simm.s32 $0x80A0;
	s20 =	simm.s32 $0xC020;
	v13 =	vand.u32 $0xFFF, v25;
	v18 =	vld [tilespmem:s26+$0x0];
	v20 =	vadd.f32 v24, v23;
	v23 =	vsub.f32 v19, v63  }
.LBB2_33:
0x280: {  	v24 =	vld [tilespmem:s23+$0xFFFFFFF0];
	s22 =	sadd.s32 $0x4, s22;
	v21 =	vsub.f32 v21, v22;
	s18 =	sadd.s32 $0x40, s18  }
0x281: {  	v25 =	vand.u32 $0xFFF, v17;
	p0 =	slt.u32 s22, $0x3FC;
	v26 =	vld [tilespmem:s18+$0x10];
	v27 =	vmax.f32 v20, $-1.000000000e+00;
	v19 =	vsub.f32 v19, v23  }
0x282: {  	v17 =	vshra.s32 v17, $0xC;
	v28 =	vld [tilespmem:s18+$0xFFFFFFE0];
	v27 =	vmin.f32 v27, $1.000000000e+00;
	[tilespmem:s20+$0x10] =	vst v21;
	v21 =	vsub.f32 v22, v21  }
0x283: {  	v22 =	vld.idx.msk [tilespmem:v9+s29+$0x0], $0xffff;
	v27 =	vsub.f32 v20, v27;
	v23 =	vsub.f32 v23, v19  }
0x284: {  	v29 =	vshra.s32 v18, $0xC;
	v18 =	vand.u32 $0xFFF, v18;
	[tilespmem:v3+s25+$0x0] =	vst.idx.add.f32.msk $0xffff, v21  }
0x285: {  	v31 =	vshra.s32 v10, $0xC;
	v32 =	vand.u32 $0xFFF, v10;
	v30 =	vld.idx.msk [tilespmem:v13+s29+$0x0], $0xffff;
	v20 =	vsub.f32 v20, v27;
	[tilespmem:s20+$0x0] =	vst v19;
	v10 =	vmovc v24  }
0x286: {  	v19 =	vsub.f32 $0.0e+00, v21;
	[tilespmem:v8+s25+$0x0] =	vst.idx.add.f32.msk $0xffff, v23  }
0x287: {  	v21 =	vld.idx.msk [tilespmem:v25+s29+$0x0], $0xffff;
	[tilespmem:s20+$0xFFFFFFF0] =	vst v20;
	v20 =	vsub.f32 v27, v20;
	s20 =	smov.u32 s18  }
0x288: {  	v23 =	vsub.f32 $0.0e+00, v23;
	[tilespmem:v2+s25+$0x0] =	vst.idx.add.f32.msk $0xffff, v19  }
0x289: {  	[tilespmem:v12+s25+$0x0] =	vst.idx.add.f32.msk $0xffff, v20;
	v19 =	vsub.f32 $0.0e+00, v20  }
0x28a: {  	[tilespmem:v4+s25+$0x0] =	vst.idx.add.f32.msk $0xffff, v23  }
0x28b: {  	[tilespmem:v6+s25+$0x0] =	vst.idx.add.f32.msk $0xffff, v19  }
0x28c: {  	v19 =	vld.idx.msk [tilespmem:v18+s29+$0x0], $0xffff  }
0x28d: {  	[tilespmem:v12+s1+$0x0] =	vst.idx.add.f32.msk $0xffff, v16;
	v12 =	vmov v32  }
0x28e: {  	v16 =	vsub.f32 v30, v22;
	v20 =	vld.idx.msk [tilespmem:v29+s29+$0x0], $0xffff  }
0x28f: {  	[tilespmem:v8+s1+$0x0] =	vst.idx.add.f32.msk $0xffff, v14;
	v8 =	vmov v18  }
0x290: {  	v18 =	vadd.f32 v28, v16;
	v23 =	vld.idx.msk [tilespmem:v17+s29+$0x0], $0xffff  }
0x291: {  	[tilespmem:v6+s1+$0x0] =	vst.idx.add.f32.msk $0xffff, v15;
	v6 =	vmov v31  }
0x292: {  	v24 =	vmax.f32 v18, $-1.000000000e+00;
	[tilespmem:v4+s1+$0x0] =	vst.idx.add.f32.msk $0xffff, v7;
	v4 =	vmov v29;
	v7 =	vmov v19  }
0x293: {  	v15 =	vmin.f32 v24, $1.000000000e+00;
	[tilespmem:v3+s1+$0x0] =	vst.idx.add.f32.msk $0xffff, v11;
	v3 =	vmov v25  }
0x294: {  	v19 =	vsub.f32 v18, v15;
	v14 =	vmov v20;
	v16 =	vld.idx.msk [tilespmem:v31+s29+$0x0], $0xffff  }
0x295: {  	[tilespmem:v2+s1+$0x0] =	vst.idx.add.f32.msk $0xffff, v5;
	v2 =	vmov v17;
	v5 =	vmov v21  }
0x296: {  	v17 =	vsub.f32 v18, v19;
	v11 =	vmov v23;
	v18 =	vld [tilespmem:s18+$0x0]  }
0x297: {  	v20 =	vsub.f32 v5, v11;
	v15 =	vld.idx.msk [tilespmem:v32+s29+$0x0], $0xffff  }
0x298: {  	[tilespmem:s18+$0xFFFFFFE0] =	vst v17;
	v17 =	vsub.f32 v19, v17;
	v23 =	vld [tilespmem:s18+$0xFFFFFFF0]  }
0x299: {  	v19 =	vsub.f32 v7, v14;
	v24 =	vld [tilespmem:s23+$0xFFFFFFE0]  }
0x29a: {  	v21 =	vadd.f32 v26, v20;
	[tilespmem:v13+s25+$0x0] =	vst.idx.add.f32.msk $0xffff, v17;
	v25 =	vsub.f32 $0.0e+00, v17  }
.Ltmp15:
0x29b: {  	v17 =	vld [tilespmem:s23+$0x10];
	v19 =	vadd.f32 v18, v19;
	(pc) =	sbr.rel @p0 .LBB2_33-.Ltmp15, $4  }
0x29c: {  	v18 =	vmax.f32 v21, $-1.000000000e+00;
	[tilespmem:v9+s25+$0x0] =	vst.idx.add.f32.msk $0xffff, v25  }
0x29d: {  	v20 =	vsub.f32 v15, v16;
	v18 =	vmin.f32 v18, $1.000000000e+00;
	[tilespmem:v13+s1+$0x0] =	vst.idx.add.f32.msk $0xffff, v22;
	v13 =	vmax.f32 v19, $-1.000000000e+00  }
0x29e: {  	v22 =	vsub.f32 v21, v18;
	[tilespmem:v9+s1+$0x0] =	vst.idx.add.f32.msk $0xffff, v30;
	v9 =	vshra.s32 v24, $0xC;
	v25 =	vmin.f32 v13, $1.000000000e+00  }
0x29f: {  	v13 =	vand.u32 $0xFFF, v24;
	v20 =	vadd.f32 v23, v20;
	v18 =	vld [tilespmem:s23+$0x0];
	s23 =	sadd.s32 $0x40, s23;
	v23 =	vsub.f32 v19, v25  }
0x2a0: {  	_ =	sdelay $0x3  }
0x2a1: {  	v35 =	vld.idx.msk [tilespmem:v9+s29+$0x0], $0xffff  }
0x2a2: {  	s11 =	sadd.s32 $0x40, s18;
	v28 =	vld.idx.msk [tilespmem:v13+s29+$0x0], $0xffff  }
0x2a3: {  	v21 =	vsub.f32 v21, v22;
	v25 =	vld [tilespmem:s11+$0x10]  }
0x2a4: {  	v24 =	vand.u32 $0xFFF, v17;
	v19 =	vsub.f32 v19, v23;
	v27 =	vld [tilespmem:s11+$0xFFFFFFE0]  }
0x2a5: {  	v38 =	vshra.s32 v17, $0xC;
	v50 =	vld [tilespmem:s11+$0x0];
	v22 =	vsub.f32 v22, v21;
	[tilespmem:s20+$0x10] =	vst v21  }
0x2a6: {  	v41 =	vshra.s32 v10, $0xC;
	v53 =	vld [tilespmem:s11+$0xFFFFFFF0];
	v23 =	vsub.f32 v23, v19;
	[tilespmem:s20+$0x0] =	vst v19  }
0x2a7: {  	v44 =	vand.u32 $0xFFF, v10;
	[tilespmem:v3+s25+$0x0] =	vst.idx.add.f32.msk $0xffff, v22  }
0x2a8: {  	[tilespmem:v8+s25+$0x0] =	vst.idx.add.f32.msk $0xffff, v23  }
0x2a9: {  	v29 =	vld.idx.msk [tilespmem:v24+s29+$0x0], $0xffff  }
0x2aa: {  	v46 =	vld.idx.msk [tilespmem:v38+s29+$0x0], $0xffff  }
0x2ab: {  	v36 =	vsub.f32 $0.0e+00, v22;
	v49 =	vld.idx.msk [tilespmem:v41+s29+$0x0], $0xffff  }
0x2ac: {  	v26 =	vmax.f32 v20, $-1.000000000e+00;
	v23 =	vsub.f32 $0.0e+00, v23;
	v51 =	vld.idx.msk [tilespmem:v44+s29+$0x0], $0xffff  }
0x2ad: {  	v26 =	vmin.f32 v26, $1.000000000e+00;
	v37 =	vand.u32 $0xFFF, v18;
	v43 =	vsub.f32 v28, v35;
	[tilespmem:v2+s25+$0x0] =	vst.idx.add.f32.msk $0xffff, v36  }
0x2ae: {  	v26 =	vsub.f32 v20, v26;
	v40 =	vshra.s32 v18, $0xC;
	[tilespmem:v4+s25+$0x0] =	vst.idx.add.f32.msk $0xffff, v23  }
0x2af: {  	v45 =	vadd.f32 v27, v43;
	[tilespmem:v3+s1+$0x0] =	vst.idx.add.f32.msk $0xffff, v11  }
0x2b0: {  	v20 =	vsub.f32 v20, v26;
	[tilespmem:v8+s1+$0x0] =	vst.idx.add.f32.msk $0xffff, v14  }
0x2b1: {  	[tilespmem:v2+s1+$0x0] =	vst.idx.add.f32.msk $0xffff, v5;
	v48 =	vmax.f32 v45, $-1.000000000e+00  }
0x2b2: {  	[tilespmem:s20+$0xFFFFFFF0] =	vst v20;
	v20 =	vsub.f32 v26, v20;
	v42 =	vld.idx.msk [tilespmem:v37+s29+$0x0], $0xffff;
	v8 =	vmin.f32 v48, $1.000000000e+00  }
0x2b3: {  	v47 =	vld.idx.msk [tilespmem:v40+s29+$0x0], $0xffff;
	v30 =	vsub.f32 v29, v46;
	v8 =	vsub.f32 v45, v8  }
0x2b4: {  	[tilespmem:v12+s25+$0x0] =	vst.idx.add.f32.msk $0xffff, v20;
	v39 =	vsub.f32 $0.0e+00, v20;
	v2 =	vsub.f32 v51, v49  }
0x2b5: {  	[tilespmem:v4+s1+$0x0] =	vst.idx.add.f32.msk $0xffff, v7;
	v25 =	vadd.f32 v25, v30;
	v52 =	vsub.f32 v45, v8  }
0x2b6: {  	[tilespmem:v6+s25+$0x0] =	vst.idx.add.f32.msk $0xffff, v39;
	v2 =	vadd.f32 v53, v2  }
0x2b7: {  	[tilespmem:v12+s1+$0x0] =	vst.idx.add.f32.msk $0xffff, v16;
	v56 =	vmax.f32 v25, $-1.000000000e+00;
	v3 =	vsub.f32 v8, v52  }
0x2b8: {  	[tilespmem:v6+s1+$0x0] =	vst.idx.add.f32.msk $0xffff, v15;
	v54 =	vsub.f32 v42, v47;
	v61 =	vmax.f32 v2, $-1.000000000e+00;
	v57 =	vmin.f32 v56, $1.000000000e+00  }
0x2b9: {  	[tilespmem:s11+$0xFFFFFFE0] =	vst v52;
	v7 =	vmin.f32 v61, $1.000000000e+00;
	v5 =	vsub.f32 v25, v57;
	v58 =	vsub.f32 $0.0e+00, v3  }
0x2ba: {  	v55 =	vadd.f32 v50, v54;
	v62 =	vsub.f32 v2, v7;
	[tilespmem:v13+s25+$0x0] =	vst.idx.add.f32.msk $0xffff, v3  }
0x2bb: {  	v60 =	vsub.f32 v25, v5;
	[tilespmem:v9+s25+$0x0] =	vst.idx.add.f32.msk $0xffff, v58  }
0x2bc: {  	v59 =	vmax.f32 v55, $-1.000000000e+00;
	v2 =	vsub.f32 v2, v62;
	[tilespmem:v13+s1+$0x0] =	vst.idx.add.f32.msk $0xffff, v35  }
0x2bd: {  	v3 =	vmin.f32 v59, $1.000000000e+00;
	[tilespmem:s11+$0x10] =	vst v60  }
0x2be: {  	v3 =	vsub.f32 v55, v3;
	v5 =	vsub.f32 v5, v60;
	[tilespmem:s11+$0xFFFFFFF0] =	vst v2  }
0x2bf: {  	v2 =	vsub.f32 v62, v2;
	[tilespmem:v9+s1+$0x0] =	vst.idx.add.f32.msk $0xffff, v28  }
0x2c0: {  	v4 =	vsub.f32 v55, v3;
	[tilespmem:v24+s25+$0x0] =	vst.idx.add.f32.msk $0xffff, v5  }
0x2c1: {  	v63 =	vsub.f32 $0.0e+00, v5;
	[tilespmem:v44+s25+$0x0] =	vst.idx.add.f32.msk $0xffff, v2  }
0x2c2: {  	v2 =	vsub.f32 $0.0e+00, v2;
	[tilespmem:s11+$0x0] =	vst v4  }
0x2c3: {  	[tilespmem:v38+s25+$0x0] =	vst.idx.add.f32.msk $0xffff, v63  }
0x2c4: {  	[tilespmem:v41+s25+$0x0] =	vst.idx.add.f32.msk $0xffff, v2  }
0x2c5: {  	v3 =	vsub.f32 v3, v4;
	[tilespmem:v44+s1+$0x0] =	vst.idx.add.f32.msk $0xffff, v49  }
0x2c6: {  	s17 =	sadd.s32 $0x1, s17;
	[tilespmem:v24+s1+$0x0] =	vst.idx.add.f32.msk $0xffff, v46  }
0x2c7: {  	p0 =	sne.s32 s17, $0xA;
	[tilespmem:v37+s25+$0x0] =	vst.idx.add.f32.msk $0xffff, v3  }
.Ltmp16:
0x2c8: {  	v3 =	vsub.f32 $0.0e+00, v3;
	[tilespmem:v41+s1+$0x0] =	vst.idx.add.f32.msk $0xffff, v51;
	(pc) =	sbr.rel @p0 .LBB2_16-.Ltmp16, $4  }
0x2c9: {  	[tilespmem:v38+s1+$0x0] =	vst.idx.add.f32.msk $0xffff, v29  }
0x2ca: {  	[tilespmem:v40+s25+$0x0] =	vst.idx.add.f32.msk $0xffff, v3  }
0x2cb: {  	[tilespmem:v37+s1+$0x0] =	vst.idx.add.f32.msk $0xffff, v47  }
0x2cc: {  	[tilespmem:v40+s1+$0x0] =	vst.idx.add.f32.msk $0xffff, v42  }
0x2cd: {  	s12 =	simm.s32 $0x0  }
0x2ce: {  	v3 =	vld [tilespmem:s12+$0x10430]  }
0x2cf: {  	v4 =	vld [tilespmem:s12+$0x10400]  }
0x2d0: {  	v2 =	vimm.f32 $-Inf;
	v5 =	vld [tilespmem:s12+$0x10410]  }
0x2d1: {  	s11 =	simm.s32 $0x100;
	v7 =	vimm.f32 $-Inf;
	v8 =	vimm.f32 $-Inf;
	v9 =	vimm.f32 $-Inf;
	v6 =	vld [tilespmem:s12+$0x10420]  }
.LBB2_36:
0x2d2: {  	p0 =	sne.s32 s11, $0x3F00  }
.Ltmp17:
0x2d3: {  	s12 =	sshra.s32 s11, $0x2;
	s11 =	sadd.s32 $0x100, s11;
	v2 =	vmax.f32 v2, v3;
	(pc) =	sbr.rel @p0 .LBB2_36-.Ltmp17, $4  }
0x2d4: {  	v3 =	vld [tilespmem:s12+$0x10430];
	v7 =	vmax.f32 v7, v4  }
0x2d5: {  	v4 =	vld [tilespmem:s12+$0x10400];
	v8 =	vmax.f32 v8, v5  }
0x2d6: {  	v5 =	vld [tilespmem:s12+$0x10410];
	v9 =	vmax.f32 v9, v6  }
0x2d7: {  	v6 =	vld [tilespmem:s12+$0x10420]  }
0x2d8: {  	_ =	sdelay $0x2  }
0x2d9: {  	v2 =	vmax.f32 v2, v3  }
0x2da: {  	v3 =	vmax.f32 v7, v4;
	v62 =	vmax.f32 v8, v5;
	v63 =	vmax.f32 v9, v6  }
0x2db: {  	v3 =	vmax.f32 v3, v62;
	v2 =	vmax.f32 v63, v2  }
0x2dc: {  	v2 =	vmax.f32 v3, v2  }
0x2dd: {  	(xrf0) =	vmax.scan.msk.f32 $0xffff, v2;
	_ =	sdelay $0x5  }
0x2de: {  	v2, _, _ =	vpop (xrf0)  }
0x2df: {  	(v2sf) =	vpush v2, $0xF;
	_ =	sdelay $0xe  }
0x2e0: {  	s12 =	spop (v2sf)  }
0x2e1: {  	s15 =	simm.s32 $0x0;
	s11 =	sadd.f32 $-1.000000000e+00, s12  }
.LBB2_38:
0x2e2: {  	s17 =	simm.s32 $0x0  }
0x2e3: {  	v3 =	vld [tilespmem:s17+$0x10430]  }
0x2e4: {  	s16 =	sadd.f32 s12, s11;
	v4 =	vld [tilespmem:s17+$0x10400]  }
0x2e5: {  	v6 =	vld [tilespmem:s17+$0x10410]  }
0x2e6: {  	v8 =	vld [tilespmem:s17+$0x10420];
	s16 =	smul.f32 $5.000000000e-01, s16;
	_ =	sdelay $0x1  }
0x2e7: {  	s18 =	simm.s32 $0x40;
	v2 =	vmov s16  }
0x2e8: {  	v5 =	vld [tilespmem:s18+$0x10430];
	v9 =	vsub.f32 v3, v2  }
0x2e9: {  	v7 =	vld [tilespmem:s18+$0x10400];
	v4 =	vsub.f32 v4, v2;
	v6 =	vsub.f32 v6, v2  }
0x2ea: {  	v3 =	vimm.f32 $0.0e+00;
	v11 =	vsub.f32 v8, v2;
	v10 =	vmax.f32 v9, $0.0e+00;
	v9 =	vld [tilespmem:s18+$0x10410]  }
0x2eb: {  	v8 =	vmax.f32 v4, $0.0e+00;
	v6 =	vmax.f32 v6, $0.0e+00;
	v4 =	vadd.f32 v10, v3;
	v10 =	vld [tilespmem:s18+$0x10420]  }
0x2ec: {  	s17 =	simm.s32 $0x200;
	v11 =	vmax.f32 v11, $0.0e+00;
	v8 =	vadd.f32 v8, v3;
	v6 =	vadd.f32 v6, v3  }
.LBB2_39:
0x2ed: {  	s18 =	sshra.s32 s17, $0x2;
	p0 =	sne.s32 s17, $0x3F00;
	s17 =	sadd.s32 $0x100, s17;
	v12 =	vsub.f32 v5, v2;
	v3 =	vadd.f32 v11, v3  }
.Ltmp18:
0x2ee: {  	v5 =	vld [tilespmem:s18+$0x10430];
	v11 =	vsub.f32 v7, v2;
	(pc) =	sbr.rel @p0 .LBB2_39-.Ltmp18, $4  }
0x2ef: {  	v7 =	vld [tilespmem:s18+$0x10400];
	v13 =	vsub.f32 v9, v2;
	v12 =	vmax.f32 v12, $0.0e+00  }
0x2f0: {  	v9 =	vld [tilespmem:s18+$0x10410];
	v11 =	vmax.f32 v11, $0.0e+00;
	v14 =	vsub.f32 v10, v2;
	v4 =	vadd.f32 v12, v4  }
0x2f1: {  	v10 =	vld [tilespmem:s18+$0x10420];
	v8 =	vadd.f32 v11, v8;
	v11 =	vmax.f32 v13, $0.0e+00  }
0x2f2: {  	v6 =	vadd.f32 v11, v6;
	v11 =	vmax.f32 v14, $0.0e+00  }
0x2f3: {  	_ = 	snop  }
0x2f4: {  	v5 =	vsub.f32 v5, v2  }
0x2f5: {  	v7 =	vsub.f32 v7, v2  }
0x2f6: {  	v9 =	vsub.f32 v9, v2;
	v5 =	vmax.f32 v5, $0.0e+00;
	v2 =	vsub.f32 v10, v2  }
0x2f7: {  	v3 =	vadd.f32 v11, v3;
	v7 =	vmax.f32 v7, $0.0e+00;
	v4 =	vadd.f32 v5, v4  }
0x2f8: {  	v62 =	vadd.f32 v7, v8;
	v63 =	vmax.f32 v9, $0.0e+00;
	v2 =	vmax.f32 v2, $0.0e+00  }
0x2f9: {  	v6 =	vadd.f32 v63, v6;
	v2 =	vadd.f32 v2, v3;
	_ =	sdelay $0x1  }
0x2fa: {  	v3 =	vadd.f32 v6, v62;
	v2 =	vadd.f32 v4, v2;
	_ =	sdelay $0x1  }
0x2fb: {  	v2 =	vadd.f32 v2, v3;
	_ =	sdelay $0x1  }
0x2fc: {  	(xrf2) =	vadd.scan.msk.f32 $0xffff, v2;
	_ =	sdelay $0x9  }
0x2fd: {  	v2, _, _ =	vpop (xrf2)  }
0x2fe: {  	(v2sf) =	vpush v2, $0xF;
	_ =	sdelay $0xe  }
0x2ff: {  	s17 =	spop (v2sf)  }
0x300: {  	p0 =	sge.f32 s17, $1.000000000e+00  }
0x301: {  	s15 =	sadd.s32 $0x1, s15  }
0x302: {  	s11 =	smov.u32 @p0 s16;
	s16 =	smov.u32 @p0 s12;
	p0 =	sne.s32 s15, $0x1A  }
.Ltmp19:
0x303: {  	_ = 	snop;
	(pc) =	sbr.rel @p0 .LBB2_38-.Ltmp19, $2  }
0x304: {  	_ =	sdelay $0x2  }
0x305: {  	s12 =	smov.u32 s16  }
0x306: {  	s12 =	simm.s32 $0x0  }
0x307: {  	v4 =	vld [tilespmem:s12+$0x10430]  }
0x308: {  	v5 =	vld [tilespmem:s12+$0x10420]  }
0x309: {  	s11 =	sadd.f32 s16, s11;
	v6 =	vld [tilespmem:s12+$0x10400]  }
0x30a: {  	v14 =	vld [tilespmem:s12+$0x10410]  }
0x30b: {  	s11 =	smul.f32 $5.000000000e-01, s11;
	_ =	sdelay $0x1  }
0x30c: {  	v2 =	vmov s11  }
0x30d: {  	v3 =	vimm.f32 $0.0e+00;
	s26 =	simm.s32 $0x40;
	vm0 =	vgt.f32 v4, v2  }
0x30e: {  	v11 =	vld [tilespmem:s26+$0x10430];
	vm1 =	vgt.f32 v5, v2;
	vm14 =	vgt.f32 v6, v2;
	vm15 =	vgt.f32 v14, v2  }
0x30f: {  	v10 =	vld [tilespmem:s26+$0x10410];
	v4 =	vnsel vm0, $0x0, v4;
	v7 =	vsel vm0, $0x3F800000, v0;
	v8 =	vnsel vm1, $0x0, v5  }
0x310: {  	v13 =	vld [tilespmem:s26+$0x10420];
	v6 =	vnsel vm14, $0x0, v6;
	v12 =	vsel vm14, $0x3F800000, v0;
	v15 =	vnsel vm15, $0x0, v14  }
0x311: {  	v16 =	vsel vm15, $0x3F800000, v0;
	v5 =	vadd.f32 v7, v3;
	v7 =	vadd.f32 v8, v3  }
0x312: {  	v8 =	vsel vm1, $0x3F800000, v0;
	v9 =	vadd.f32 v6, v3;
	v6 =	vadd.f32 v12, v3;
	v12 =	vld [tilespmem:s26+$0x10400]  }
0x313: {  	s11 =	simm.s32 $0x200;
	v14 =	vimm.f32 $0.0e+00;
	v4 =	vadd.f32 v4, v3;
	v8 =	vadd.f32 v8, v3  }
.LBB2_42:
0x314: {  	s12 =	sshra.s32 s11, $0x2;
	p0 =	sne.s32 s11, $0x3F00;
	s11 =	sadd.s32 $0x100, s11;
	vm0 =	vgt.f32 v11, v2;
	v3 =	vadd.f32 v15, v3;
	v14 =	vadd.f32 v16, v14;
	v15 =	vmovc v10  }
0x315: {  	vm1 =	vgt.f32 v13, v2;
	v16 =	vnsel vm0, $0x0, v11;
	v11 =	vld [tilespmem:s12+$0x10430];
	v17 =	vsel vm0, $0x3F800000, v0  }
.Ltmp20:
0x316: {  	v10 =	vld [tilespmem:s12+$0x10410];
	v18 =	vnsel vm1, $0x0, v13;
	v4 =	vadd.f32 v16, v4;
	v5 =	vadd.f32 v17, v5;
	(pc) =	sbr.rel @p0 .LBB2_42-.Ltmp20, $4  }
0x317: {  	vm0 =	vgt.f32 v12, v2;
	v16 =	vsel vm1, $0x3F800000, v0;
	v13 =	vld [tilespmem:s12+$0x10420];
	v7 =	vadd.f32 v18, v7  }
0x318: {  	v17 =	vnsel vm0, $0x0, v12;
	v18 =	vsel vm0, $0x3F800000, v0;
	v8 =	vadd.f32 v16, v8;
	v12 =	vld [tilespmem:s12+$0x10400]  }
0x319: {  	vm0 =	vgt.f32 v15, v2;
	v9 =	vadd.f32 v17, v9;
	v6 =	vadd.f32 v18, v6  }
0x31a: {  	v15 =	vnsel vm0, $0x0, v15;
	v16 =	vsel vm0, $0x3F800000, v0  }
0x31b: {  	vm0 =	vgt.f32 v11, v2;
	v3 =	vadd.f32 v15, v3  }
0x31c: {  	v14 =	vadd.f32 v16, v14;
	vm15 =	vgt.f32 v10, v2;
	vm1 =	vgt.f32 v13, v2  }
0x31d: {  	v11 =	vnsel vm0, $0x0, v11;
	v60 =	vsel vm0, $0x3F800000, v0;
	v10 =	vnsel vm15, $0x0, v10  }
0x31e: {  	v62 =	vsel vm15, $0x3F800000, v0;
	v13 =	vnsel vm1, $0x0, v13;
	v4 =	vadd.f32 v11, v4  }
0x31f: {  	v5 =	vadd.f32 v60, v5;
	vm14 =	vgt.f32 v12, v2;
	v61 =	vsel vm1, $0x3F800000, v0  }
0x320: {  	v3 =	vadd.f32 v10, v3;
	v7 =	vadd.f32 v13, v7;
	v12 =	vnsel vm14, $0x0, v12  }
0x321: {  	v2 =	vsel vm14, $0x3F800000, v0;
	v8 =	vadd.f32 v61, v8;
	v9 =	vadd.f32 v12, v9  }
0x322: {  	v2 =	vadd.f32 v2, v6;
	v6 =	vadd.f32 v62, v14  }
0x323: {  	v4 =	vadd.f32 v4, v7;
	v3 =	vadd.f32 v3, v9  }
0x324: {  	v5 =	vadd.f32 v5, v8;
	v2 =	vadd.f32 v6, v2  }
0x325: {  	v3 =	vadd.f32 v4, v3  }
0x326: {  	v2 =	vadd.f32 v5, v2  }
0x327: {  	(xrf2) =	vadd.scan.msk.f32 $0xffff, v3  }
0x328: {  	(xrf2) =	vadd.scan.msk.f32 $0xffff, v2;
	_ =	sdelay $0x8  }
0x329: {  	v2, _, _ =	vpop (xrf2)  }
0x32a: {  	(v2sf) =	vpush v2, $0xF;
	v2, _, _ =	vpop (xrf2)  }
0x32b: {  	(v2sf) =	vpush v2, $0xF;
	_ =	sdelay $0xd  }
0x32c: {  	s11 =	spop (v2sf)  }
0x32d: {  	s12 =	spop (v2sf)  }
0x32e: {  	s12 =	smax.f32 s12, $1.000000000e+00  }
0x32f: {  	v2 =	vmov s12  }
0x330: {  	(erf) = vrcp.f32 v2;
	_ =	sdelay $0x2  }
0x331: {  	s26 =	simm.s32 $0x0  }
0x332: {  	s16 =	simm.s32 $0x30;
	s15 =	sand.u32 $0x380, s26  }
0x333: {  	s17 =	simm.s32 $0x10;
	s16 =	sand.u32 $0x70, s16;
	s15 =	sadd.s32 s15, s24  }
0x334: {  	s17 =	sand.u32 $0x50, s17;
	s16 =	sadd.s32 s16, s15  }
0x335: {  	s18 =	sadd.s32 s17, s15;
	v3 =	vld [tilespmem:s16+$0x0];
	s12 =	sand.u32 $0x40, s26  }
0x336: {  	s20 =	simm.s32 $0x20;
	v4 =	vld [tilespmem:s18+$0x0];
	s11 =	sadd.f32 $-1.000000000e+00, s11;
	s12 =	sadd.s32 s12, s15  }
0x337: {  	s22 =	sand.u32 $0x60, s20;
	v5 =	vld [tilespmem:s12+$0x0];
	v2 =	vpop (erf)  }
0x338: {  	s23 =	sadd.s32 s22, s15;
	s26 =	simm.s32 $0x40;
	v2 =	vmul.f32 s11, v2  }
0x339: {  	v6 =	vld [tilespmem:s23+$0x0];
	s18 =	simm.s32 $0x70;
	s17 =	sand.u32 $0x380, s26  }
0x33a: {  	s20 =	simm.s32 $0x50;
	s16 =	sand.u32 $0x70, s18;
	s15 =	sadd.s32 s17, s24;
	v7 =	vsub.f32 v3, v2  }
0x33b: {  	s18 =	simm.s32 $0x60;
	s17 =	sand.u32 $0x50, s20;
	s16 =	sadd.s32 s16, s15;
	v4 =	vsub.f32 v4, v2  }
0x33c: {  	s12 =	sand.u32 $0x40, s26;
	s22 =	sadd.s32 s17, s15;
	s11 =	simm.s32 $0x14C20;
	v3 =	vld [tilespmem:s16+$0x0];
	v8 =	vsub.f32 v5, v2;
	v7 =	vmax.f32 v7, $0.0e+00  }
0x33d: {  	s23 =	sand.u32 $0x60, s18;
	s26 =	sadd.s32 s12, s15;
	v5 =	vld [tilespmem:s22+$0x0];
	v63 =	vmax.f32 v4, $0.0e+00;
	[tilespmem:s11+$0x10] =	vst v7  }
0x33e: {  	s12 =	simm.s32 $0x4;
	s16 =	sadd.s32 s23, s15;
	v6 =	vsub.f32 v6, v2;
	s15 =	simm.s32 $0x80;
	v4 =	vld [tilespmem:s26+$0x0];
	v7 =	vmax.f32 v8, $0.0e+00;
	[tilespmem:s11+$0xFFFFFFF0] =	vst v63  }
.LBB2_44:
0x33f: {  	s17 =	sand.u32 $0x380, s15  }
0x340: {  	s18 =	sadd.s32 $0x30, s15;
	s12 =	sadd.s32 $0x4, s12;
	v8 =	vld [tilespmem:s16+$0x0];
	[tilespmem:s11+$0xFFFFFFE0] =	vst v7;
	v6 =	vmax.f32 v6, $0.0e+00;
	s20 =	sadd.s32 $0x20, s15  }
0x341: {  	s17 =	sadd.s32 s17, s24;
	s16 =	sand.u32 $0x70, s18;
	p0 =	slt.u32 s12, $0x3C;
	v7 =	vsub.f32 v3, v2;
	[tilespmem:s11+$0x0] =	vst v6  }
.Ltmp21:
0x342: {  	s18 =	sadd.s32 $0x10, s15;
	s16 =	sadd.s32 s16, s17;
	(pc) =	sbr.rel @p0 .LBB2_44-.Ltmp21, $4  }
0x343: {  	s20 =	sand.u32 $0x60, s20;
	s11 =	sadd.s32 $0x40, s11;
	s18 =	sand.u32 $0x50, s18;
	v3 =	vld [tilespmem:s16+$0x0];
	v6 =	vsub.f32 v5, v2;
	v5 =	vmax.f32 v7, $0.0e+00  }
0x344: {  	s22 =	sand.u32 $0x40, s15;
	s18 =	sadd.s32 s18, s17;
	s16 =	sadd.s32 s20, s17;
	v7 =	vsub.f32 v4, v2;
	[tilespmem:s11+$0x10] =	vst v5  }
0x345: {  	s17 =	sadd.s32 s22, s17;
	v5 =	vld [tilespmem:s18+$0x0];
	v9 =	vmax.f32 v6, $0.0e+00;
	v6 =	vsub.f32 v8, v2  }
0x346: {  	s15 =	sadd.s32 $0x40, s15;
	v4 =	vld [tilespmem:s17+$0x0];
	v7 =	vmax.f32 v7, $0.0e+00;
	[tilespmem:s11+$0xFFFFFFF0] =	vst v9  }
0x347: {  	v8 =	vld [tilespmem:s16+$0x0];
	_ =	sdelay $0x1  }
0x348: {  	v3 =	vsub.f32 v3, v2  }
0x349: {  	[tilespmem:s11+$0xFFFFFFE0] =	vst v7;
	v6 =	vmax.f32 v6, $0.0e+00;
	v5 =	vsub.f32 v5, v2  }
0x34a: {  	s23 =	sadd.s32 $0x40, s11;
	[tilespmem:s11+$0x0] =	vst v6;
	v3 =	vmax.f32 v3, $0.0e+00;
	v4 =	vsub.f32 v4, v2  }
0x34b: {  	[tilespmem:s23+$0x10] =	vst v3;
	v3 =	vmax.f32 v5, $0.0e+00;
	v2 =	vsub.f32 v8, v2  }
0x34c: {  	v4 =	vmax.f32 v4, $0.0e+00;
	[tilespmem:s23+$0xFFFFFFF0] =	vst v3  }
0x34d: {  	[tilespmem:s23+$0xFFFFFFE0] =	vst v4;
	v2 =	vmax.f32 v2, $0.0e+00  }
0x34e: {  	[tilespmem:s23+$0x0] =	vst v2  }
0x34f: {  	s15 =	simm.s32 $0x0;
	s11 =	rddreg [dreg:$0x11]  }
0x350: {  	[hbm4b:s11+s15] =	stream.linear.scatter [tilespmem:s2], [sflag:$0x2], $0x400, $0x38;
	[tilespmem:$0x17400] =	vst v63  }
0x351: {  	_ =	swait.ge [sflag:s30], $0x400  }
0x352: {  	s12 =	rddreg [dreg:$0x16]  }
0x353: {  	s26 =	rddreg [dreg:$0x14];
	s12 =	sadd.s32 $0x1, s12  }
0x354: {  	p0 =	sne.s32 s12, s26  }
.Ltmp22:
0x355: {  	_ = 	snop;
	(pc) =	sbr.rel @p0 .LBB2_1-.Ltmp22, $3  }
0x356: {  	_ =	sdelay $0x1  }
0x357: {  	[sflag:s30] =	ssyncset.done $0x0  }
0x358: {  	[sflag:s30] =	ssyncadd.s32 $0xFFFFFC00  }
0x359: {  	_ =	sfence.sel $0x180000  }
0x35a: {  	[bflag:$0x0] =	sbarrier.arrive $0xFFFF  }
0x35b: {  	_ =	strace $0x90000047  }
0x35c: {  	s0 =	stileid.u32;
	[bflag:$0x2] =	sbarrier.arrive $0xFFFF  }
0x35d: {  	p0 =	sne.s32 s0, $0x0;
	s0 =	rddreg [dreg:$0x5]  }
0x35e: {  	s0 =	sadd.s32 @!p0 $0x100000, s0  }
0x35f: {  	[sflag:s0] =	ssyncadd.tile.s32 @!p0 $0x1;
	_ =	shalt  }
.Lfunc_end2:
_tile_overlayer_lowered:
.L_overlay_start_2:
0x360: {  	(tag) =	ssettag $0x2  }
0x361: {  	s0 =	rddreg [dreg:$0x0];
	s2 =	stileid.u32  }
0x362: {  	s1 =	rddreg [dreg:$0x1];
	p0 =	sne.s32 s2, $0x0  }
0x363: {  	s3 =	rddreg [dreg:$0x2];
	[bflag:$0x3] =	sbarrier.arrive $0xFFFF;
	s2 =	simm.s32 @!p0 $0x1C02  }
0x364: {  	[timem:s3], [sflag:s2] =	dma.local @!p0 [hbm:s0], s1  }
0x365: {  	s0 =	simm.s32 @!p0 $0x2  }
0x366: {  	_ =	swait.ge @!p0 [sflag:s0], s1  }
0x367: {  	s1 =	ssub.s32 @!p0 $0x0, s1;
	[sflag:s0] =	ssyncset.done @!p0 $0x0  }
0x368: {  	[sflag:s0] =	ssyncadd.s32 @!p0 s1  }
0x369: {  	[bflag:$0x3] =	sbarrier.arrive $0xFFFF  }
0x36a: {  	_ =	shalt  }

</sc_bundles>
